<compile_context>
chip_gen: v7x
topology: tpu7x:2x2x1
jax: 0.10.2.dev20260603
libtpu: 0.0.44.dev20260713+nightly
codegen_flags: <defaults>
</compile_context>

<pallas_src>
import functools

import jax
import jax.numpy as jnp
from jax import lax
from jax.experimental import pallas as pl
from jax.experimental.pallas import tpu as pltpu
from jax.experimental.pallas import tpu_sc as plsc

_CH = 32768
_QPP = 4
_NPLANES = 104
_NW = 32
_QPW = _NPLANES * _QPP // _NW
_L = 16


def _sc_body(ptab_hbm, z_hbm, o_hbm, ptab_v, buf, sems):
    wid = lax.axis_index("s") * 2 + lax.axis_index("c")
    pltpu.sync_copy(ptab_hbm, ptab_v)

    def compute_chunk(b, q):
        base = (q // _QPP) * 4 * _L
        C2 = ptab_v[pl.ds(base, _L)]
        D2 = ptab_v[pl.ds(base + _L, _L)]
        P = ptab_v[pl.ds(base + 2 * _L, _L)]
        Q = ptab_v[pl.ds(base + 3 * _L, _L)]

        def step(i, carry):
            x = buf[b, pl.ds(i * _L, _L)]
            u = jnp.exp(x * C2 - D2)
            buf[b, pl.ds(i * _L, _L)] = P - Q / (u + 1.0)
            return carry

        lax.fori_loop(0, _CH // _L, step, 0)

    q0 = wid * _QPW
    pltpu.async_copy(
        z_hbm.at[pl.ds(q0 * _CH, _CH)], buf.at[0], sems.at[0]).wait()
    for j in range(_QPW):
        b = j % 2
        q = q0 + j
        if j + 1 < _QPW:
            nxt = pltpu.async_copy(
                z_hbm.at[pl.ds((q + 1) * _CH, _CH)], buf.at[1 - b],
                sems.at[1 - b])
        compute_chunk(b, q)
        pltpu.async_copy(
            buf.at[b], o_hbm.at[pl.ds(q * _CH, _CH)], sems.at[b]).wait()
        if j + 1 < _QPW:
            nxt.wait()


@functools.partial(jax.jit, static_argnames=("interpret",))
def kernel(z, Mask, eta_table, interpret=False):
    del interpret
    M, N, S, F = z.shape
    E = M * F * N * S
    zt = jnp.transpose(z, (0, 3, 1, 2)).reshape(E)
    eta = jnp.take(eta_table, Mask.reshape(M * F), axis=0)
    e0, e1, e2, e3 = (eta[:, k] for k in range(4))
    params = jnp.stack([2.0 * e3, 2.0 * e2 * e3, -e0 - e1, -2.0 * e1], axis=1)
    ptab = jnp.broadcast_to(params[:, :, None],
                            (_NPLANES, 4, _L)).reshape(_NPLANES * 4 * _L)
    mesh = plsc.VectorSubcoreMesh(core_axis_name="c", subcore_axis_name="s")
    out = pl.kernel(
        _sc_body,
        mesh=mesh,
        out_type=jax.ShapeDtypeStruct((E,), jnp.float32),
        scratch_types=[
            pltpu.VMEM((_NPLANES * 4 * _L,), jnp.float32),
            pltpu.VMEM((2, _CH), jnp.float32),
            pltpu.SemaphoreType.DMA((2,)),
        ],
    )(ptab, zt)
    return out.reshape(M, F, N, S).transpose(0, 2, 3, 1)

# --- scband reference (transcript-rebuilt; emitter-appended) ---
"""Pipeline reference for scband-inv-rt-45406394253466 (READ-ONLY COPY).

The authoritative reference and input builder live on the scoring server;
editing this copy changes nothing except your own understanding.
"""

import jax, jax.numpy as jnp
import numpy as np

ETA = [[-0.044411, -0.95086, -0.0169, -142.23],
       [0.83907, -1.0, 0.0, 2.0978e-17],
       [-0.60647, -1.0, 0.0, 1.0867e-08],
       [-0.99992, -1.0, 0.0, -4.5596e-18],
       [0.83907, -1.0, 0.0, -1.8533e-17],
       [31.485, 0.0028551, -0.09998, 6.3016],
       [-1.0, -1.0, 0.0, 4.407e-16],
       [183.07, -183.94, -83.575, 0.042966],
       [-0.60647, -1.0, 0.0, 1.0867e-08],
       [0.12159, -0.73578, -0.079441, 3.109],
       [0.83907, -1.0, 0.0, 2.0978e-17],
       [-0.99992, -1.0, 0.0, -4.5596e-18],
       [0.76517, -0.0080291, 0.63714, 1.2184],
       [0.83907, -1.0, 0.0, 2.0978e-17],
       [0.83907, -1.0, 0.0, -1.8533e-17],
       [-1.0, -1.0, 0.0, 4.407e-16],
       [1.0, -1.0, 0.0, 4.4982e-16],
       [-0.045913, -0.72633, 0.073493, 10.507],
       [-0.99992, -1.0, 0.0, -4.5596e-18]]


def setup_inputs(seed: int = 0) -> dict:
    key = jax.random.key(seed)
    k1, k2 = jax.random.split(key)
    z = jax.random.normal(k1, (4, 1024, 128, 26), dtype=jnp.float32)
    Mask = jax.random.randint(k2, (4, 26), 0, 19)
    eta_table = jnp.array(ETA, dtype=jnp.float32)  # [19, 4] fault-parameter table
    return {"z": z, "Mask": Mask, "eta_table": eta_table}


def reference(z, Mask, eta_table):
    # Gather per-(mask-config, device-column) fault params: embedding lookup into the 19x4 table.
    # Equivalent to the original per-column loop:
    #   out[m, :, :, f] = -(e0 + e1 * tanh((z[m, :, :, f] - e2) * e3))  with e = eta_table[Mask[m, f]]
    eta = jnp.take(eta_table, Mask, axis=0)          # [M, F, 4]
    e0 = eta[..., 0][:, None, None, :]               # [M, 1, 1, F]
    e1 = eta[..., 1][:, None, None, :]
    e2 = eta[..., 2][:, None, None, :]
    e3 = eta[..., 3][:, None, None, :]
    out = -(e0 + e1 * jnp.tanh((z - e2) * e3))       # [M, N, S, F]
    return out

if __name__ == "__main__":
    import jax
    _d = setup_inputs()
    print(jax.jit(kernel)(*tuple(_d.values())))

</pallas_src>

<mosaic_0001>
#map = affine_map<(d0, d1) -> (0)>
module attributes {stable_mosaic.version = 14 : i64} {
  func.func @_sc_body(%arg0: i32, %arg1: i32, %arg2: memref<6656xf32, #tpu.memory_space<hbm>>, %arg3: memref<13631488xf32, #tpu.memory_space<hbm>>, %arg4: memref<13631488xf32, #tpu.memory_space<hbm>>, %arg5: memref<6656xf32, #tpu.memory_space<vmem>>, %arg6: memref<2x32768xf32, #tpu.memory_space<vmem>>, %arg7: memref<2x!tpu.dma_semaphore, #tpu.memory_space<semaphore_mem>>) attributes {dimension_semantics = [#tpu.dimension_semantics<core_parallel>, #tpu.dimension_semantics<subcore_parallel>], iteration_bounds = array<i64: 2, 16>, scalar_prefetch = 0 : i64, scratch_operands = 3 : i64, tpu.core_type = #tpu.core_type<sc_vector_subcore>, window_params = [{transform_indices = #map}, {transform_indices = #map}, {transform_indices = #map}]} {
    %mul3A = arith.constant 2 : i32
    %mul3A_0 = arith.muli %arg1, %mul3A : i32
    %add3A = arith.addi %mul3A_0, %arg0 : i32
    "tpu.region"() ({
      %run_scoped3A = tpu.sem_alloc : memref<!tpu.dma_semaphore, #tpu.memory_space<semaphore_mem>>
      tpu.enqueue_dma source(%arg2 : memref<6656xf32, #tpu.memory_space<hbm>>) target(%arg5 : memref<6656xf32, #tpu.memory_space<vmem>>) target_semaphore(%run_scoped3A : memref<!tpu.dma_semaphore, #tpu.memory_space<semaphore_mem>>)
      tpu.wait_dma2 semaphore(%run_scoped3A : memref<!tpu.dma_semaphore, #tpu.memory_space<semaphore_mem>>) src(%arg2 : memref<6656xf32, #tpu.memory_space<hbm>>) dst(%arg5 : memref<6656xf32, #tpu.memory_space<vmem>>)
      tpu.yield
    }) : () -> ()
    %mul3A_1 = arith.constant 13 : i32
    %mul3A_2 = arith.muli %add3A, %mul3A_1 : i32
    %mul3A_3 = arith.constant 32768 : i32
    %mul3A_4 = arith.muli %mul3A_2, %mul3A_3 : i32
    %dma_start3A = arith.constant 0 : i32
    %dma_start3A_5 = arith.constant 0 : i32
    %dma_start3A_6 = arith.constant 0 : i32
    %dma_start3A_7 = tpu.memref_slice %arg6[%dma_start3A, %dma_start3A_6] : memref<2x32768xf32, #tpu.memory_space<vmem>> -> memref<1x32768xf32, #tpu.memory_space<vmem>>
    %dma_start3A_8 = tpu.memref_squeeze %dma_start3A_7 : memref<1x32768xf32, #tpu.memory_space<vmem>> -> memref<32768xf32, #tpu.memory_space<vmem>>
    %dma_start3A_9 = tpu.memref_slice %arg3[%mul3A_4] : memref<13631488xf32, #tpu.memory_space<hbm>> -> memref<32768xf32, #tpu.memory_space<hbm>>
    %dma_start3A_10 = tpu.memref_slice %arg7[%dma_start3A_5] : memref<2x!tpu.dma_semaphore, #tpu.memory_space<semaphore_mem>> -> memref<1x!tpu.dma_semaphore, #tpu.memory_space<semaphore_mem>>
    %dma_start3A_11 = tpu.memref_squeeze %dma_start3A_10 : memref<1x!tpu.dma_semaphore, #tpu.memory_space<semaphore_mem>> -> memref<!tpu.dma_semaphore, #tpu.memory_space<semaphore_mem>>
    %dma_start3A_12 = arith.constant 0 : i32
    %dma_start3A_13 = tpu.memref_slice %arg6[%dma_start3A, %dma_start3A_12] : memref<2x32768xf32, #tpu.memory_space<vmem>> -> memref<1x32768xf32, #tpu.memory_space<vmem>>
    %dma_start3A_14 = tpu.memref_squeeze %dma_start3A_13 : memref<1x32768xf32, #tpu.memory_space<vmem>> -> memref<32768xf32, #tpu.memory_space<vmem>>
    %dma_start3A_15 = tpu.memref_slice %arg3[%mul3A_4] : memref<13631488xf32, #tpu.memory_space<hbm>> -> memref<32768xf32, #tpu.memory_space<hbm>>
    tpu.enqueue_dma source(%dma_start3A_15 : memref<32768xf32, #tpu.memory_space<hbm>>) target(%dma_start3A_14 : memref<32768xf32, #tpu.memory_space<vmem>>) target_semaphore(%dma_start3A_11 : memref<!tpu.dma_semaphore, #tpu.memory_space<semaphore_mem>>)
    %dma_wait3A = arith.constant 0 : i32
    %dma_wait3A_16 = arith.constant 0 : i32
    %dma_wait3A_17 = arith.constant 0 : i32
    %dma_wait3A_18 = tpu.memref_slice %arg6[%dma_wait3A, %dma_wait3A_17] : memref<2x32768xf32, #tpu.memory_space<vmem>> -> memref<1x32768xf32, #tpu.memory_space<vmem>>
    %dma_wait3A_19 = tpu.memref_squeeze %dma_wait3A_18 : memref<1x32768xf32, #tpu.memory_space<vmem>> -> memref<32768xf32, #tpu.memory_space<vmem>>
    %dma_wait3A_20 = tpu.memref_slice %arg3[%mul3A_4] : memref<13631488xf32, #tpu.memory_space<hbm>> -> memref<32768xf32, #tpu.memory_space<hbm>>
    %dma_wait3A_21 = tpu.memref_slice %arg7[%dma_wait3A_16] : memref<2x!tpu.dma_semaphore, #tpu.memory_space<semaphore_mem>> -> memref<1x!tpu.dma_semaphore, #tpu.memory_space<semaphore_mem>>
    %dma_wait3A_22 = tpu.memref_squeeze %dma_wait3A_21 : memref<1x!tpu.dma_semaphore, #tpu.memory_space<semaphore_mem>> -> memref<!tpu.dma_semaphore, #tpu.memory_space<semaphore_mem>>
    %dma_wait3A_23 = arith.constant 0 : i32
    %dma_wait3A_24 = tpu.memref_slice %arg6[%dma_wait3A, %dma_wait3A_23] : memref<2x32768xf32, #tpu.memory_space<vmem>> -> memref<1x32768xf32, #tpu.memory_space<vmem>>
    %dma_wait3A_25 = tpu.memref_squeeze %dma_wait3A_24 : memref<1x32768xf32, #tpu.memory_space<vmem>> -> memref<32768xf32, #tpu.memory_space<vmem>>
    %dma_wait3A_26 = tpu.memref_slice %arg3[%mul3A_4] : memref<13631488xf32, #tpu.memory_space<hbm>> -> memref<32768xf32, #tpu.memory_space<hbm>>
    tpu.wait_dma2 semaphore(%dma_wait3A_22 : memref<!tpu.dma_semaphore, #tpu.memory_space<semaphore_mem>>) src(%dma_wait3A_26 : memref<32768xf32, #tpu.memory_space<hbm>>) dst(%dma_wait3A_25 : memref<32768xf32, #tpu.memory_space<vmem>>)
    %add3A_27 = arith.constant 0 : i32
    %add3A_28 = arith.addi %mul3A_2, %add3A_27 : i32
    %add3A_29 = arith.constant 1 : i32
    %add3A_30 = arith.addi %add3A_28, %add3A_29 : i32
    %mul3A_31 = arith.constant 32768 : i32
    %mul3A_32 = arith.muli %add3A_30, %mul3A_31 : i32
    %dma_start3A_33 = arith.constant 1 : i32
    %dma_start3A_34 = arith.constant 1 : i32
    %dma_start3A_35 = arith.constant 0 : i32
    %dma_start3A_36 = tpu.memref_slice %arg6[%dma_start3A_33, %dma_start3A_35] : memref<2x32768xf32, #tpu.memory_space<vmem>> -> memref<1x32768xf32, #tpu.memory_space<vmem>>
    %dma_start3A_37 = tpu.memref_squeeze %dma_start3A_36 : memref<1x32768xf32, #tpu.memory_space<vmem>> -> memref<32768xf32, #tpu.memory_space<vmem>>
    %dma_start3A_38 = tpu.memref_slice %arg3[%mul3A_32] : memref<13631488xf32, #tpu.memory_space<hbm>> -> memref<32768xf32, #tpu.memory_space<hbm>>
    %dma_start3A_39 = tpu.memref_slice %arg7[%dma_start3A_34] : memref<2x!tpu.dma_semaphore, #tpu.memory_space<semaphore_mem>> -> memref<1x!tpu.dma_semaphore, #tpu.memory_space<semaphore_mem>>
    %dma_start3A_40 = tpu.memref_squeeze %dma_start3A_39 : memref<1x!tpu.dma_semaphore, #tpu.memory_space<semaphore_mem>> -> memref<!tpu.dma_semaphore, #tpu.memory_space<semaphore_mem>>
    %dma_start3A_41 = arith.constant 0 : i32
    %dma_start3A_42 = tpu.memref_slice %arg6[%dma_start3A_33, %dma_start3A_41] : memref<2x32768xf32, #tpu.memory_space<vmem>> -> memref<1x32768xf32, #tpu.memory_space<vmem>>
    %dma_start3A_43 = tpu.memref_squeeze %dma_start3A_42 : memref<1x32768xf32, #tpu.memory_space<vmem>> -> memref<32768xf32, #tpu.memory_space<vmem>>
    %dma_start3A_44 = tpu.memref_slice %arg3[%mul3A_32] : memref<13631488xf32, #tpu.memory_space<hbm>> -> memref<32768xf32, #tpu.memory_space<hbm>>
    tpu.enqueue_dma source(%dma_start3A_44 : memref<32768xf32, #tpu.memory_space<hbm>>) target(%dma_start3A_43 : memref<32768xf32, #tpu.memory_space<vmem>>) target_semaphore(%dma_start3A_40 : memref<!tpu.dma_semaphore, #tpu.memory_space<semaphore_mem>>)
    %jit3A = arith.constant 4 : i32
    %div3A = arith.divsi %add3A_28, %jit3A : i32
    %sign3A = arith.constant 0 : i32
    %sign3A_45 = arith.cmpi sgt, %add3A_28, %sign3A : i32
    %sign3A_46 = arith.extui %sign3A_45 : i1 to i32
    %sign3A_47 = arith.constant 0 : i32
    %sign3A_48 = arith.cmpi slt, %add3A_28, %sign3A_47 : i32
    %sign3A_49 = arith.extui %sign3A_48 : i1 to i32
    %sign3A_50 = arith.subi %sign3A_46, %sign3A_49 : i32
    %sign3A_51 = arith.constant 0 : i32
    %sign3A_52 = arith.cmpi sgt, %jit3A, %sign3A_51 : i32
    %sign3A_53 = arith.extui %sign3A_52 : i1 to i32
    %sign3A_54 = arith.constant 0 : i32
    %sign3A_55 = arith.cmpi slt, %jit3A, %sign3A_54 : i32
    %sign3A_56 = arith.extui %sign3A_55 : i1 to i32
    %sign3A_57 = arith.subi %sign3A_53, %sign3A_56 : i32
    %ne3A = arith.cmpi ne, %sign3A_50, %sign3A_57 : i32
    %rem3A = arith.remsi %add3A_28, %jit3A : i32
    %ne3A_58 = arith.constant 0 : i32
    %ne3A_59 = arith.cmpi ne, %rem3A, %ne3A_58 : i32
    %and3A = arith.andi %ne3A, %ne3A_59 : i1
    %sub3A = arith.constant 1 : i32
    %sub3A_60 = arith.subi %div3A, %sub3A : i32
    %select_n3A = arith.select %and3A, %sub3A_60, %div3A : i32
    %mul3A_61 = arith.constant 4 : i32
    %mul3A_62 = arith.muli %select_n3A, %mul3A_61 : i32
    %mul3A_63 = arith.constant 16 : i32
    %mul3A_64 = arith.muli %mul3A_62, %mul3A_63 : i32
    %get3A = arith.index_cast %mul3A_64 : i32 to index
    %get3A_65 = tpu.vector_load %arg5[%get3A] {strides = array<i32>} : memref<6656xf32, #tpu.memory_space<vmem>>, vector<16xf32>,
    %get3A_66 = vector.shape_cast %get3A_65 : vector<16xf32> to vector<16xf32>
    %add3A_67 = arith.constant 16 : i32
    %add3A_68 = arith.addi %mul3A_64, %add3A_67 : i32
    %get3A_69 = arith.index_cast %add3A_68 : i32 to index
    %get3A_70 = tpu.vector_load %arg5[%get3A_69] {strides = array<i32>} : memref<6656xf32, #tpu.memory_space<vmem>>, vector<16xf32>,
    %get3A_71 = vector.shape_cast %get3A_70 : vector<16xf32> to vector<16xf32>
    %add3A_72 = arith.constant 32 : i32
    %add3A_73 = arith.addi %mul3A_64, %add3A_72 : i32
    %get3A_74 = arith.index_cast %add3A_73 : i32 to index
    %get3A_75 = tpu.vector_load %arg5[%get3A_74] {strides = array<i32>} : memref<6656xf32, #tpu.memory_space<vmem>>, vector<16xf32>,
    %get3A_76 = vector.shape_cast %get3A_75 : vector<16xf32> to vector<16xf32>
    %add3A_77 = arith.constant 48 : i32
    %add3A_78 = arith.addi %mul3A_64, %add3A_77 : i32
    %get3A_79 = arith.index_cast %add3A_78 : i32 to index
    %get3A_80 = tpu.vector_load %arg5[%get3A_79] {strides = array<i32>} : memref<6656xf32, #tpu.memory_space<vmem>>, vector<16xf32>,
    %get3A_81 = vector.shape_cast %get3A_80 : vector<16xf32> to vector<16xf32>
    %scan3A = arith.constant 0 : i32
    %scan3A_82 = arith.constant 0 : i32
    %scan3A_83 = arith.constant 2048 : i32
    %scan3A_84 = arith.addi %scan3A_82, %scan3A_83 : i32
    %scan3A_85 = arith.constant 1 : i32
    scf.for %scan3A_1393 = %scan3A_82 to %scan3A_84 step %scan3A_85  : i32 {
      %mul3A_1394 = arith.constant 16 : i32
      %mul3A_1395 = arith.muli %scan3A_1393, %mul3A_1394 : i32
      %get3A_1396 = arith.constant 0 : i32
      %get3A_1397 = arith.index_cast %get3A_1396 : i32 to index
      %get3A_1398 = arith.index_cast %mul3A_1395 : i32 to index
      %get3A_1399 = tpu.vector_load %arg6[%get3A_1397, %get3A_1398] {strides = array<i32>} : memref<2x32768xf32, #tpu.memory_space<vmem>>, vector<1x16xf32>,
      %get3A_1400 = vector.shape_cast %get3A_1399 : vector<1x16xf32> to vector<16xf32>
      %mul3A_1401 = arith.mulf %get3A_1400, %get3A_66 : vector<16xf32>
      %sub3A_1402 = arith.subf %mul3A_1401, %get3A_71 : vector<16xf32>
      %exp3A = math.exp %sub3A_1402 : vector<16xf32>
      %add3A_1403 = arith.constant 1.000000e+00 : f32
      %add3A_1404 = vector.broadcast %add3A_1403 : f32 to vector<16xf32>
      %add3A_1405 = arith.addf %exp3A, %add3A_1404 : vector<16xf32>
      %div3A_1406 = arith.divf %get3A_81, %add3A_1405 : vector<16xf32>
      %sub3A_1407 = arith.subf %get3A_76, %div3A_1406 : vector<16xf32>
      %mul3A_1408 = arith.constant 16 : i32
      %mul3A_1409 = arith.muli %scan3A_1393, %mul3A_1408 : i32
      %swap3A = arith.constant 0 : i32
      %swap3A_1410 = arith.index_cast %swap3A : i32 to index
      %swap3A_1411 = arith.index_cast %mul3A_1409 : i32 to index
      %swap3A_1412 = tpu.vector_load %arg6[%swap3A_1410, %swap3A_1411] {strides = array<i32>} : memref<2x32768xf32, #tpu.memory_space<vmem>>, vector<1x16xf32>,
      %swap3A_1413 = vector.shape_cast %swap3A_1412 : vector<1x16xf32> to vector<16xf32>
      %swap3A_1414 = vector.shape_cast %sub3A_1407 : vector<16xf32> to vector<1x16xf32>
      tpu.vector_store %arg6[%swap3A_1410, %swap3A_1411], %swap3A_1414 {strides = array<i32>} : memref<2x32768xf32, #tpu.memory_space<vmem>>, vector<1x16xf32>,
    }
    %scan3A_86 = arith.constant 2048 : i32
    %mul3A_87 = arith.constant 32768 : i32
    %mul3A_88 = arith.muli %add3A_28, %mul3A_87 : i32
    %dma_start3A_89 = arith.constant 0 : i32
    %dma_start3A_90 = arith.constant 0 : i32
    %dma_start3A_91 = arith.constant 0 : i32
    %dma_start3A_92 = tpu.memref_slice %arg6[%dma_start3A_89, %dma_start3A_91] : memref<2x32768xf32, #tpu.memory_space<vmem>> -> memref<1x32768xf32, #tpu.memory_space<vmem>>
    %dma_start3A_93 = tpu.memref_squeeze %dma_start3A_92 : memref<1x32768xf32, #tpu.memory_space<vmem>> -> memref<32768xf32, #tpu.memory_space<vmem>>
    %dma_start3A_94 = tpu.memref_slice %arg4[%mul3A_88] : memref<13631488xf32, #tpu.memory_space<hbm>> -> memref<32768xf32, #tpu.memory_space<hbm>>
    %dma_start3A_95 = tpu.memref_slice %arg7[%dma_start3A_90] : memref<2x!tpu.dma_semaphore, #tpu.memory_space<semaphore_mem>> -> memref<1x!tpu.dma_semaphore, #tpu.memory_space<semaphore_mem>>
    %dma_start3A_96 = tpu.memref_squeeze %dma_start3A_95 : memref<1x!tpu.dma_semaphore, #tpu.memory_space<semaphore_mem>> -> memref<!tpu.dma_semaphore, #tpu.memory_space<semaphore_mem>>
    %dma_start3A_97 = tpu.memref_slice %arg4[%mul3A_88] : memref<13631488xf32, #tpu.memory_space<hbm>> -> memref<32768xf32, #tpu.memory_space<hbm>>
    %dma_start3A_98 = arith.constant 0 : i32
    %dma_start3A_99 = tpu.memref_slice %arg6[%dma_start3A_89, %dma_start3A_98] : memref<2x32768xf32, #tpu.memory_space<vmem>> -> memref<1x32768xf32, #tpu.memory_space<vmem>>
    %dma_start3A_100 = tpu.memref_squeeze %dma_start3A_99 : memref<1x32768xf32, #tpu.memory_space<vmem>> -> memref<32768xf32, #tpu.memory_space<vmem>>
    tpu.enqueue_dma source(%dma_start3A_100 : memref<32768xf32, #tpu.memory_space<vmem>>) target(%dma_start3A_97 : memref<32768xf32, #tpu.memory_space<hbm>>) target_semaphore(%dma_start3A_96 : memref<!tpu.dma_semaphore, #tpu.memory_space<semaphore_mem>>)
    %dma_wait3A_101 = arith.constant 0 : i32
    %dma_wait3A_102 = arith.constant 0 : i32
    %dma_wait3A_103 = arith.constant 0 : i32
    %dma_wait3A_104 = tpu.memref_slice %arg6[%dma_wait3A_101, %dma_wait3A_103] : memref<2x32768xf32, #tpu.memory_space<vmem>> -> memref<1x32768xf32, #tpu.memory_space<vmem>>
    %dma_wait3A_105 = tpu.memref_squeeze %dma_wait3A_104 : memref<1x32768xf32, #tpu.memory_space<vmem>> -> memref<32768xf32, #tpu.memory_space<vmem>>
    %dma_wait3A_106 = tpu.memref_slice %arg4[%mul3A_88] : memref<13631488xf32, #tpu.memory_space<hbm>> -> memref<32768xf32, #tpu.memory_space<hbm>>
    %dma_wait3A_107 = tpu.memref_slice %arg7[%dma_wait3A_102] : memref<2x!tpu.dma_semaphore, #tpu.memory_space<semaphore_mem>> -> memref<1x!tpu.dma_semaphore, #tpu.memory_space<semaphore_mem>>
    %dma_wait3A_108 = tpu.memref_squeeze %dma_wait3A_107 : memref<1x!tpu.dma_semaphore, #tpu.memory_space<semaphore_mem>> -> memref<!tpu.dma_semaphore, #tpu.memory_space<semaphore_mem>>
    %dma_wait3A_109 = tpu.memref_slice %arg4[%mul3A_88] : memref<13631488xf32, #tpu.memory_space<hbm>> -> memref<32768xf32, #tpu.memory_space<hbm>>
    %dma_wait3A_110 = arith.constant 0 : i32
    %dma_wait3A_111 = tpu.memref_slice %arg6[%dma_wait3A_101, %dma_wait3A_110] : memref<2x32768xf32, #tpu.memory_space<vmem>> -> memref<1x32768xf32, #tpu.memory_space<vmem>>
    %dma_wait3A_112 = tpu.memref_squeeze %dma_wait3A_111 : memref<1x32768xf32, #tpu.memory_space<vmem>> -> memref<32768xf32, #tpu.memory_space<vmem>>
    tpu.wait_dma2 semaphore(%dma_wait3A_108 : memref<!tpu.dma_semaphore, #tpu.memory_space<semaphore_mem>>) src(%dma_wait3A_112 : memref<32768xf32, #tpu.memory_space<vmem>>) dst(%dma_wait3A_109 : memref<32768xf32, #tpu.memory_space<hbm>>)
    %dma_wait3A_113 = arith.constant 1 : i32
    %dma_wait3A_114 = arith.constant 1 : i32
    %dma_wait3A_115 = arith.constant 0 : i32
    %dma_wait3A_116 = tpu.memref_slice %arg6[%dma_wait3A_113, %dma_wait3A_115] : memref<2x32768xf32, #tpu.memory_space<vmem>> -> memref<1x32768xf32, #tpu.memory_space<vmem>>
    %dma_wait3A_117 = tpu.memref_squeeze %dma_wait3A_116 : memref<1x32768xf32, #tpu.memory_space<vmem>> -> memref<32768xf32, #tpu.memory_space<vmem>>
    %dma_wait3A_118 = tpu.memref_slice %arg3[%mul3A_32] : memref<13631488xf32, #tpu.memory_space<hbm>> -> memref<32768xf32, #tpu.memory_space<hbm>>
    %dma_wait3A_119 = tpu.memref_slice %arg7[%dma_wait3A_114] : memref<2x!tpu.dma_semaphore, #tpu.memory_space<semaphore_mem>> -> memref<1x!tpu.dma_semaphore, #tpu.memory_space<semaphore_mem>>
    %dma_wait3A_120 = tpu.memref_squeeze %dma_wait3A_119 : memref<1x!tpu.dma_semaphore, #tpu.memory_space<semaphore_mem>> -> memref<!tpu.dma_semaphore, #tpu.memory_space<semaphore_mem>>
    %dma_wait3A_121 = arith.constant 0 : i32
    %dma_wait3A_122 = tpu.memref_slice %arg6[%dma_wait3A_113, %dma_wait3A_121] : memref<2x32768xf32, #tpu.memory_space<vmem>> -> memref<1x32768xf32, #tpu.memory_space<vmem>>
    %dma_wait3A_123 = tpu.memref_squeeze %dma_wait3A_122 : memref<1x32768xf32, #tpu.memory_space<vmem>> -> memref<32768xf32, #tpu.memory_space<vmem>>
    %dma_wait3A_124 = tpu.memref_slice %arg3[%mul3A_32] : memref<13631488xf32, #tpu.memory_space<hbm>> -> memref<32768xf32, #tpu.memory_space<hbm>>
    tpu.wait_dma2 semaphore(%dma_wait3A_120 : memref<!tpu.dma_semaphore, #tpu.memory_space<semaphore_mem>>) src(%dma_wait3A_124 : memref<32768xf32, #tpu.memory_space<hbm>>) dst(%dma_wait3A_123 : memref<32768xf32, #tpu.memory_space<vmem>>)
    %add3A_125 = arith.constant 1 : i32
    %add3A_126 = arith.addi %mul3A_2, %add3A_125 : i32
    %add3A_127 = arith.constant 1 : i32
    %add3A_128 = arith.addi %add3A_126, %add3A_127 : i32
    %mul3A_129 = arith.constant 32768 : i32
    %mul3A_130 = arith.muli %add3A_128, %mul3A_129 : i32
    %dma_start3A_131 = arith.constant 0 : i32
    %dma_start3A_132 = arith.constant 0 : i32
    %dma_start3A_133 = arith.constant 0 : i32
    %dma_start3A_134 = tpu.memref_slice %arg6[%dma_start3A_131, %dma_start3A_133] : memref<2x32768xf32, #tpu.memory_space<vmem>> -> memref<1x32768xf32, #tpu.memory_space<vmem>>
    %dma_start3A_135 = tpu.memref_squeeze %dma_start3A_134 : memref<1x32768xf32, #tpu.memory_space<vmem>> -> memref<32768xf32, #tpu.memory_space<vmem>>
    %dma_start3A_136 = tpu.memref_slice %arg3[%mul3A_130] : memref<13631488xf32, #tpu.memory_space<hbm>> -> memref<32768xf32, #tpu.memory_space<hbm>>
    %dma_start3A_137 = tpu.memref_slice %arg7[%dma_start3A_132] : memref<2x!tpu.dma_semaphore, #tpu.memory_space<semaphore_mem>> -> memref<1x!tpu.dma_semaphore, #tpu.memory_space<semaphore_mem>>
    %dma_start3A_138 = tpu.memref_squeeze %dma_start3A_137 : memref<1x!tpu.dma_semaphore, #tpu.memory_space<semaphore_mem>> -> memref<!tpu.dma_semaphore, #tpu.memory_space<semaphore_mem>>
    %dma_start3A_139 = arith.constant 0 : i32
    %dma_start3A_140 = tpu.memref_slice %arg6[%dma_start3A_131, %dma_start3A_139] : memref<2x32768xf32, #tpu.memory_space<vmem>> -> memref<1x32768xf32, #tpu.memory_space<vmem>>
    %dma_start3A_141 = tpu.memref_squeeze %dma_start3A_140 : memref<1x32768xf32, #tpu.memory_space<vmem>> -> memref<32768xf32, #tpu.memory_space<vmem>>
    %dma_start3A_142 = tpu.memref_slice %arg3[%mul3A_130] : memref<13631488xf32, #tpu.memory_space<hbm>> -> memref<32768xf32, #tpu.memory_space<hbm>>
    tpu.enqueue_dma source(%dma_start3A_142 : memref<32768xf32, #tpu.memory_space<hbm>>) target(%dma_start3A_141 : memref<32768xf32, #tpu.memory_space<vmem>>) target_semaphore(%dma_start3A_138 : memref<!tpu.dma_semaphore, #tpu.memory_space<semaphore_mem>>)
    %jit3A_143 = arith.constant 4 : i32
    %div3A_144 = arith.divsi %add3A_126, %jit3A_143 : i32
    %sign3A_145 = arith.constant 0 : i32
    %sign3A_146 = arith.cmpi sgt, %add3A_126, %sign3A_145 : i32
    %sign3A_147 = arith.extui %sign3A_146 : i1 to i32
    %sign3A_148 = arith.constant 0 : i32
    %sign3A_149 = arith.cmpi slt, %add3A_126, %sign3A_148 : i32
    %sign3A_150 = arith.extui %sign3A_149 : i1 to i32
    %sign3A_151 = arith.subi %sign3A_147, %sign3A_150 : i32
    %sign3A_152 = arith.constant 0 : i32
    %sign3A_153 = arith.cmpi sgt, %jit3A_143, %sign3A_152 : i32
    %sign3A_154 = arith.extui %sign3A_153 : i1 to i32
    %sign3A_155 = arith.constant 0 : i32
    %sign3A_156 = arith.cmpi slt, %jit3A_143, %sign3A_155 : i32
    %sign3A_157 = arith.extui %sign3A_156 : i1 to i32
    %sign3A_158 = arith.subi %sign3A_154, %sign3A_157 : i32
    %ne3A_159 = arith.cmpi ne, %sign3A_151, %sign3A_158 : i32
    %rem3A_160 = arith.remsi %add3A_126, %jit3A_143 : i32
    %ne3A_161 = arith.constant 0 : i32
    %ne3A_162 = arith.cmpi ne, %rem3A_160, %ne3A_161 : i32
    %and3A_163 = arith.andi %ne3A_159, %ne3A_162 : i1
    %sub3A_164 = arith.constant 1 : i32
    %sub3A_165 = arith.subi %div3A_144, %sub3A_164 : i32
    %select_n3A_166 = arith.select %and3A_163, %sub3A_165, %div3A_144 : i32
    %mul3A_167 = arith.constant 4 : i32
    %mul3A_168 = arith.muli %select_n3A_166, %mul3A_167 : i32
    %mul3A_169 = arith.constant 16 : i32
    %mul3A_170 = arith.muli %mul3A_168, %mul3A_169 : i32
    %get3A_171 = arith.index_cast %mul3A_170 : i32 to index
    %get3A_172 = tpu.vector_load %arg5[%get3A_171] {strides = array<i32>} : memref<6656xf32, #tpu.memory_space<vmem>>, vector<16xf32>,
    %get3A_173 = vector.shape_cast %get3A_172 : vector<16xf32> to vector<16xf32>
    %add3A_174 = arith.constant 16 : i32
    %add3A_175 = arith.addi %mul3A_170, %add3A_174 : i32
    %get3A_176 = arith.index_cast %add3A_175 : i32 to index
    %get3A_177 = tpu.vector_load %arg5[%get3A_176] {strides = array<i32>} : memref<6656xf32, #tpu.memory_space<vmem>>, vector<16xf32>,
    %get3A_178 = vector.shape_cast %get3A_177 : vector<16xf32> to vector<16xf32>
    %add3A_179 = arith.constant 32 : i32
    %add3A_180 = arith.addi %mul3A_170, %add3A_179 : i32
    %get3A_181 = arith.index_cast %add3A_180 : i32 to index
    %get3A_182 = tpu.vector_load %arg5[%get3A_181] {strides = array<i32>} : memref<6656xf32, #tpu.memory_space<vmem>>, vector<16xf32>,
    %get3A_183 = vector.shape_cast %get3A_182 : vector<16xf32> to vector<16xf32>
    %add3A_184 = arith.constant 48 : i32
    %add3A_185 = arith.addi %mul3A_170, %add3A_184 : i32
    %get3A_186 = arith.index_cast %add3A_185 : i32 to index
    %get3A_187 = tpu.vector_load %arg5[%get3A_186] {strides = array<i32>} : memref<6656xf32, #tpu.memory_space<vmem>>, vector<16xf32>,
    %get3A_188 = vector.shape_cast %get3A_187 : vector<16xf32> to vector<16xf32>
    %scan3A_189 = arith.constant 0 : i32
    %scan3A_190 = arith.constant 0 : i32
    %scan3A_191 = arith.constant 2048 : i32
    %scan3A_192 = arith.addi %scan3A_190, %scan3A_191 : i32
    %scan3A_193 = arith.constant 1 : i32
    scf.for %scan3A_1393 = %scan3A_190 to %scan3A_192 step %scan3A_193  : i32 {
      %mul3A_1394 = arith.constant 16 : i32
      %mul3A_1395 = arith.muli %scan3A_1393, %mul3A_1394 : i32
      %get3A_1396 = arith.constant 1 : i32
      %get3A_1397 = arith.index_cast %get3A_1396 : i32 to index
      %get3A_1398 = arith.index_cast %mul3A_1395 : i32 to index
      %get3A_1399 = tpu.vector_load %arg6[%get3A_1397, %get3A_1398] {strides = array<i32>} : memref<2x32768xf32, #tpu.memory_space<vmem>>, vector<1x16xf32>,
      %get3A_1400 = vector.shape_cast %get3A_1399 : vector<1x16xf32> to vector<16xf32>
      %mul3A_1401 = arith.mulf %get3A_1400, %get3A_173 : vector<16xf32>
      %sub3A_1402 = arith.subf %mul3A_1401, %get3A_178 : vector<16xf32>
      %exp3A = math.exp %sub3A_1402 : vector<16xf32>
      %add3A_1403 = arith.constant 1.000000e+00 : f32
      %add3A_1404 = vector.broadcast %add3A_1403 : f32 to vector<16xf32>
      %add3A_1405 = arith.addf %exp3A, %add3A_1404 : vector<16xf32>
      %div3A_1406 = arith.divf %get3A_188, %add3A_1405 : vector<16xf32>
      %sub3A_1407 = arith.subf %get3A_183, %div3A_1406 : vector<16xf32>
      %mul3A_1408 = arith.constant 16 : i32
      %mul3A_1409 = arith.muli %scan3A_1393, %mul3A_1408 : i32
      %swap3A = arith.constant 1 : i32
      %swap3A_1410 = arith.index_cast %swap3A : i32 to index
      %swap3A_1411 = arith.index_cast %mul3A_1409 : i32 to index
      %swap3A_1412 = tpu.vector_load %arg6[%swap3A_1410, %swap3A_1411] {strides = array<i32>} : memref<2x32768xf32, #tpu.memory_space<vmem>>, vector<1x16xf32>,
      %swap3A_1413 = vector.shape_cast %swap3A_1412 : vector<1x16xf32> to vector<16xf32>
      %swap3A_1414 = vector.shape_cast %sub3A_1407 : vector<16xf32> to vector<1x16xf32>
      tpu.vector_store %arg6[%swap3A_1410, %swap3A_1411], %swap3A_1414 {strides = array<i32>} : memref<2x32768xf32, #tpu.memory_space<vmem>>, vector<1x16xf32>,
    }
    %scan3A_194 = arith.constant 2048 : i32
    %mul3A_195 = arith.constant 32768 : i32
    %mul3A_196 = arith.muli %add3A_126, %mul3A_195 : i32
    %dma_start3A_197 = arith.constant 1 : i32
    %dma_start3A_198 = arith.constant 1 : i32
    %dma_start3A_199 = arith.constant 0 : i32
    %dma_start3A_200 = tpu.memref_slice %arg6[%dma_start3A_197, %dma_start3A_199] : memref<2x32768xf32, #tpu.memory_space<vmem>> -> memref<1x32768xf32, #tpu.memory_space<vmem>>
    %dma_start3A_201 = tpu.memref_squeeze %dma_start3A_200 : memref<1x32768xf32, #tpu.memory_space<vmem>> -> memref<32768xf32, #tpu.memory_space<vmem>>
    %dma_start3A_202 = tpu.memref_slice %arg4[%mul3A_196] : memref<13631488xf32, #tpu.memory_space<hbm>> -> memref<32768xf32, #tpu.memory_space<hbm>>
    %dma_start3A_203 = tpu.memref_slice %arg7[%dma_start3A_198] : memref<2x!tpu.dma_semaphore, #tpu.memory_space<semaphore_mem>> -> memref<1x!tpu.dma_semaphore, #tpu.memory_space<semaphore_mem>>
    %dma_start3A_204 = tpu.memref_squeeze %dma_start3A_203 : memref<1x!tpu.dma_semaphore, #tpu.memory_space<semaphore_mem>> -> memref<!tpu.dma_semaphore, #tpu.memory_space<semaphore_mem>>
    %dma_start3A_205 = tpu.memref_slice %arg4[%mul3A_196] : memref<13631488xf32, #tpu.memory_space<hbm>> -> memref<32768xf32, #tpu.memory_space<hbm>>
    %dma_start3A_206 = arith.constant 0 : i32
    %dma_start3A_207 = tpu.memref_slice %arg6[%dma_start3A_197, %dma_start3A_206] : memref<2x32768xf32, #tpu.memory_space<vmem>> -> memref<1x32768xf32, #tpu.memory_space<vmem>>
    %dma_start3A_208 = tpu.memref_squeeze %dma_start3A_207 : memref<1x32768xf32, #tpu.memory_space<vmem>> -> memref<32768xf32, #tpu.memory_space<vmem>>
    tpu.enqueue_dma source(%dma_start3A_208 : memref<32768xf32, #tpu.memory_space<vmem>>) target(%dma_start3A_205 : memref<32768xf32, #tpu.memory_space<hbm>>) target_semaphore(%dma_start3A_204 : memref<!tpu.dma_semaphore, #tpu.memory_space<semaphore_mem>>)
    %dma_wait3A_209 = arith.constant 1 : i32
    %dma_wait3A_210 = arith.constant 1 : i32
    %dma_wait3A_211 = arith.constant 0 : i32
    %dma_wait3A_212 = tpu.memref_slice %arg6[%dma_wait3A_209, %dma_wait3A_211] : memref<2x32768xf32, #tpu.memory_space<vmem>> -> memref<1x32768xf32, #tpu.memory_space<vmem>>
    %dma_wait3A_213 = tpu.memref_squeeze %dma_wait3A_212 : memref<1x32768xf32, #tpu.memory_space<vmem>> -> memref<32768xf32, #tpu.memory_space<vmem>>
    %dma_wait3A_214 = tpu.memref_slice %arg4[%mul3A_196] : memref<13631488xf32, #tpu.memory_space<hbm>> -> memref<32768xf32, #tpu.memory_space<hbm>>
    %dma_wait3A_215 = tpu.memref_slice %arg7[%dma_wait3A_210] : memref<2x!tpu.dma_semaphore, #tpu.memory_space<semaphore_mem>> -> memref<1x!tpu.dma_semaphore, #tpu.memory_space<semaphore_mem>>
    %dma_wait3A_216 = tpu.memref_squeeze %dma_wait3A_215 : memref<1x!tpu.dma_semaphore, #tpu.memory_space<semaphore_mem>> -> memref<!tpu.dma_semaphore, #tpu.memory_space<semaphore_mem>>
    %dma_wait3A_217 = tpu.memref_slice %arg4[%mul3A_196] : memref<13631488xf32, #tpu.memory_space<hbm>> -> memref<32768xf32, #tpu.memory_space<hbm>>
    %dma_wait3A_218 = arith.constant 0 : i32
    %dma_wait3A_219 = tpu.memref_slice %arg6[%dma_wait3A_209, %dma_wait3A_218] : memref<2x32768xf32, #tpu.memory_space<vmem>> -> memref<1x32768xf32, #tpu.memory_space<vmem>>
    %dma_wait3A_220 = tpu.memref_squeeze %dma_wait3A_219 : memref<1x32768xf32, #tpu.memory_space<vmem>> -> memref<32768xf32, #tpu.memory_space<vmem>>
    tpu.wait_dma2 semaphore(%dma_wait3A_216 : memref<!tpu.dma_semaphore, #tpu.memory_space<semaphore_mem>>) src(%dma_wait3A_220 : memref<32768xf32, #tpu.memory_space<vmem>>) dst(%dma_wait3A_217 : memref<32768xf32, #tpu.memory_space<hbm>>)
    %dma_wait3A_221 = arith.constant 0 : i32
    %dma_wait3A_222 = arith.constant 0 : i32
    %dma_wait3A_223 = arith.constant 0 : i32
    %dma_wait3A_224 = tpu.memref_slice %arg6[%dma_wait3A_221, %dma_wait3A_223] : memref<2x32768xf32, #tpu.memory_space<vmem>> -> memref<1x32768xf32, #tpu.memory_space<vmem>>
    %dma_wait3A_225 = tpu.memref_squeeze %dma_wait3A_224 : memref<1x32768xf32, #tpu.memory_space<vmem>> -> memref<32768xf32, #tpu.memory_space<vmem>>
    %dma_wait3A_226 = tpu.memref_slice %arg3[%mul3A_130] : memref<13631488xf32, #tpu.memory_space<hbm>> -> memref<32768xf32, #tpu.memory_space<hbm>>
    %dma_wait3A_227 = tpu.memref_slice %arg7[%dma_wait3A_222] : memref<2x!tpu.dma_semaphore, #tpu.memory_space<semaphore_mem>> -> memref<1x!tpu.dma_semaphore, #tpu.memory_space<semaphore_mem>>
    %dma_wait3A_228 = tpu.memref_squeeze %dma_wait3A_227 : memref<1x!tpu.dma_semaphore, #tpu.memory_space<semaphore_mem>> -> memref<!tpu.dma_semaphore, #tpu.memory_space<semaphore_mem>>
    %dma_wait3A_229 = arith.constant 0 : i32
    %dma_wait3A_230 = tpu.memref_slice %arg6[%dma_wait3A_221, %dma_wait3A_229] : memref<2x32768xf32, #tpu.memory_space<vmem>> -> memref<1x32768xf32, #tpu.memory_space<vmem>>
    %dma_wait3A_231 = tpu.memref_squeeze %dma_wait3A_230 : memref<1x32768xf32, #tpu.memory_space<vmem>> -> memref<32768xf32, #tpu.memory_space<vmem>>
    %dma_wait3A_232 = tpu.memref_slice %arg3[%mul3A_130] : memref<13631488xf32, #tpu.memory_space<hbm>> -> memref<32768xf32, #tpu.memory_space<hbm>>
    tpu.wait_dma2 semaphore(%dma_wait3A_228 : memref<!tpu.dma_semaphore, #tpu.memory_space<semaphore_mem>>) src(%dma_wait3A_232 : memref<32768xf32, #tpu.memory_space<hbm>>) dst(%dma_wait3A_231 : memref<32768xf32, #tpu.memory_space<vmem>>)
    %add3A_233 = arith.constant 2 : i32
    %add3A_234 = arith.addi %mul3A_2, %add3A_233 : i32
    %add3A_235 = arith.constant 1 : i32
    %add3A_236 = arith.addi %add3A_234, %add3A_235 : i32
    %mul3A_237 = arith.constant 32768 : i32
    %mul3A_238 = arith.muli %add3A_236, %mul3A_237 : i32
    %dma_start3A_239 = arith.constant 1 : i32
    %dma_start3A_240 = arith.constant 1 : i32
    %dma_start3A_241 = arith.constant 0 : i32
    %dma_start3A_242 = tpu.memref_slice %arg6[%dma_start3A_239, %dma_start3A_241] : memref<2x32768xf32, #tpu.memory_space<vmem>> -> memref<1x32768xf32, #tpu.memory_space<vmem>>
    %dma_start3A_243 = tpu.memref_squeeze %dma_start3A_242 : memref<1x32768xf32, #tpu.memory_space<vmem>> -> memref<32768xf32, #tpu.memory_space<vmem>>
    %dma_start3A_244 = tpu.memref_slice %arg3[%mul3A_238] : memref<13631488xf32, #tpu.memory_space<hbm>> -> memref<32768xf32, #tpu.memory_space<hbm>>
    %dma_start3A_245 = tpu.memref_slice %arg7[%dma_start3A_240] : memref<2x!tpu.dma_semaphore, #tpu.memory_space<semaphore_mem>> -> memref<1x!tpu.dma_semaphore, #tpu.memory_space<semaphore_mem>>
    %dma_start3A_246 = tpu.memref_squeeze %dma_start3A_245 : memref<1x!tpu.dma_semaphore, #tpu.memory_space<semaphore_mem>> -> memref<!tpu.dma_semaphore, #tpu.memory_space<semaphore_mem>>
    %dma_start3A_247 = arith.constant 0 : i32
    %dma_start3A_248 = tpu.memref_slice %arg6[%dma_start3A_239, %dma_start3A_247] : memref<2x32768xf32, #tpu.memory_space<vmem>> -> memref<1x32768xf32, #tpu.memory_space<vmem>>
    %dma_start3A_249 = tpu.memref_squeeze %dma_start3A_248 : memref<1x32768xf32, #tpu.memory_space<vmem>> -> memref<32768xf32, #tpu.memory_space<vmem>>
    %dma_start3A_250 = tpu.memref_slice %arg3[%mul3A_238] : memref<13631488xf32, #tpu.memory_space<hbm>> -> memref<32768xf32, #tpu.memory_space<hbm>>
    tpu.enqueue_dma source(%dma_start3A_250 : memref<32768xf32, #tpu.memory_space<hbm>>) target(%dma_start3A_249 : memref<32768xf32, #tpu.memory_space<vmem>>) target_semaphore(%dma_start3A_246 : memref<!tpu.dma_semaphore, #tpu.memory_space<semaphore_mem>>)
    %jit3A_251 = arith.constant 4 : i32
    %div3A_252 = arith.divsi %add3A_234, %jit3A_251 : i32
    %sign3A_253 = arith.constant 0 : i32
    %sign3A_254 = arith.cmpi sgt, %add3A_234, %sign3A_253 : i32
    %sign3A_255 = arith.extui %sign3A_254 : i1 to i32
    %sign3A_256 = arith.constant 0 : i32
    %sign3A_257 = arith.cmpi slt, %add3A_234, %sign3A_256 : i32
    %sign3A_258 = arith.extui %sign3A_257 : i1 to i32
    %sign3A_259 = arith.subi %sign3A_255, %sign3A_258 : i32
    %sign3A_260 = arith.constant 0 : i32
    %sign3A_261 = arith.cmpi sgt, %jit3A_251, %sign3A_260 : i32
    %sign3A_262 = arith.extui %sign3A_261 : i1 to i32
    %sign3A_263 = arith.constant 0 : i32
    %sign3A_264 = arith.cmpi slt, %jit3A_251, %sign3A_263 : i32
    %sign3A_265 = arith.extui %sign3A_264 : i1 to i32
    %sign3A_266 = arith.subi %sign3A_262, %sign3A_265 : i32
    %ne3A_267 = arith.cmpi ne, %sign3A_259, %sign3A_266 : i32
    %rem3A_268 = arith.remsi %add3A_234, %jit3A_251 : i32
    %ne3A_269 = arith.constant 0 : i32
    %ne3A_270 = arith.cmpi ne, %rem3A_268, %ne3A_269 : i32
    %and3A_271 = arith.andi %ne3A_267, %ne3A_270 : i1
    %sub3A_272 = arith.constant 1 : i32
    %sub3A_273 = arith.subi %div3A_252, %sub3A_272 : i32
    %select_n3A_274 = arith.select %and3A_271, %sub3A_273, %div3A_252 : i32
    %mul3A_275 = arith.constant 4 : i32
    %mul3A_276 = arith.muli %select_n3A_274, %mul3A_275 : i32
    %mul3A_277 = arith.constant 16 : i32
    %mul3A_278 = arith.muli %mul3A_276, %mul3A_277 : i32
    %get3A_279 = arith.index_cast %mul3A_278 : i32 to index
    %get3A_280 = tpu.vector_load %arg5[%get3A_279] {strides = array<i32>} : memref<6656xf32, #tpu.memory_space<vmem>>, vector<16xf32>,
    %get3A_281 = vector.shape_cast %get3A_280 : vector<16xf32> to vector<16xf32>
    %add3A_282 = arith.constant 16 : i32
    %add3A_283 = arith.addi %mul3A_278, %add3A_282 : i32
    %get3A_284 = arith.index_cast %add3A_283 : i32 to index
    %get3A_285 = tpu.vector_load %arg5[%get3A_284] {strides = array<i32>} : memref<6656xf32, #tpu.memory_space<vmem>>, vector<16xf32>,
    %get3A_286 = vector.shape_cast %get3A_285 : vector<16xf32> to vector<16xf32>
    %add3A_287 = arith.constant 32 : i32
    %add3A_288 = arith.addi %mul3A_278, %add3A_287 : i32
    %get3A_289 = arith.index_cast %add3A_288 : i32 to index
    %get3A_290 = tpu.vector_load %arg5[%get3A_289] {strides = array<i32>} : memref<6656xf32, #tpu.memory_space<vmem>>, vector<16xf32>,
    %get3A_291 = vector.shape_cast %get3A_290 : vector<16xf32> to vector<16xf32>
    %add3A_292 = arith.constant 48 : i32
    %add3A_293 = arith.addi %mul3A_278, %add3A_292 : i32
    %get3A_294 = arith.index_cast %add3A_293 : i32 to index
    %get3A_295 = tpu.vector_load %arg5[%get3A_294] {strides = array<i32>} : memref<6656xf32, #tpu.memory_space<vmem>>, vector<16xf32>,
    %get3A_296 = vector.shape_cast %get3A_295 : vector<16xf32> to vector<16xf32>
    %scan3A_297 = arith.constant 0 : i32
    %scan3A_298 = arith.constant 0 : i32
    %scan3A_299 = arith.constant 2048 : i32
    %scan3A_300 = arith.addi %scan3A_298, %scan3A_299 : i32
    %scan3A_301 = arith.constant 1 : i32
    scf.for %scan3A_1393 = %scan3A_298 to %scan3A_300 step %scan3A_301  : i32 {
      %mul3A_1394 = arith.constant 16 : i32
      %mul3A_1395 = arith.muli %scan3A_1393, %mul3A_1394 : i32
      %get3A_1396 = arith.constant 0 : i32
      %get3A_1397 = arith.index_cast %get3A_1396 : i32 to index
      %get3A_1398 = arith.index_cast %mul3A_1395 : i32 to index
      %get3A_1399 = tpu.vector_load %arg6[%get3A_1397, %get3A_1398] {strides = array<i32>} : memref<2x32768xf32, #tpu.memory_space<vmem>>, vector<1x16xf32>,
      %get3A_1400 = vector.shape_cast %get3A_1399 : vector<1x16xf32> to vector<16xf32>
      %mul3A_1401 = arith.mulf %get3A_1400, %get3A_281 : vector<16xf32>
      %sub3A_1402 = arith.subf %mul3A_1401, %get3A_286 : vector<16xf32>
      %exp3A = math.exp %sub3A_1402 : vector<16xf32>
      %add3A_1403 = arith.constant 1.000000e+00 : f32
      %add3A_1404 = vector.broadcast %add3A_1403 : f32 to vector<16xf32>
      %add3A_1405 = arith.addf %exp3A, %add3A_1404 : vector<16xf32>
      %div3A_1406 = arith.divf %get3A_296, %add3A_1405 : vector<16xf32>
      %sub3A_1407 = arith.subf %get3A_291, %div3A_1406 : vector<16xf32>
      %mul3A_1408 = arith.constant 16 : i32
      %mul3A_1409 = arith.muli %scan3A_1393, %mul3A_1408 : i32
      %swap3A = arith.constant 0 : i32
      %swap3A_1410 = arith.index_cast %swap3A : i32 to index
      %swap3A_1411 = arith.index_cast %mul3A_1409 : i32 to index
      %swap3A_1412 = tpu.vector_load %arg6[%swap3A_1410, %swap3A_1411] {strides = array<i32>} : memref<2x32768xf32, #tpu.memory_space<vmem>>, vector<1x16xf32>,
      %swap3A_1413 = vector.shape_cast %swap3A_1412 : vector<1x16xf32> to vector<16xf32>
      %swap3A_1414 = vector.shape_cast %sub3A_1407 : vector<16xf32> to vector<1x16xf32>
      tpu.vector_store %arg6[%swap3A_1410, %swap3A_1411], %swap3A_1414 {strides = array<i32>} : memref<2x32768xf32, #tpu.memory_space<vmem>>, vector<1x16xf32>,
    }
    %scan3A_302 = arith.constant 2048 : i32
    %mul3A_303 = arith.constant 32768 : i32
    %mul3A_304 = arith.muli %add3A_234, %mul3A_303 : i32
    %dma_start3A_305 = arith.constant 0 : i32
    %dma_start3A_306 = arith.constant 0 : i32
    %dma_start3A_307 = arith.constant 0 : i32
    %dma_start3A_308 = tpu.memref_slice %arg6[%dma_start3A_305, %dma_start3A_307] : memref<2x32768xf32, #tpu.memory_space<vmem>> -> memref<1x32768xf32, #tpu.memory_space<vmem>>
    %dma_start3A_309 = tpu.memref_squeeze %dma_start3A_308 : memref<1x32768xf32, #tpu.memory_space<vmem>> -> memref<32768xf32, #tpu.memory_space<vmem>>
    %dma_start3A_310 = tpu.memref_slice %arg4[%mul3A_304] : memref<13631488xf32, #tpu.memory_space<hbm>> -> memref<32768xf32, #tpu.memory_space<hbm>>
    %dma_start3A_311 = tpu.memref_slice %arg7[%dma_start3A_306] : memref<2x!tpu.dma_semaphore, #tpu.memory_space<semaphore_mem>> -> memref<1x!tpu.dma_semaphore, #tpu.memory_space<semaphore_mem>>
    %dma_start3A_312 = tpu.memref_squeeze %dma_start3A_311 : memref<1x!tpu.dma_semaphore, #tpu.memory_space<semaphore_mem>> -> memref<!tpu.dma_semaphore, #tpu.memory_space<semaphore_mem>>
    %dma_start3A_313 = tpu.memref_slice %arg4[%mul3A_304] : memref<13631488xf32, #tpu.memory_space<hbm>> -> memref<32768xf32, #tpu.memory_space<hbm>>
    %dma_start3A_314 = arith.constant 0 : i32
    %dma_start3A_315 = tpu.memref_slice %arg6[%dma_start3A_305, %dma_start3A_314] : memref<2x32768xf32, #tpu.memory_space<vmem>> -> memref<1x32768xf32, #tpu.memory_space<vmem>>
    %dma_start3A_316 = tpu.memref_squeeze %dma_start3A_315 : memref<1x32768xf32, #tpu.memory_space<vmem>> -> memref<32768xf32, #tpu.memory_space<vmem>>
    tpu.enqueue_dma source(%dma_start3A_316 : memref<32768xf32, #tpu.memory_space<vmem>>) target(%dma_start3A_313 : memref<32768xf32, #tpu.memory_space<hbm>>) target_semaphore(%dma_start3A_312 : memref<!tpu.dma_semaphore, #tpu.memory_space<semaphore_mem>>)
    %dma_wait3A_317 = arith.constant 0 : i32
    %dma_wait3A_318 = arith.constant 0 : i32
    %dma_wait3A_319 = arith.constant 0 : i32
    %dma_wait3A_320 = tpu.memref_slice %arg6[%dma_wait3A_317, %dma_wait3A_319] : memref<2x32768xf32, #tpu.memory_space<vmem>> -> memref<1x32768xf32, #tpu.memory_space<vmem>>
    %dma_wait3A_321 = tpu.memref_squeeze %dma_wait3A_320 : memref<1x32768xf32, #tpu.memory_space<vmem>> -> memref<32768xf32, #tpu.memory_space<vmem>>
    %dma_wait3A_322 = tpu.memref_slice %arg4[%mul3A_304] : memref<13631488xf32, #tpu.memory_space<hbm>> -> memref<32768xf32, #tpu.memory_space<hbm>>
    %dma_wait3A_323 = tpu.memref_slice %arg7[%dma_wait3A_318] : memref<2x!tpu.dma_semaphore, #tpu.memory_space<semaphore_mem>> -> memref<1x!tpu.dma_semaphore, #tpu.memory_space<semaphore_mem>>
    %dma_wait3A_324 = tpu.memref_squeeze %dma_wait3A_323 : memref<1x!tpu.dma_semaphore, #tpu.memory_space<semaphore_mem>> -> memref<!tpu.dma_semaphore, #tpu.memory_space<semaphore_mem>>
    %dma_wait3A_325 = tpu.memref_slice %arg4[%mul3A_304] : memref<13631488xf32, #tpu.memory_space<hbm>> -> memref<32768xf32, #tpu.memory_space<hbm>>
    %dma_wait3A_326 = arith.constant 0 : i32
    %dma_wait3A_327 = tpu.memref_slice %arg6[%dma_wait3A_317, %dma_wait3A_326] : memref<2x32768xf32, #tpu.memory_space<vmem>> -> memref<1x32768xf32, #tpu.memory_space<vmem>>
    %dma_wait3A_328 = tpu.memref_squeeze %dma_wait3A_327 : memref<1x32768xf32, #tpu.memory_space<vmem>> -> memref<32768xf32, #tpu.memory_space<vmem>>
    tpu.wait_dma2 semaphore(%dma_wait3A_324 : memref<!tpu.dma_semaphore, #tpu.memory_space<semaphore_mem>>) src(%dma_wait3A_328 : memref<32768xf32, #tpu.memory_space<vmem>>) dst(%dma_wait3A_325 : memref<32768xf32, #tpu.memory_space<hbm>>)
    %dma_wait3A_329 = arith.constant 1 : i32
    %dma_wait3A_330 = arith.constant 1 : i32
    %dma_wait3A_331 = arith.constant 0 : i32
    %dma_wait3A_332 = tpu.memref_slice %arg6[%dma_wait3A_329, %dma_wait3A_331] : memref<2x32768xf32, #tpu.memory_space<vmem>> -> memref<1x32768xf32, #tpu.memory_space<vmem>>
    %dma_wait3A_333 = tpu.memref_squeeze %dma_wait3A_332 : memref<1x32768xf32, #tpu.memory_space<vmem>> -> memref<32768xf32, #tpu.memory_space<vmem>>
    %dma_wait3A_334 = tpu.memref_slice %arg3[%mul3A_238] : memref<13631488xf32, #tpu.memory_space<hbm>> -> memref<32768xf32, #tpu.memory_space<hbm>>
    %dma_wait3A_335 = tpu.memref_slice %arg7[%dma_wait3A_330] : memref<2x!tpu.dma_semaphore, #tpu.memory_space<semaphore_mem>> -> memref<1x!tpu.dma_semaphore, #tpu.memory_space<semaphore_mem>>
    %dma_wait3A_336 = tpu.memref_squeeze %dma_wait3A_335 : memref<1x!tpu.dma_semaphore, #tpu.memory_space<semaphore_mem>> -> memref<!tpu.dma_semaphore, #tpu.memory_space<semaphore_mem>>
    %dma_wait3A_337 = arith.constant 0 : i32
    %dma_wait3A_338 = tpu.memref_slice %arg6[%dma_wait3A_329, %dma_wait3A_337] : memref<2x32768xf32, #tpu.memory_space<vmem>> -> memref<1x32768xf32, #tpu.memory_space<vmem>>
    %dma_wait3A_339 = tpu.memref_squeeze %dma_wait3A_338 : memref<1x32768xf32, #tpu.memory_space<vmem>> -> memref<32768xf32, #tpu.memory_space<vmem>>
    %dma_wait3A_340 = tpu.memref_slice %arg3[%mul3A_238] : memref<13631488xf32, #tpu.memory_space<hbm>> -> memref<32768xf32, #tpu.memory_space<hbm>>
    tpu.wait_dma2 semaphore(%dma_wait3A_336 : memref<!tpu.dma_semaphore, #tpu.memory_space<semaphore_mem>>) src(%dma_wait3A_340 : memref<32768xf32, #tpu.memory_space<hbm>>) dst(%dma_wait3A_339 : memref<32768xf32, #tpu.memory_space<vmem>>)
    %add3A_341 = arith.constant 3 : i32
    %add3A_342 = arith.addi %mul3A_2, %add3A_341 : i32
    %add3A_343 = arith.constant 1 : i32
    %add3A_344 = arith.addi %add3A_342, %add3A_343 : i32
    %mul3A_345 = arith.constant 32768 : i32
    %mul3A_346 = arith.muli %add3A_344, %mul3A_345 : i32
    %dma_start3A_347 = arith.constant 0 : i32
    %dma_start3A_348 = arith.constant 0 : i32
    %dma_start3A_349 = arith.constant 0 : i32
    %dma_start3A_350 = tpu.memref_slice %arg6[%dma_start3A_347, %dma_start3A_349] : memref<2x32768xf32, #tpu.memory_space<vmem>> -> memref<1x32768xf32, #tpu.memory_space<vmem>>
    %dma_start3A_351 = tpu.memref_squeeze %dma_start3A_350 : memref<1x32768xf32, #tpu.memory_space<vmem>> -> memref<32768xf32, #tpu.memory_space<vmem>>
    %dma_start3A_352 = tpu.memref_slice %arg3[%mul3A_346] : memref<13631488xf32, #tpu.memory_space<hbm>> -> memref<32768xf32, #tpu.memory_space<hbm>>
    %dma_start3A_353 = tpu.memref_slice %arg7[%dma_start3A_348] : memref<2x!tpu.dma_semaphore, #tpu.memory_space<semaphore_mem>> -> memref<1x!tpu.dma_semaphore, #tpu.memory_space<semaphore_mem>>
    %dma_start3A_354 = tpu.memref_squeeze %dma_start3A_353 : memref<1x!tpu.dma_semaphore, #tpu.memory_space<semaphore_mem>> -> memref<!tpu.dma_semaphore, #tpu.memory_space<semaphore_mem>>
    %dma_start3A_355 = arith.constant 0 : i32
    %dma_start3A_356 = tpu.memref_slice %arg6[%dma_start3A_347, %dma_start3A_355] : memref<2x32768xf32, #tpu.memory_space<vmem>> -> memref<1x32768xf32, #tpu.memory_space<vmem>>
    %dma_start3A_357 = tpu.memref_squeeze %dma_start3A_356 : memref<1x32768xf32, #tpu.memory_space<vmem>> -> memref<32768xf32, #tpu.memory_space<vmem>>
    %dma_start3A_358 = tpu.memref_slice %arg3[%mul3A_346] : memref<13631488xf32, #tpu.memory_space<hbm>> -> memref<32768xf32, #tpu.memory_space<hbm>>
    tpu.enqueue_dma source(%dma_start3A_358 : memref<32768xf32, #tpu.memory_space<hbm>>) target(%dma_start3A_357 : memref<32768xf32, #tpu.memory_space<vmem>>) target_semaphore(%dma_start3A_354 : memref<!tpu.dma_semaphore, #tpu.memory_space<semaphore_mem>>)
    %jit3A_359 = arith.constant 4 : i32
    %div3A_360 = arith.divsi %add3A_342, %jit3A_359 : i32
    %sign3A_361 = arith.constant 0 : i32
    %sign3A_362 = arith.cmpi sgt, %add3A_342, %sign3A_361 : i32
    %sign3A_363 = arith.extui %sign3A_362 : i1 to i32
    %sign3A_364 = arith.constant 0 : i32
    %sign3A_365 = arith.cmpi slt, %add3A_342, %sign3A_364 : i32
    %sign3A_366 = arith.extui %sign3A_365 : i1 to i32
    %sign3A_367 = arith.subi %sign3A_363, %sign3A_366 : i32
    %sign3A_368 = arith.constant 0 : i32
    %sign3A_369 = arith.cmpi sgt, %jit3A_359, %sign3A_368 : i32
    %sign3A_370 = arith.extui %sign3A_369 : i1 to i32
    %sign3A_371 = arith.constant 0 : i32
    %sign3A_372 = arith.cmpi slt, %jit3A_359, %sign3A_371 : i32
    %sign3A_373 = arith.extui %sign3A_372 : i1 to i32
    %sign3A_374 = arith.subi %sign3A_370, %sign3A_373 : i32
    %ne3A_375 = arith.cmpi ne, %sign3A_367, %sign3A_374 : i32
    %rem3A_376 = arith.remsi %add3A_342, %jit3A_359 : i32
    %ne3A_377 = arith.constant 0 : i32
    %ne3A_378 = arith.cmpi ne, %rem3A_376, %ne3A_377 : i32
    %and3A_379 = arith.andi %ne3A_375, %ne3A_378 : i1
    %sub3A_380 = arith.constant 1 : i32
    %sub3A_381 = arith.subi %div3A_360, %sub3A_380 : i32
    %select_n3A_382 = arith.select %and3A_379, %sub3A_381, %div3A_360 : i32
    %mul3A_383 = arith.constant 4 : i32
    %mul3A_384 = arith.muli %select_n3A_382, %mul3A_383 : i32
    %mul3A_385 = arith.constant 16 : i32
    %mul3A_386 = arith.muli %mul3A_384, %mul3A_385 : i32
    %get3A_387 = arith.index_cast %mul3A_386 : i32 to index
    %get3A_388 = tpu.vector_load %arg5[%get3A_387] {strides = array<i32>} : memref<6656xf32, #tpu.memory_space<vmem>>, vector<16xf32>,
    %get3A_389 = vector.shape_cast %get3A_388 : vector<16xf32> to vector<16xf32>
    %add3A_390 = arith.constant 16 : i32
    %add3A_391 = arith.addi %mul3A_386, %add3A_390 : i32
    %get3A_392 = arith.index_cast %add3A_391 : i32 to index
    %get3A_393 = tpu.vector_load %arg5[%get3A_392] {strides = array<i32>} : memref<6656xf32, #tpu.memory_space<vmem>>, vector<16xf32>,
    %get3A_394 = vector.shape_cast %get3A_393 : vector<16xf32> to vector<16xf32>
    %add3A_395 = arith.constant 32 : i32
    %add3A_396 = arith.addi %mul3A_386, %add3A_395 : i32
    %get3A_397 = arith.index_cast %add3A_396 : i32 to index
    %get3A_398 = tpu.vector_load %arg5[%get3A_397] {strides = array<i32>} : memref<6656xf32, #tpu.memory_space<vmem>>, vector<16xf32>,
    %get3A_399 = vector.shape_cast %get3A_398 : vector<16xf32> to vector<16xf32>
    %add3A_400 = arith.constant 48 : i32
    %add3A_401 = arith.addi %mul3A_386, %add3A_400 : i32
    %get3A_402 = arith.index_cast %add3A_401 : i32 to index
    %get3A_403 = tpu.vector_load %arg5[%get3A_402] {strides = array<i32>} : memref<6656xf32, #tpu.memory_space<vmem>>, vector<16xf32>,
    %get3A_404 = vector.shape_cast %get3A_403 : vector<16xf32> to vector<16xf32>
    %scan3A_405 = arith.constant 0 : i32
    %scan3A_406 = arith.constant 0 : i32
    %scan3A_407 = arith.constant 2048 : i32
    %scan3A_408 = arith.addi %scan3A_406, %scan3A_407 : i32
    %scan3A_409 = arith.constant 1 : i32
    scf.for %scan3A_1393 = %scan3A_406 to %scan3A_408 step %scan3A_409  : i32 {
      %mul3A_1394 = arith.constant 16 : i32
      %mul3A_1395 = arith.muli %scan3A_1393, %mul3A_1394 : i32
      %get3A_1396 = arith.constant 1 : i32
      %get3A_1397 = arith.index_cast %get3A_1396 : i32 to index
      %get3A_1398 = arith.index_cast %mul3A_1395 : i32 to index
      %get3A_1399 = tpu.vector_load %arg6[%get3A_1397, %get3A_1398] {strides = array<i32>} : memref<2x32768xf32, #tpu.memory_space<vmem>>, vector<1x16xf32>,
      %get3A_1400 = vector.shape_cast %get3A_1399 : vector<1x16xf32> to vector<16xf32>
      %mul3A_1401 = arith.mulf %get3A_1400, %get3A_389 : vector<16xf32>
      %sub3A_1402 = arith.subf %mul3A_1401, %get3A_394 : vector<16xf32>
      %exp3A = math.exp %sub3A_1402 : vector<16xf32>
      %add3A_1403 = arith.constant 1.000000e+00 : f32
      %add3A_1404 = vector.broadcast %add3A_1403 : f32 to vector<16xf32>
      %add3A_1405 = arith.addf %exp3A, %add3A_1404 : vector<16xf32>
      %div3A_1406 = arith.divf %get3A_404, %add3A_1405 : vector<16xf32>
      %sub3A_1407 = arith.subf %get3A_399, %div3A_1406 : vector<16xf32>
      %mul3A_1408 = arith.constant 16 : i32
      %mul3A_1409 = arith.muli %scan3A_1393, %mul3A_1408 : i32
      %swap3A = arith.constant 1 : i32
      %swap3A_1410 = arith.index_cast %swap3A : i32 to index
      %swap3A_1411 = arith.index_cast %mul3A_1409 : i32 to index
      %swap3A_1412 = tpu.vector_load %arg6[%swap3A_1410, %swap3A_1411] {strides = array<i32>} : memref<2x32768xf32, #tpu.memory_space<vmem>>, vector<1x16xf32>,
      %swap3A_1413 = vector.shape_cast %swap3A_1412 : vector<1x16xf32> to vector<16xf32>
      %swap3A_1414 = vector.shape_cast %sub3A_1407 : vector<16xf32> to vector<1x16xf32>
      tpu.vector_store %arg6[%swap3A_1410, %swap3A_1411], %swap3A_1414 {strides = array<i32>} : memref<2x32768xf32, #tpu.memory_space<vmem>>, vector<1x16xf32>,
    }
    %scan3A_410 = arith.constant 2048 : i32
    %mul3A_411 = arith.constant 32768 : i32
    %mul3A_412 = arith.muli %add3A_342, %mul3A_411 : i32
    %dma_start3A_413 = arith.constant 1 : i32
    %dma_start3A_414 = arith.constant 1 : i32
    %dma_start3A_415 = arith.constant 0 : i32
    %dma_start3A_416 = tpu.memref_slice %arg6[%dma_start3A_413, %dma_start3A_415] : memref<2x32768xf32, #tpu.memory_space<vmem>> -> memref<1x32768xf32, #tpu.memory_space<vmem>>
    %dma_start3A_417 = tpu.memref_squeeze %dma_start3A_416 : memref<1x32768xf32, #tpu.memory_space<vmem>> -> memref<32768xf32, #tpu.memory_space<vmem>>
    %dma_start3A_418 = tpu.memref_slice %arg4[%mul3A_412] : memref<13631488xf32, #tpu.memory_space<hbm>> -> memref<32768xf32, #tpu.memory_space<hbm>>
    %dma_start3A_419 = tpu.memref_slice %arg7[%dma_start3A_414] : memref<2x!tpu.dma_semaphore, #tpu.memory_space<semaphore_mem>> -> memref<1x!tpu.dma_semaphore, #tpu.memory_space<semaphore_mem>>
    %dma_start3A_420 = tpu.memref_squeeze %dma_start3A_419 : memref<1x!tpu.dma_semaphore, #tpu.memory_space<semaphore_mem>> -> memref<!tpu.dma_semaphore, #tpu.memory_space<semaphore_mem>>
    %dma_start3A_421 = tpu.memref_slice %arg4[%mul3A_412] : memref<13631488xf32, #tpu.memory_space<hbm>> -> memref<32768xf32, #tpu.memory_space<hbm>>
    %dma_start3A_422 = arith.constant 0 : i32
    %dma_start3A_423 = tpu.memref_slice %arg6[%dma_start3A_413, %dma_start3A_422] : memref<2x32768xf32, #tpu.memory_space<vmem>> -> memref<1x32768xf32, #tpu.memory_space<vmem>>
    %dma_start3A_424 = tpu.memref_squeeze %dma_start3A_423 : memref<1x32768xf32, #tpu.memory_space<vmem>> -> memref<32768xf32, #tpu.memory_space<vmem>>
    tpu.enqueue_dma source(%dma_start3A_424 : memref<32768xf32, #tpu.memory_space<vmem>>) target(%dma_start3A_421 : memref<32768xf32, #tpu.memory_space<hbm>>) target_semaphore(%dma_start3A_420 : memref<!tpu.dma_semaphore, #tpu.memory_space<semaphore_mem>>)
    %dma_wait3A_425 = arith.constant 1 : i32
    %dma_wait3A_426 = arith.constant 1 : i32
    %dma_wait3A_427 = arith.constant 0 : i32
    %dma_wait3A_428 = tpu.memref_slice %arg6[%dma_wait3A_425, %dma_wait3A_427] : memref<2x32768xf32, #tpu.memory_space<vmem>> -> memref<1x32768xf32, #tpu.memory_space<vmem>>
    %dma_wait3A_429 = tpu.memref_squeeze %dma_wait3A_428 : memref<1x32768xf32, #tpu.memory_space<vmem>> -> memref<32768xf32, #tpu.memory_space<vmem>>
    %dma_wait3A_430 = tpu.memref_slice %arg4[%mul3A_412] : memref<13631488xf32, #tpu.memory_space<hbm>> -> memref<32768xf32, #tpu.memory_space<hbm>>
    %dma_wait3A_431 = tpu.memref_slice %arg7[%dma_wait3A_426] : memref<2x!tpu.dma_semaphore, #tpu.memory_space<semaphore_mem>> -> memref<1x!tpu.dma_semaphore, #tpu.memory_space<semaphore_mem>>
    %dma_wait3A_432 = tpu.memref_squeeze %dma_wait3A_431 : memref<1x!tpu.dma_semaphore, #tpu.memory_space<semaphore_mem>> -> memref<!tpu.dma_semaphore, #tpu.memory_space<semaphore_mem>>
    %dma_wait3A_433 = tpu.memref_slice %arg4[%mul3A_412] : memref<13631488xf32, #tpu.memory_space<hbm>> -> memref<32768xf32, #tpu.memory_space<hbm>>
    %dma_wait3A_434 = arith.constant 0 : i32
    %dma_wait3A_435 = tpu.memref_slice %arg6[%dma_wait3A_425, %dma_wait3A_434] : memref<2x32768xf32, #tpu.memory_space<vmem>> -> memref<1x32768xf32, #tpu.memory_space<vmem>>
    %dma_wait3A_436 = tpu.memref_squeeze %dma_wait3A_435 : memref<1x32768xf32, #tpu.memory_space<vmem>> -> memref<32768xf32, #tpu.memory_space<vmem>>
    tpu.wait_dma2 semaphore(%dma_wait3A_432 : memref<!tpu.dma_semaphore, #tpu.memory_space<semaphore_mem>>) src(%dma_wait3A_436 : memref<32768xf32, #tpu.memory_space<vmem>>) dst(%dma_wait3A_433 : memref<32768xf32, #tpu.memory_space<hbm>>)
    %dma_wait3A_437 = arith.constant 0 : i32
    %dma_wait3A_438 = arith.constant 0 : i32
    %dma_wait3A_439 = arith.constant 0 : i32
    %dma_wait3A_440 = tpu.memref_slice %arg6[%dma_wait3A_437, %dma_wait3A_439] : memref<2x32768xf32, #tpu.memory_space<vmem>> -> memref<1x32768xf32, #tpu.memory_space<vmem>>
    %dma_wait3A_441 = tpu.memref_squeeze %dma_wait3A_440 : memref<1x32768xf32, #tpu.memory_space<vmem>> -> memref<32768xf32, #tpu.memory_space<vmem>>
    %dma_wait3A_442 = tpu.memref_slice %arg3[%mul3A_346] : memref<13631488xf32, #tpu.memory_space<hbm>> -> memref<32768xf32, #tpu.memory_space<hbm>>
    %dma_wait3A_443 = tpu.memref_slice %arg7[%dma_wait3A_438] : memref<2x!tpu.dma_semaphore, #tpu.memory_space<semaphore_mem>> -> memref<1x!tpu.dma_semaphore, #tpu.memory_space<semaphore_mem>>
    %dma_wait3A_444 = tpu.memref_squeeze %dma_wait3A_443 : memref<1x!tpu.dma_semaphore, #tpu.memory_space<semaphore_mem>> -> memref<!tpu.dma_semaphore, #tpu.memory_space<semaphore_mem>>
    %dma_wait3A_445 = arith.constant 0 : i32
    %dma_wait3A_446 = tpu.memref_slice %arg6[%dma_wait3A_437, %dma_wait3A_445] : memref<2x32768xf32, #tpu.memory_space<vmem>> -> memref<1x32768xf32, #tpu.memory_space<vmem>>
    %dma_wait3A_447 = tpu.memref_squeeze %dma_wait3A_446 : memref<1x32768xf32, #tpu.memory_space<vmem>> -> memref<32768xf32, #tpu.memory_space<vmem>>
    %dma_wait3A_448 = tpu.memref_slice %arg3[%mul3A_346] : memref<13631488xf32, #tpu.memory_space<hbm>> -> memref<32768xf32, #tpu.memory_space<hbm>>
    tpu.wait_dma2 semaphore(%dma_wait3A_444 : memref<!tpu.dma_semaphore, #tpu.memory_space<semaphore_mem>>) src(%dma_wait3A_448 : memref<32768xf32, #tpu.memory_space<hbm>>) dst(%dma_wait3A_447 : memref<32768xf32, #tpu.memory_space<vmem>>)
    %add3A_449 = arith.constant 4 : i32
    %add3A_450 = arith.addi %mul3A_2, %add3A_449 : i32
    %add3A_451 = arith.constant 1 : i32
    %add3A_452 = arith.addi %add3A_450, %add3A_451 : i32
    %mul3A_453 = arith.constant 32768 : i32
    %mul3A_454 = arith.muli %add3A_452, %mul3A_453 : i32
    %dma_start3A_455 = arith.constant 1 : i32
    %dma_start3A_456 = arith.constant 1 : i32
    %dma_start3A_457 = arith.constant 0 : i32
    %dma_start3A_458 = tpu.memref_slice %arg6[%dma_start3A_455, %dma_start3A_457] : memref<2x32768xf32, #tpu.memory_space<vmem>> -> memref<1x32768xf32, #tpu.memory_space<vmem>>
    %dma_start3A_459 = tpu.memref_squeeze %dma_start3A_458 : memref<1x32768xf32, #tpu.memory_space<vmem>> -> memref<32768xf32, #tpu.memory_space<vmem>>
    %dma_start3A_460 = tpu.memref_slice %arg3[%mul3A_454] : memref<13631488xf32, #tpu.memory_space<hbm>> -> memref<32768xf32, #tpu.memory_space<hbm>>
    %dma_start3A_461 = tpu.memref_slice %arg7[%dma_start3A_456] : memref<2x!tpu.dma_semaphore, #tpu.memory_space<semaphore_mem>> -> memref<1x!tpu.dma_semaphore, #tpu.memory_space<semaphore_mem>>
    %dma_start3A_462 = tpu.memref_squeeze %dma_start3A_461 : memref<1x!tpu.dma_semaphore, #tpu.memory_space<semaphore_mem>> -> memref<!tpu.dma_semaphore, #tpu.memory_space<semaphore_mem>>
    %dma_start3A_463 = arith.constant 0 : i32
    %dma_start3A_464 = tpu.memref_slice %arg6[%dma_start3A_455, %dma_start3A_463] : memref<2x32768xf32, #tpu.memory_space<vmem>> -> memref<1x32768xf32, #tpu.memory_space<vmem>>
    %dma_start3A_465 = tpu.memref_squeeze %dma_start3A_464 : memref<1x32768xf32, #tpu.memory_space<vmem>> -> memref<32768xf32, #tpu.memory_space<vmem>>
    %dma_start3A_466 = tpu.memref_slice %arg3[%mul3A_454] : memref<13631488xf32, #tpu.memory_space<hbm>> -> memref<32768xf32, #tpu.memory_space<hbm>>
    tpu.enqueue_dma source(%dma_start3A_466 : memref<32768xf32, #tpu.memory_space<hbm>>) target(%dma_start3A_465 : memref<32768xf32, #tpu.memory_space<vmem>>) target_semaphore(%dma_start3A_462 : memref<!tpu.dma_semaphore, #tpu.memory_space<semaphore_mem>>)
    %jit3A_467 = arith.constant 4 : i32
    %div3A_468 = arith.divsi %add3A_450, %jit3A_467 : i32
    %sign3A_469 = arith.constant 0 : i32
    %sign3A_470 = arith.cmpi sgt, %add3A_450, %sign3A_469 : i32
    %sign3A_471 = arith.extui %sign3A_470 : i1 to i32
    %sign3A_472 = arith.constant 0 : i32
    %sign3A_473 = arith.cmpi slt, %add3A_450, %sign3A_472 : i32
    %sign3A_474 = arith.extui %sign3A_473 : i1 to i32
    %sign3A_475 = arith.subi %sign3A_471, %sign3A_474 : i32
    %sign3A_476 = arith.constant 0 : i32
    %sign3A_477 = arith.cmpi sgt, %jit3A_467, %sign3A_476 : i32
    %sign3A_478 = arith.extui %sign3A_477 : i1 to i32
    %sign3A_479 = arith.constant 0 : i32
    %sign3A_480 = arith.cmpi slt, %jit3A_467, %sign3A_479 : i32
    %sign3A_481 = arith.extui %sign3A_480 : i1 to i32
    %sign3A_482 = arith.subi %sign3A_478, %sign3A_481 : i32
    %ne3A_483 = arith.cmpi ne, %sign3A_475, %sign3A_482 : i32
    %rem3A_484 = arith.remsi %add3A_450, %jit3A_467 : i32
    %ne3A_485 = arith.constant 0 : i32
    %ne3A_486 = arith.cmpi ne, %rem3A_484, %ne3A_485 : i32
    %and3A_487 = arith.andi %ne3A_483, %ne3A_486 : i1
    %sub3A_488 = arith.constant 1 : i32
    %sub3A_489 = arith.subi %div3A_468, %sub3A_488 : i32
    %select_n3A_490 = arith.select %and3A_487, %sub3A_489, %div3A_468 : i32
    %mul3A_491 = arith.constant 4 : i32
    %mul3A_492 = arith.muli %select_n3A_490, %mul3A_491 : i32
    %mul3A_493 = arith.constant 16 : i32
    %mul3A_494 = arith.muli %mul3A_492, %mul3A_493 : i32
    %get3A_495 = arith.index_cast %mul3A_494 : i32 to index
    %get3A_496 = tpu.vector_load %arg5[%get3A_495] {strides = array<i32>} : memref<6656xf32, #tpu.memory_space<vmem>>, vector<16xf32>,
    %get3A_497 = vector.shape_cast %get3A_496 : vector<16xf32> to vector<16xf32>
    %add3A_498 = arith.constant 16 : i32
    %add3A_499 = arith.addi %mul3A_494, %add3A_498 : i32
    %get3A_500 = arith.index_cast %add3A_499 : i32 to index
    %get3A_501 = tpu.vector_load %arg5[%get3A_500] {strides = array<i32>} : memref<6656xf32, #tpu.memory_space<vmem>>, vector<16xf32>,
    %get3A_502 = vector.shape_cast %get3A_501 : vector<16xf32> to vector<16xf32>
    %add3A_503 = arith.constant 32 : i32
    %add3A_504 = arith.addi %mul3A_494, %add3A_503 : i32
    %get3A_505 = arith.index_cast %add3A_504 : i32 to index
    %get3A_506 = tpu.vector_load %arg5[%get3A_505] {strides = array<i32>} : memref<6656xf32, #tpu.memory_space<vmem>>, vector<16xf32>,
    %get3A_507 = vector.shape_cast %get3A_506 : vector<16xf32> to vector<16xf32>
    %add3A_508 = arith.constant 48 : i32
    %add3A_509 = arith.addi %mul3A_494, %add3A_508 : i32
    %get3A_510 = arith.index_cast %add3A_509 : i32 to index
    %get3A_511 = tpu.vector_load %arg5[%get3A_510] {strides = array<i32>} : memref<6656xf32, #tpu.memory_space<vmem>>, vector<16xf32>,
    %get3A_512 = vector.shape_cast %get3A_511 : vector<16xf32> to vector<16xf32>
    %scan3A_513 = arith.constant 0 : i32
    %scan3A_514 = arith.constant 0 : i32
    %scan3A_515 = arith.constant 2048 : i32
    %scan3A_516 = arith.addi %scan3A_514, %scan3A_515 : i32
    %scan3A_517 = arith.constant 1 : i32
    scf.for %scan3A_1393 = %scan3A_514 to %scan3A_516 step %scan3A_517  : i32 {
      %mul3A_1394 = arith.constant 16 : i32
      %mul3A_1395 = arith.muli %scan3A_1393, %mul3A_1394 : i32
      %get3A_1396 = arith.constant 0 : i32
      %get3A_1397 = arith.index_cast %get3A_1396 : i32 to index
      %get3A_1398 = arith.index_cast %mul3A_1395 : i32 to index
      %get3A_1399 = tpu.vector_load %arg6[%get3A_1397, %get3A_1398] {strides = array<i32>} : memref<2x32768xf32, #tpu.memory_space<vmem>>, vector<1x16xf32>,
      %get3A_1400 = vector.shape_cast %get3A_1399 : vector<1x16xf32> to vector<16xf32>
      %mul3A_1401 = arith.mulf %get3A_1400, %get3A_497 : vector<16xf32>
      %sub3A_1402 = arith.subf %mul3A_1401, %get3A_502 : vector<16xf32>
      %exp3A = math.exp %sub3A_1402 : vector<16xf32>
      %add3A_1403 = arith.constant 1.000000e+00 : f32
      %add3A_1404 = vector.broadcast %add3A_1403 : f32 to vector<16xf32>
      %add3A_1405 = arith.addf %exp3A, %add3A_1404 : vector<16xf32>
      %div3A_1406 = arith.divf %get3A_512, %add3A_1405 : vector<16xf32>
      %sub3A_1407 = arith.subf %get3A_507, %div3A_1406 : vector<16xf32>
      %mul3A_1408 = arith.constant 16 : i32
      %mul3A_1409 = arith.muli %scan3A_1393, %mul3A_1408 : i32
      %swap3A = arith.constant 0 : i32
      %swap3A_1410 = arith.index_cast %swap3A : i32 to index
      %swap3A_1411 = arith.index_cast %mul3A_1409 : i32 to index
      %swap3A_1412 = tpu.vector_load %arg6[%swap3A_1410, %swap3A_1411] {strides = array<i32>} : memref<2x32768xf32, #tpu.memory_space<vmem>>, vector<1x16xf32>,
      %swap3A_1413 = vector.shape_cast %swap3A_1412 : vector<1x16xf32> to vector<16xf32>
      %swap3A_1414 = vector.shape_cast %sub3A_1407 : vector<16xf32> to vector<1x16xf32>
      tpu.vector_store %arg6[%swap3A_1410, %swap3A_1411], %swap3A_1414 {strides = array<i32>} : memref<2x32768xf32, #tpu.memory_space<vmem>>, vector<1x16xf32>,
    }
    %scan3A_518 = arith.constant 2048 : i32
    %mul3A_519 = arith.constant 32768 : i32
    %mul3A_520 = arith.muli %add3A_450, %mul3A_519 : i32
    %dma_start3A_521 = arith.constant 0 : i32
    %dma_start3A_522 = arith.constant 0 : i32
    %dma_start3A_523 = arith.constant 0 : i32
    %dma_start3A_524 = tpu.memref_slice %arg6[%dma_start3A_521, %dma_start3A_523] : memref<2x32768xf32, #tpu.memory_space<vmem>> -> memref<1x32768xf32, #tpu.memory_space<vmem>>
    %dma_start3A_525 = tpu.memref_squeeze %dma_start3A_524 : memref<1x32768xf32, #tpu.memory_space<vmem>> -> memref<32768xf32, #tpu.memory_space<vmem>>
    %dma_start3A_526 = tpu.memref_slice %arg4[%mul3A_520] : memref<13631488xf32, #tpu.memory_space<hbm>> -> memref<32768xf32, #tpu.memory_space<hbm>>
    %dma_start3A_527 = tpu.memref_slice %arg7[%dma_start3A_522] : memref<2x!tpu.dma_semaphore, #tpu.memory_space<semaphore_mem>> -> memref<1x!tpu.dma_semaphore, #tpu.memory_space<semaphore_mem>>
    %dma_start3A_528 = tpu.memref_squeeze %dma_start3A_527 : memref<1x!tpu.dma_semaphore, #tpu.memory_space<semaphore_mem>> -> memref<!tpu.dma_semaphore, #tpu.memory_space<semaphore_mem>>
    %dma_start3A_529 = tpu.memref_slice %arg4[%mul3A_520] : memref<13631488xf32, #tpu.memory_space<hbm>> -> memref<32768xf32, #tpu.memory_space<hbm>>
    %dma_start3A_530 = arith.constant 0 : i32
    %dma_start3A_531 = tpu.memref_slice %arg6[%dma_start3A_521, %dma_start3A_530] : memref<2x32768xf32, #tpu.memory_space<vmem>> -> memref<1x32768xf32, #tpu.memory_space<vmem>>
    %dma_start3A_532 = tpu.memref_squeeze %dma_start3A_531 : memref<1x32768xf32, #tpu.memory_space<vmem>> -> memref<32768xf32, #tpu.memory_space<vmem>>
    tpu.enqueue_dma source(%dma_start3A_532 : memref<32768xf32, #tpu.memory_space<vmem>>) target(%dma_start3A_529 : memref<32768xf32, #tpu.memory_space<hbm>>) target_semaphore(%dma_start3A_528 : memref<!tpu.dma_semaphore, #tpu.memory_space<semaphore_mem>>)
    %dma_wait3A_533 = arith.constant 0 : i32
    %dma_wait3A_534 = arith.constant 0 : i32
    %dma_wait3A_535 = arith.constant 0 : i32
    %dma_wait3A_536 = tpu.memref_slice %arg6[%dma_wait3A_533, %dma_wait3A_535] : memref<2x32768xf32, #tpu.memory_space<vmem>> -> memref<1x32768xf32, #tpu.memory_space<vmem>>
    %dma_wait3A_537 = tpu.memref_squeeze %dma_wait3A_536 : memref<1x32768xf32, #tpu.memory_space<vmem>> -> memref<32768xf32, #tpu.memory_space<vmem>>
    %dma_wait3A_538 = tpu.memref_slice %arg4[%mul3A_520] : memref<13631488xf32, #tpu.memory_space<hbm>> -> memref<32768xf32, #tpu.memory_space<hbm>>
    %dma_wait3A_539 = tpu.memref_slice %arg7[%dma_wait3A_534] : memref<2x!tpu.dma_semaphore, #tpu.memory_space<semaphore_mem>> -> memref<1x!tpu.dma_semaphore, #tpu.memory_space<semaphore_mem>>
    %dma_wait3A_540 = tpu.memref_squeeze %dma_wait3A_539 : memref<1x!tpu.dma_semaphore, #tpu.memory_space<semaphore_mem>> -> memref<!tpu.dma_semaphore, #tpu.memory_space<semaphore_mem>>
    %dma_wait3A_541 = tpu.memref_slice %arg4[%mul3A_520] : memref<13631488xf32, #tpu.memory_space<hbm>> -> memref<32768xf32, #tpu.memory_space<hbm>>
    %dma_wait3A_542 = arith.constant 0 : i32
    %dma_wait3A_543 = tpu.memref_slice %arg6[%dma_wait3A_533, %dma_wait3A_542] : memref<2x32768xf32, #tpu.memory_space<vmem>> -> memref<1x32768xf32, #tpu.memory_space<vmem>>
    %dma_wait3A_544 = tpu.memref_squeeze %dma_wait3A_543 : memref<1x32768xf32, #tpu.memory_space<vmem>> -> memref<32768xf32, #tpu.memory_space<vmem>>
    tpu.wait_dma2 semaphore(%dma_wait3A_540 : memref<!tpu.dma_semaphore, #tpu.memory_space<semaphore_mem>>) src(%dma_wait3A_544 : memref<32768xf32, #tpu.memory_space<vmem>>) dst(%dma_wait3A_541 : memref<32768xf32, #tpu.memory_space<hbm>>)
    %dma_wait3A_545 = arith.constant 1 : i32
    %dma_wait3A_546 = arith.constant 1 : i32
    %dma_wait3A_547 = arith.constant 0 : i32
    %dma_wait3A_548 = tpu.memref_slice %arg6[%dma_wait3A_545, %dma_wait3A_547] : memref<2x32768xf32, #tpu.memory_space<vmem>> -> memref<1x32768xf32, #tpu.memory_space<vmem>>
    %dma_wait3A_549 = tpu.memref_squeeze %dma_wait3A_548 : memref<1x32768xf32, #tpu.memory_space<vmem>> -> memref<32768xf32, #tpu.memory_space<vmem>>
    %dma_wait3A_550 = tpu.memref_slice %arg3[%mul3A_454] : memref<13631488xf32, #tpu.memory_space<hbm>> -> memref<32768xf32, #tpu.memory_space<hbm>>
    %dma_wait3A_551 = tpu.memref_slice %arg7[%dma_wait3A_546] : memref<2x!tpu.dma_semaphore, #tpu.memory_space<semaphore_mem>> -> memref<1x!tpu.dma_semaphore, #tpu.memory_space<semaphore_mem>>
    %dma_wait3A_552 = tpu.memref_squeeze %dma_wait3A_551 : memref<1x!tpu.dma_semaphore, #tpu.memory_space<semaphore_mem>> -> memref<!tpu.dma_semaphore, #tpu.memory_space<semaphore_mem>>
    %dma_wait3A_553 = arith.constant 0 : i32
    %dma_wait3A_554 = tpu.memref_slice %arg6[%dma_wait3A_545, %dma_wait3A_553] : memref<2x32768xf32, #tpu.memory_space<vmem>> -> memref<1x32768xf32, #tpu.memory_space<vmem>>
    %dma_wait3A_555 = tpu.memref_squeeze %dma_wait3A_554 : memref<1x32768xf32, #tpu.memory_space<vmem>> -> memref<32768xf32, #tpu.memory_space<vmem>>
    %dma_wait3A_556 = tpu.memref_slice %arg3[%mul3A_454] : memref<13631488xf32, #tpu.memory_space<hbm>> -> memref<32768xf32, #tpu.memory_space<hbm>>
    tpu.wait_dma2 semaphore(%dma_wait3A_552 : memref<!tpu.dma_semaphore, #tpu.memory_space<semaphore_mem>>) src(%dma_wait3A_556 : memref<32768xf32, #tpu.memory_space<hbm>>) dst(%dma_wait3A_555 : memref<32768xf32, #tpu.memory_space<vmem>>)
    %add3A_557 = arith.constant 5 : i32
    %add3A_558 = arith.addi %mul3A_2, %add3A_557 : i32
    %add3A_559 = arith.constant 1 : i32
    %add3A_560 = arith.addi %add3A_558, %add3A_559 : i32
    %mul3A_561 = arith.constant 32768 : i32
    %mul3A_562 = arith.muli %add3A_560, %mul3A_561 : i32
    %dma_start3A_563 = arith.constant 0 : i32
    %dma_start3A_564 = arith.constant 0 : i32
    %dma_start3A_565 = arith.constant 0 : i32
    %dma_start3A_566 = tpu.memref_slice %arg6[%dma_start3A_563, %dma_start3A_565] : memref<2x32768xf32, #tpu.memory_space<vmem>> -> memref<1x32768xf32, #tpu.memory_space<vmem>>
    %dma_start3A_567 = tpu.memref_squeeze %dma_start3A_566 : memref<1x32768xf32, #tpu.memory_space<vmem>> -> memref<32768xf32, #tpu.memory_space<vmem>>
    %dma_start3A_568 = tpu.memref_slice %arg3[%mul3A_562] : memref<13631488xf32, #tpu.memory_space<hbm>> -> memref<32768xf32, #tpu.memory_space<hbm>>
    %dma_start3A_569 = tpu.memref_slice %arg7[%dma_start3A_564] : memref<2x!tpu.dma_semaphore, #tpu.memory_space<semaphore_mem>> -> memref<1x!tpu.dma_semaphore, #tpu.memory_space<semaphore_mem>>
    %dma_start3A_570 = tpu.memref_squeeze %dma_start3A_569 : memref<1x!tpu.dma_semaphore, #tpu.memory_space<semaphore_mem>> -> memref<!tpu.dma_semaphore, #tpu.memory_space<semaphore_mem>>
    %dma_start3A_571 = arith.constant 0 : i32
    %dma_start3A_572 = tpu.memref_slice %arg6[%dma_start3A_563, %dma_start3A_571] : memref<2x32768xf32, #tpu.memory_space<vmem>> -> memref<1x32768xf32, #tpu.memory_space<vmem>>
    %dma_start3A_573 = tpu.memref_squeeze %dma_start3A_572 : memref<1x32768xf32, #tpu.memory_space<vmem>> -> memref<32768xf32, #tpu.memory_space<vmem>>
    %dma_start3A_574 = tpu.memref_slice %arg3[%mul3A_562] : memref<13631488xf32, #tpu.memory_space<hbm>> -> memref<32768xf32, #tpu.memory_space<hbm>>
    tpu.enqueue_dma source(%dma_start3A_574 : memref<32768xf32, #tpu.memory_space<hbm>>) target(%dma_start3A_573 : memref<32768xf32, #tpu.memory_space<vmem>>) target_semaphore(%dma_start3A_570 : memref<!tpu.dma_semaphore, #tpu.memory_space<semaphore_mem>>)
    %jit3A_575 = arith.constant 4 : i32
    %div3A_576 = arith.divsi %add3A_558, %jit3A_575 : i32
    %sign3A_577 = arith.constant 0 : i32
    %sign3A_578 = arith.cmpi sgt, %add3A_558, %sign3A_577 : i32
    %sign3A_579 = arith.extui %sign3A_578 : i1 to i32
    %sign3A_580 = arith.constant 0 : i32
    %sign3A_581 = arith.cmpi slt, %add3A_558, %sign3A_580 : i32
    %sign3A_582 = arith.extui %sign3A_581 : i1 to i32
    %sign3A_583 = arith.subi %sign3A_579, %sign3A_582 : i32
    %sign3A_584 = arith.constant 0 : i32
    %sign3A_585 = arith.cmpi sgt, %jit3A_575, %sign3A_584 : i32
    %sign3A_586 = arith.extui %sign3A_585 : i1 to i32
    %sign3A_587 = arith.constant 0 : i32
    %sign3A_588 = arith.cmpi slt, %jit3A_575, %sign3A_587 : i32
    %sign3A_589 = arith.extui %sign3A_588 : i1 to i32
    %sign3A_590 = arith.subi %sign3A_586, %sign3A_589 : i32
    %ne3A_591 = arith.cmpi ne, %sign3A_583, %sign3A_590 : i32
    %rem3A_592 = arith.remsi %add3A_558, %jit3A_575 : i32
    %ne3A_593 = arith.constant 0 : i32
    %ne3A_594 = arith.cmpi ne, %rem3A_592, %ne3A_593 : i32
    %and3A_595 = arith.andi %ne3A_591, %ne3A_594 : i1
    %sub3A_596 = arith.constant 1 : i32
    %sub3A_597 = arith.subi %div3A_576, %sub3A_596 : i32
    %select_n3A_598 = arith.select %and3A_595, %sub3A_597, %div3A_576 : i32
    %mul3A_599 = arith.constant 4 : i32
    %mul3A_600 = arith.muli %select_n3A_598, %mul3A_599 : i32
    %mul3A_601 = arith.constant 16 : i32
    %mul3A_602 = arith.muli %mul3A_600, %mul3A_601 : i32
    %get3A_603 = arith.index_cast %mul3A_602 : i32 to index
    %get3A_604 = tpu.vector_load %arg5[%get3A_603] {strides = array<i32>} : memref<6656xf32, #tpu.memory_space<vmem>>, vector<16xf32>,
    %get3A_605 = vector.shape_cast %get3A_604 : vector<16xf32> to vector<16xf32>
    %add3A_606 = arith.constant 16 : i32
    %add3A_607 = arith.addi %mul3A_602, %add3A_606 : i32
    %get3A_608 = arith.index_cast %add3A_607 : i32 to index
    %get3A_609 = tpu.vector_load %arg5[%get3A_608] {strides = array<i32>} : memref<6656xf32, #tpu.memory_space<vmem>>, vector<16xf32>,
    %get3A_610 = vector.shape_cast %get3A_609 : vector<16xf32> to vector<16xf32>
    %add3A_611 = arith.constant 32 : i32
    %add3A_612 = arith.addi %mul3A_602, %add3A_611 : i32
    %get3A_613 = arith.index_cast %add3A_612 : i32 to index
    %get3A_614 = tpu.vector_load %arg5[%get3A_613] {strides = array<i32>} : memref<6656xf32, #tpu.memory_space<vmem>>, vector<16xf32>,
    %get3A_615 = vector.shape_cast %get3A_614 : vector<16xf32> to vector<16xf32>
    %add3A_616 = arith.constant 48 : i32
    %add3A_617 = arith.addi %mul3A_602, %add3A_616 : i32
    %get3A_618 = arith.index_cast %add3A_617 : i32 to index
    %get3A_619 = tpu.vector_load %arg5[%get3A_618] {strides = array<i32>} : memref<6656xf32, #tpu.memory_space<vmem>>, vector<16xf32>,
    %get3A_620 = vector.shape_cast %get3A_619 : vector<16xf32> to vector<16xf32>
    %scan3A_621 = arith.constant 0 : i32
    %scan3A_622 = arith.constant 0 : i32
    %scan3A_623 = arith.constant 2048 : i32
    %scan3A_624 = arith.addi %scan3A_622, %scan3A_623 : i32
    %scan3A_625 = arith.constant 1 : i32
    scf.for %scan3A_1393 = %scan3A_622 to %scan3A_624 step %scan3A_625  : i32 {
      %mul3A_1394 = arith.constant 16 : i32
      %mul3A_1395 = arith.muli %scan3A_1393, %mul3A_1394 : i32
      %get3A_1396 = arith.constant 1 : i32
      %get3A_1397 = arith.index_cast %get3A_1396 : i32 to index
      %get3A_1398 = arith.index_cast %mul3A_1395 : i32 to index
      %get3A_1399 = tpu.vector_load %arg6[%get3A_1397, %get3A_1398] {strides = array<i32>} : memref<2x32768xf32, #tpu.memory_space<vmem>>, vector<1x16xf32>,
      %get3A_1400 = vector.shape_cast %get3A_1399 : vector<1x16xf32> to vector<16xf32>
      %mul3A_1401 = arith.mulf %get3A_1400, %get3A_605 : vector<16xf32>
      %sub3A_1402 = arith.subf %mul3A_1401, %get3A_610 : vector<16xf32>
      %exp3A = math.exp %sub3A_1402 : vector<16xf32>
      %add3A_1403 = arith.constant 1.000000e+00 : f32
      %add3A_1404 = vector.broadcast %add3A_1403 : f32 to vector<16xf32>
      %add3A_1405 = arith.addf %exp3A, %add3A_1404 : vector<16xf32>
      %div3A_1406 = arith.divf %get3A_620, %add3A_1405 : vector<16xf32>
      %sub3A_1407 = arith.subf %get3A_615, %div3A_1406 : vector<16xf32>
      %mul3A_1408 = arith.constant 16 : i32
      %mul3A_1409 = arith.muli %scan3A_1393, %mul3A_1408 : i32
      %swap3A = arith.constant 1 : i32
      %swap3A_1410 = arith.index_cast %swap3A : i32 to index
      %swap3A_1411 = arith.index_cast %mul3A_1409 : i32 to index
      %swap3A_1412 = tpu.vector_load %arg6[%swap3A_1410, %swap3A_1411] {strides = array<i32>} : memref<2x32768xf32, #tpu.memory_space<vmem>>, vector<1x16xf32>,
      %swap3A_1413 = vector.shape_cast %swap3A_1412 : vector<1x16xf32> to vector<16xf32>
      %swap3A_1414 = vector.shape_cast %sub3A_1407 : vector<16xf32> to vector<1x16xf32>
      tpu.vector_store %arg6[%swap3A_1410, %swap3A_1411], %swap3A_1414 {strides = array<i32>} : memref<2x32768xf32, #tpu.memory_space<vmem>>, vector<1x16xf32>,
    }
    %scan3A_626 = arith.constant 2048 : i32
    %mul3A_627 = arith.constant 32768 : i32
    %mul3A_628 = arith.muli %add3A_558, %mul3A_627 : i32
    %dma_start3A_629 = arith.constant 1 : i32
    %dma_start3A_630 = arith.constant 1 : i32
    %dma_start3A_631 = arith.constant 0 : i32
    %dma_start3A_632 = tpu.memref_slice %arg6[%dma_start3A_629, %dma_start3A_631] : memref<2x32768xf32, #tpu.memory_space<vmem>> -> memref<1x32768xf32, #tpu.memory_space<vmem>>
    %dma_start3A_633 = tpu.memref_squeeze %dma_start3A_632 : memref<1x32768xf32, #tpu.memory_space<vmem>> -> memref<32768xf32, #tpu.memory_space<vmem>>
    %dma_start3A_634 = tpu.memref_slice %arg4[%mul3A_628] : memref<13631488xf32, #tpu.memory_space<hbm>> -> memref<32768xf32, #tpu.memory_space<hbm>>
    %dma_start3A_635 = tpu.memref_slice %arg7[%dma_start3A_630] : memref<2x!tpu.dma_semaphore, #tpu.memory_space<semaphore_mem>> -> memref<1x!tpu.dma_semaphore, #tpu.memory_space<semaphore_mem>>
    %dma_start3A_636 = tpu.memref_squeeze %dma_start3A_635 : memref<1x!tpu.dma_semaphore, #tpu.memory_space<semaphore_mem>> -> memref<!tpu.dma_semaphore, #tpu.memory_space<semaphore_mem>>
    %dma_start3A_637 = tpu.memref_slice %arg4[%mul3A_628] : memref<13631488xf32, #tpu.memory_space<hbm>> -> memref<32768xf32, #tpu.memory_space<hbm>>
    %dma_start3A_638 = arith.constant 0 : i32
    %dma_start3A_639 = tpu.memref_slice %arg6[%dma_start3A_629, %dma_start3A_638] : memref<2x32768xf32, #tpu.memory_space<vmem>> -> memref<1x32768xf32, #tpu.memory_space<vmem>>
    %dma_start3A_640 = tpu.memref_squeeze %dma_start3A_639 : memref<1x32768xf32, #tpu.memory_space<vmem>> -> memref<32768xf32, #tpu.memory_space<vmem>>
    tpu.enqueue_dma source(%dma_start3A_640 : memref<32768xf32, #tpu.memory_space<vmem>>) target(%dma_start3A_637 : memref<32768xf32, #tpu.memory_space<hbm>>) target_semaphore(%dma_start3A_636 : memref<!tpu.dma_semaphore, #tpu.memory_space<semaphore_mem>>)
    %dma_wait3A_641 = arith.constant 1 : i32
    %dma_wait3A_642 = arith.constant 1 : i32
    %dma_wait3A_643 = arith.constant 0 : i32
    %dma_wait3A_644 = tpu.memref_slice %arg6[%dma_wait3A_641, %dma_wait3A_643] : memref<2x32768xf32, #tpu.memory_space<vmem>> -> memref<1x32768xf32, #tpu.memory_space<vmem>>
    %dma_wait3A_645 = tpu.memref_squeeze %dma_wait3A_644 : memref<1x32768xf32, #tpu.memory_space<vmem>> -> memref<32768xf32, #tpu.memory_space<vmem>>
    %dma_wait3A_646 = tpu.memref_slice %arg4[%mul3A_628] : memref<13631488xf32, #tpu.memory_space<hbm>> -> memref<32768xf32, #tpu.memory_space<hbm>>
    %dma_wait3A_647 = tpu.memref_slice %arg7[%dma_wait3A_642] : memref<2x!tpu.dma_semaphore, #tpu.memory_space<semaphore_mem>> -> memref<1x!tpu.dma_semaphore, #tpu.memory_space<semaphore_mem>>
    %dma_wait3A_648 = tpu.memref_squeeze %dma_wait3A_647 : memref<1x!tpu.dma_semaphore, #tpu.memory_space<semaphore_mem>> -> memref<!tpu.dma_semaphore, #tpu.memory_space<semaphore_mem>>
    %dma_wait3A_649 = tpu.memref_slice %arg4[%mul3A_628] : memref<13631488xf32, #tpu.memory_space<hbm>> -> memref<32768xf32, #tpu.memory_space<hbm>>
    %dma_wait3A_650 = arith.constant 0 : i32
    %dma_wait3A_651 = tpu.memref_slice %arg6[%dma_wait3A_641, %dma_wait3A_650] : memref<2x32768xf32, #tpu.memory_space<vmem>> -> memref<1x32768xf32, #tpu.memory_space<vmem>>
    %dma_wait3A_652 = tpu.memref_squeeze %dma_wait3A_651 : memref<1x32768xf32, #tpu.memory_space<vmem>> -> memref<32768xf32, #tpu.memory_space<vmem>>
    tpu.wait_dma2 semaphore(%dma_wait3A_648 : memref<!tpu.dma_semaphore, #tpu.memory_space<semaphore_mem>>) src(%dma_wait3A_652 : memref<32768xf32, #tpu.memory_space<vmem>>) dst(%dma_wait3A_649 : memref<32768xf32, #tpu.memory_space<hbm>>)
    %dma_wait3A_653 = arith.constant 0 : i32
    %dma_wait3A_654 = arith.constant 0 : i32
    %dma_wait3A_655 = arith.constant 0 : i32
    %dma_wait3A_656 = tpu.memref_slice %arg6[%dma_wait3A_653, %dma_wait3A_655] : memref<2x32768xf32, #tpu.memory_space<vmem>> -> memref<1x32768xf32, #tpu.memory_space<vmem>>
    %dma_wait3A_657 = tpu.memref_squeeze %dma_wait3A_656 : memref<1x32768xf32, #tpu.memory_space<vmem>> -> memref<32768xf32, #tpu.memory_space<vmem>>
    %dma_wait3A_658 = tpu.memref_slice %arg3[%mul3A_562] : memref<13631488xf32, #tpu.memory_space<hbm>> -> memref<32768xf32, #tpu.memory_space<hbm>>
    %dma_wait3A_659 = tpu.memref_slice %arg7[%dma_wait3A_654] : memref<2x!tpu.dma_semaphore, #tpu.memory_space<semaphore_mem>> -> memref<1x!tpu.dma_semaphore, #tpu.memory_space<semaphore_mem>>
    %dma_wait3A_660 = tpu.memref_squeeze %dma_wait3A_659 : memref<1x!tpu.dma_semaphore, #tpu.memory_space<semaphore_mem>> -> memref<!tpu.dma_semaphore, #tpu.memory_space<semaphore_mem>>
    %dma_wait3A_661 = arith.constant 0 : i32
    %dma_wait3A_662 = tpu.memref_slice %arg6[%dma_wait3A_653, %dma_wait3A_661] : memref<2x32768xf32, #tpu.memory_space<vmem>> -> memref<1x32768xf32, #tpu.memory_space<vmem>>
    %dma_wait3A_663 = tpu.memref_squeeze %dma_wait3A_662 : memref<1x32768xf32, #tpu.memory_space<vmem>> -> memref<32768xf32, #tpu.memory_space<vmem>>
    %dma_wait3A_664 = tpu.memref_slice %arg3[%mul3A_562] : memref<13631488xf32, #tpu.memory_space<hbm>> -> memref<32768xf32, #tpu.memory_space<hbm>>
    tpu.wait_dma2 semaphore(%dma_wait3A_660 : memref<!tpu.dma_semaphore, #tpu.memory_space<semaphore_mem>>) src(%dma_wait3A_664 : memref<32768xf32, #tpu.memory_space<hbm>>) dst(%dma_wait3A_663 : memref<32768xf32, #tpu.memory_space<vmem>>)
    %add3A_665 = arith.constant 6 : i32
    %add3A_666 = arith.addi %mul3A_2, %add3A_665 : i32
    %add3A_667 = arith.constant 1 : i32
    %add3A_668 = arith.addi %add3A_666, %add3A_667 : i32
    %mul3A_669 = arith.constant 32768 : i32
    %mul3A_670 = arith.muli %add3A_668, %mul3A_669 : i32
    %dma_start3A_671 = arith.constant 1 : i32
    %dma_start3A_672 = arith.constant 1 : i32
    %dma_start3A_673 = arith.constant 0 : i32
    %dma_start3A_674 = tpu.memref_slice %arg6[%dma_start3A_671, %dma_start3A_673] : memref<2x32768xf32, #tpu.memory_space<vmem>> -> memref<1x32768xf32, #tpu.memory_space<vmem>>
    %dma_start3A_675 = tpu.memref_squeeze %dma_start3A_674 : memref<1x32768xf32, #tpu.memory_space<vmem>> -> memref<32768xf32, #tpu.memory_space<vmem>>
    %dma_start3A_676 = tpu.memref_slice %arg3[%mul3A_670] : memref<13631488xf32, #tpu.memory_space<hbm>> -> memref<32768xf32, #tpu.memory_space<hbm>>
    %dma_start3A_677 = tpu.memref_slice %arg7[%dma_start3A_672] : memref<2x!tpu.dma_semaphore, #tpu.memory_space<semaphore_mem>> -> memref<1x!tpu.dma_semaphore, #tpu.memory_space<semaphore_mem>>
    %dma_start3A_678 = tpu.memref_squeeze %dma_start3A_677 : memref<1x!tpu.dma_semaphore, #tpu.memory_space<semaphore_mem>> -> memref<!tpu.dma_semaphore, #tpu.memory_space<semaphore_mem>>
    %dma_start3A_679 = arith.constant 0 : i32
    %dma_start3A_680 = tpu.memref_slice %arg6[%dma_start3A_671, %dma_start3A_679] : memref<2x32768xf32, #tpu.memory_space<vmem>> -> memref<1x32768xf32, #tpu.memory_space<vmem>>
    %dma_start3A_681 = tpu.memref_squeeze %dma_start3A_680 : memref<1x32768xf32, #tpu.memory_space<vmem>> -> memref<32768xf32, #tpu.memory_space<vmem>>
    %dma_start3A_682 = tpu.memref_slice %arg3[%mul3A_670] : memref<13631488xf32, #tpu.memory_space<hbm>> -> memref<32768xf32, #tpu.memory_space<hbm>>
    tpu.enqueue_dma source(%dma_start3A_682 : memref<32768xf32, #tpu.memory_space<hbm>>) target(%dma_start3A_681 : memref<32768xf32, #tpu.memory_space<vmem>>) target_semaphore(%dma_start3A_678 : memref<!tpu.dma_semaphore, #tpu.memory_space<semaphore_mem>>)
    %jit3A_683 = arith.constant 4 : i32
    %div3A_684 = arith.divsi %add3A_666, %jit3A_683 : i32
    %sign3A_685 = arith.constant 0 : i32
    %sign3A_686 = arith.cmpi sgt, %add3A_666, %sign3A_685 : i32
    %sign3A_687 = arith.extui %sign3A_686 : i1 to i32
    %sign3A_688 = arith.constant 0 : i32
    %sign3A_689 = arith.cmpi slt, %add3A_666, %sign3A_688 : i32
    %sign3A_690 = arith.extui %sign3A_689 : i1 to i32
    %sign3A_691 = arith.subi %sign3A_687, %sign3A_690 : i32
    %sign3A_692 = arith.constant 0 : i32
    %sign3A_693 = arith.cmpi sgt, %jit3A_683, %sign3A_692 : i32
    %sign3A_694 = arith.extui %sign3A_693 : i1 to i32
    %sign3A_695 = arith.constant 0 : i32
    %sign3A_696 = arith.cmpi slt, %jit3A_683, %sign3A_695 : i32
    %sign3A_697 = arith.extui %sign3A_696 : i1 to i32
    %sign3A_698 = arith.subi %sign3A_694, %sign3A_697 : i32
    %ne3A_699 = arith.cmpi ne, %sign3A_691, %sign3A_698 : i32
    %rem3A_700 = arith.remsi %add3A_666, %jit3A_683 : i32
    %ne3A_701 = arith.constant 0 : i32
    %ne3A_702 = arith.cmpi ne, %rem3A_700, %ne3A_701 : i32
    %and3A_703 = arith.andi %ne3A_699, %ne3A_702 : i1
    %sub3A_704 = arith.constant 1 : i32
    %sub3A_705 = arith.subi %div3A_684, %sub3A_704 : i32
    %select_n3A_706 = arith.select %and3A_703, %sub3A_705, %div3A_684 : i32
    %mul3A_707 = arith.constant 4 : i32
    %mul3A_708 = arith.muli %select_n3A_706, %mul3A_707 : i32
    %mul3A_709 = arith.constant 16 : i32
    %mul3A_710 = arith.muli %mul3A_708, %mul3A_709 : i32
    %get3A_711 = arith.index_cast %mul3A_710 : i32 to index
    %get3A_712 = tpu.vector_load %arg5[%get3A_711] {strides = array<i32>} : memref<6656xf32, #tpu.memory_space<vmem>>, vector<16xf32>,
    %get3A_713 = vector.shape_cast %get3A_712 : vector<16xf32> to vector<16xf32>
    %add3A_714 = arith.constant 16 : i32
    %add3A_715 = arith.addi %mul3A_710, %add3A_714 : i32
    %get3A_716 = arith.index_cast %add3A_715 : i32 to index
    %get3A_717 = tpu.vector_load %arg5[%get3A_716] {strides = array<i32>} : memref<6656xf32, #tpu.memory_space<vmem>>, vector<16xf32>,
    %get3A_718 = vector.shape_cast %get3A_717 : vector<16xf32> to vector<16xf32>
    %add3A_719 = arith.constant 32 : i32
    %add3A_720 = arith.addi %mul3A_710, %add3A_719 : i32
    %get3A_721 = arith.index_cast %add3A_720 : i32 to index
    %get3A_722 = tpu.vector_load %arg5[%get3A_721] {strides = array<i32>} : memref<6656xf32, #tpu.memory_space<vmem>>, vector<16xf32>,
    %get3A_723 = vector.shape_cast %get3A_722 : vector<16xf32> to vector<16xf32>
    %add3A_724 = arith.constant 48 : i32
    %add3A_725 = arith.addi %mul3A_710, %add3A_724 : i32
    %get3A_726 = arith.index_cast %add3A_725 : i32 to index
    %get3A_727 = tpu.vector_load %arg5[%get3A_726] {strides = array<i32>} : memref<6656xf32, #tpu.memory_space<vmem>>, vector<16xf32>,
    %get3A_728 = vector.shape_cast %get3A_727 : vector<16xf32> to vector<16xf32>
    %scan3A_729 = arith.constant 0 : i32
    %scan3A_730 = arith.constant 0 : i32
    %scan3A_731 = arith.constant 2048 : i32
    %scan3A_732 = arith.addi %scan3A_730, %scan3A_731 : i32
    %scan3A_733 = arith.constant 1 : i32
    scf.for %scan3A_1393 = %scan3A_730 to %scan3A_732 step %scan3A_733  : i32 {
      %mul3A_1394 = arith.constant 16 : i32
      %mul3A_1395 = arith.muli %scan3A_1393, %mul3A_1394 : i32
      %get3A_1396 = arith.constant 0 : i32
      %get3A_1397 = arith.index_cast %get3A_1396 : i32 to index
      %get3A_1398 = arith.index_cast %mul3A_1395 : i32 to index
      %get3A_1399 = tpu.vector_load %arg6[%get3A_1397, %get3A_1398] {strides = array<i32>} : memref<2x32768xf32, #tpu.memory_space<vmem>>, vector<1x16xf32>,
      %get3A_1400 = vector.shape_cast %get3A_1399 : vector<1x16xf32> to vector<16xf32>
      %mul3A_1401 = arith.mulf %get3A_1400, %get3A_713 : vector<16xf32>
      %sub3A_1402 = arith.subf %mul3A_1401, %get3A_718 : vector<16xf32>
      %exp3A = math.exp %sub3A_1402 : vector<16xf32>
      %add3A_1403 = arith.constant 1.000000e+00 : f32
      %add3A_1404 = vector.broadcast %add3A_1403 : f32 to vector<16xf32>
      %add3A_1405 = arith.addf %exp3A, %add3A_1404 : vector<16xf32>
      %div3A_1406 = arith.divf %get3A_728, %add3A_1405 : vector<16xf32>
      %sub3A_1407 = arith.subf %get3A_723, %div3A_1406 : vector<16xf32>
      %mul3A_1408 = arith.constant 16 : i32
      %mul3A_1409 = arith.muli %scan3A_1393, %mul3A_1408 : i32
      %swap3A = arith.constant 0 : i32
      %swap3A_1410 = arith.index_cast %swap3A : i32 to index
      %swap3A_1411 = arith.index_cast %mul3A_1409 : i32 to index
      %swap3A_1412 = tpu.vector_load %arg6[%swap3A_1410, %swap3A_1411] {strides = array<i32>} : memref<2x32768xf32, #tpu.memory_space<vmem>>, vector<1x16xf32>,
      %swap3A_1413 = vector.shape_cast %swap3A_1412 : vector<1x16xf32> to vector<16xf32>
      %swap3A_1414 = vector.shape_cast %sub3A_1407 : vector<16xf32> to vector<1x16xf32>
      tpu.vector_store %arg6[%swap3A_1410, %swap3A_1411], %swap3A_1414 {strides = array<i32>} : memref<2x32768xf32, #tpu.memory_space<vmem>>, vector<1x16xf32>,
    }
    %scan3A_734 = arith.constant 2048 : i32
    %mul3A_735 = arith.constant 32768 : i32
    %mul3A_736 = arith.muli %add3A_666, %mul3A_735 : i32
    %dma_start3A_737 = arith.constant 0 : i32
    %dma_start3A_738 = arith.constant 0 : i32
    %dma_start3A_739 = arith.constant 0 : i32
    %dma_start3A_740 = tpu.memref_slice %arg6[%dma_start3A_737, %dma_start3A_739] : memref<2x32768xf32, #tpu.memory_space<vmem>> -> memref<1x32768xf32, #tpu.memory_space<vmem>>
    %dma_start3A_741 = tpu.memref_squeeze %dma_start3A_740 : memref<1x32768xf32, #tpu.memory_space<vmem>> -> memref<32768xf32, #tpu.memory_space<vmem>>
    %dma_start3A_742 = tpu.memref_slice %arg4[%mul3A_736] : memref<13631488xf32, #tpu.memory_space<hbm>> -> memref<32768xf32, #tpu.memory_space<hbm>>
    %dma_start3A_743 = tpu.memref_slice %arg7[%dma_start3A_738] : memref<2x!tpu.dma_semaphore, #tpu.memory_space<semaphore_mem>> -> memref<1x!tpu.dma_semaphore, #tpu.memory_space<semaphore_mem>>
    %dma_start3A_744 = tpu.memref_squeeze %dma_start3A_743 : memref<1x!tpu.dma_semaphore, #tpu.memory_space<semaphore_mem>> -> memref<!tpu.dma_semaphore, #tpu.memory_space<semaphore_mem>>
    %dma_start3A_745 = tpu.memref_slice %arg4[%mul3A_736] : memref<13631488xf32, #tpu.memory_space<hbm>> -> memref<32768xf32, #tpu.memory_space<hbm>>
    %dma_start3A_746 = arith.constant 0 : i32
    %dma_start3A_747 = tpu.memref_slice %arg6[%dma_start3A_737, %dma_start3A_746] : memref<2x32768xf32, #tpu.memory_space<vmem>> -> memref<1x32768xf32, #tpu.memory_space<vmem>>
    %dma_start3A_748 = tpu.memref_squeeze %dma_start3A_747 : memref<1x32768xf32, #tpu.memory_space<vmem>> -> memref<32768xf32, #tpu.memory_space<vmem>>
    tpu.enqueue_dma source(%dma_start3A_748 : memref<32768xf32, #tpu.memory_space<vmem>>) target(%dma_start3A_745 : memref<32768xf32, #tpu.memory_space<hbm>>) target_semaphore(%dma_start3A_744 : memref<!tpu.dma_semaphore, #tpu.memory_space<semaphore_mem>>)
    %dma_wait3A_749 = arith.constant 0 : i32
    %dma_wait3A_750 = arith.constant 0 : i32
    %dma_wait3A_751 = arith.constant 0 : i32
    %dma_wait3A_752 = tpu.memref_slice %arg6[%dma_wait3A_749, %dma_wait3A_751] : memref<2x32768xf32, #tpu.memory_space<vmem>> -> memref<1x32768xf32, #tpu.memory_space<vmem>>
    %dma_wait3A_753 = tpu.memref_squeeze %dma_wait3A_752 : memref<1x32768xf32, #tpu.memory_space<vmem>> -> memref<32768xf32, #tpu.memory_space<vmem>>
    %dma_wait3A_754 = tpu.memref_slice %arg4[%mul3A_736] : memref<13631488xf32, #tpu.memory_space<hbm>> -> memref<32768xf32, #tpu.memory_space<hbm>>
    %dma_wait3A_755 = tpu.memref_slice %arg7[%dma_wait3A_750] : memref<2x!tpu.dma_semaphore, #tpu.memory_space<semaphore_mem>> -> memref<1x!tpu.dma_semaphore, #tpu.memory_space<semaphore_mem>>
    %dma_wait3A_756 = tpu.memref_squeeze %dma_wait3A_755 : memref<1x!tpu.dma_semaphore, #tpu.memory_space<semaphore_mem>> -> memref<!tpu.dma_semaphore, #tpu.memory_space<semaphore_mem>>
    %dma_wait3A_757 = tpu.memref_slice %arg4[%mul3A_736] : memref<13631488xf32, #tpu.memory_space<hbm>> -> memref<32768xf32, #tpu.memory_space<hbm>>
    %dma_wait3A_758 = arith.constant 0 : i32
    %dma_wait3A_759 = tpu.memref_slice %arg6[%dma_wait3A_749, %dma_wait3A_758] : memref<2x32768xf32, #tpu.memory_space<vmem>> -> memref<1x32768xf32, #tpu.memory_space<vmem>>
    %dma_wait3A_760 = tpu.memref_squeeze %dma_wait3A_759 : memref<1x32768xf32, #tpu.memory_space<vmem>> -> memref<32768xf32, #tpu.memory_space<vmem>>
    tpu.wait_dma2 semaphore(%dma_wait3A_756 : memref<!tpu.dma_semaphore, #tpu.memory_space<semaphore_mem>>) src(%dma_wait3A_760 : memref<32768xf32, #tpu.memory_space<vmem>>) dst(%dma_wait3A_757 : memref<32768xf32, #tpu.memory_space<hbm>>)
    %dma_wait3A_761 = arith.constant 1 : i32
    %dma_wait3A_762 = arith.constant 1 : i32
    %dma_wait3A_763 = arith.constant 0 : i32
    %dma_wait3A_764 = tpu.memref_slice %arg6[%dma_wait3A_761, %dma_wait3A_763] : memref<2x32768xf32, #tpu.memory_space<vmem>> -> memref<1x32768xf32, #tpu.memory_space<vmem>>
    %dma_wait3A_765 = tpu.memref_squeeze %dma_wait3A_764 : memref<1x32768xf32, #tpu.memory_space<vmem>> -> memref<32768xf32, #tpu.memory_space<vmem>>
    %dma_wait3A_766 = tpu.memref_slice %arg3[%mul3A_670] : memref<13631488xf32, #tpu.memory_space<hbm>> -> memref<32768xf32, #tpu.memory_space<hbm>>
    %dma_wait3A_767 = tpu.memref_slice %arg7[%dma_wait3A_762] : memref<2x!tpu.dma_semaphore, #tpu.memory_space<semaphore_mem>> -> memref<1x!tpu.dma_semaphore, #tpu.memory_space<semaphore_mem>>
    %dma_wait3A_768 = tpu.memref_squeeze %dma_wait3A_767 : memref<1x!tpu.dma_semaphore, #tpu.memory_space<semaphore_mem>> -> memref<!tpu.dma_semaphore, #tpu.memory_space<semaphore_mem>>
    %dma_wait3A_769 = arith.constant 0 : i32
    %dma_wait3A_770 = tpu.memref_slice %arg6[%dma_wait3A_761, %dma_wait3A_769] : memref<2x32768xf32, #tpu.memory_space<vmem>> -> memref<1x32768xf32, #tpu.memory_space<vmem>>
    %dma_wait3A_771 = tpu.memref_squeeze %dma_wait3A_770 : memref<1x32768xf32, #tpu.memory_space<vmem>> -> memref<32768xf32, #tpu.memory_space<vmem>>
    %dma_wait3A_772 = tpu.memref_slice %arg3[%mul3A_670] : memref<13631488xf32, #tpu.memory_space<hbm>> -> memref<32768xf32, #tpu.memory_space<hbm>>
    tpu.wait_dma2 semaphore(%dma_wait3A_768 : memref<!tpu.dma_semaphore, #tpu.memory_space<semaphore_mem>>) src(%dma_wait3A_772 : memref<32768xf32, #tpu.memory_space<hbm>>) dst(%dma_wait3A_771 : memref<32768xf32, #tpu.memory_space<vmem>>)
    %add3A_773 = arith.constant 7 : i32
    %add3A_774 = arith.addi %mul3A_2, %add3A_773 : i32
    %add3A_775 = arith.constant 1 : i32
    %add3A_776 = arith.addi %add3A_774, %add3A_775 : i32
    %mul3A_777 = arith.constant 32768 : i32
    %mul3A_778 = arith.muli %add3A_776, %mul3A_777 : i32
    %dma_start3A_779 = arith.constant 0 : i32
    %dma_start3A_780 = arith.constant 0 : i32
    %dma_start3A_781 = arith.constant 0 : i32
    %dma_start3A_782 = tpu.memref_slice %arg6[%dma_start3A_779, %dma_start3A_781] : memref<2x32768xf32, #tpu.memory_space<vmem>> -> memref<1x32768xf32, #tpu.memory_space<vmem>>
    %dma_start3A_783 = tpu.memref_squeeze %dma_start3A_782 : memref<1x32768xf32, #tpu.memory_space<vmem>> -> memref<32768xf32, #tpu.memory_space<vmem>>
    %dma_start3A_784 = tpu.memref_slice %arg3[%mul3A_778] : memref<13631488xf32, #tpu.memory_space<hbm>> -> memref<32768xf32, #tpu.memory_space<hbm>>
    %dma_start3A_785 = tpu.memref_slice %arg7[%dma_start3A_780] : memref<2x!tpu.dma_semaphore, #tpu.memory_space<semaphore_mem>> -> memref<1x!tpu.dma_semaphore, #tpu.memory_space<semaphore_mem>>
    %dma_start3A_786 = tpu.memref_squeeze %dma_start3A_785 : memref<1x!tpu.dma_semaphore, #tpu.memory_space<semaphore_mem>> -> memref<!tpu.dma_semaphore, #tpu.memory_space<semaphore_mem>>
    %dma_start3A_787 = arith.constant 0 : i32
    %dma_start3A_788 = tpu.memref_slice %arg6[%dma_start3A_779, %dma_start3A_787] : memref<2x32768xf32, #tpu.memory_space<vmem>> -> memref<1x32768xf32, #tpu.memory_space<vmem>>
    %dma_start3A_789 = tpu.memref_squeeze %dma_start3A_788 : memref<1x32768xf32, #tpu.memory_space<vmem>> -> memref<32768xf32, #tpu.memory_space<vmem>>
    %dma_start3A_790 = tpu.memref_slice %arg3[%mul3A_778] : memref<13631488xf32, #tpu.memory_space<hbm>> -> memref<32768xf32, #tpu.memory_space<hbm>>
    tpu.enqueue_dma source(%dma_start3A_790 : memref<32768xf32, #tpu.memory_space<hbm>>) target(%dma_start3A_789 : memref<32768xf32, #tpu.memory_space<vmem>>) target_semaphore(%dma_start3A_786 : memref<!tpu.dma_semaphore, #tpu.memory_space<semaphore_mem>>)
    %jit3A_791 = arith.constant 4 : i32
    %div3A_792 = arith.divsi %add3A_774, %jit3A_791 : i32
    %sign3A_793 = arith.constant 0 : i32
    %sign3A_794 = arith.cmpi sgt, %add3A_774, %sign3A_793 : i32
    %sign3A_795 = arith.extui %sign3A_794 : i1 to i32
    %sign3A_796 = arith.constant 0 : i32
    %sign3A_797 = arith.cmpi slt, %add3A_774, %sign3A_796 : i32
    %sign3A_798 = arith.extui %sign3A_797 : i1 to i32
    %sign3A_799 = arith.subi %sign3A_795, %sign3A_798 : i32
    %sign3A_800 = arith.constant 0 : i32
    %sign3A_801 = arith.cmpi sgt, %jit3A_791, %sign3A_800 : i32
    %sign3A_802 = arith.extui %sign3A_801 : i1 to i32
    %sign3A_803 = arith.constant 0 : i32
    %sign3A_804 = arith.cmpi slt, %jit3A_791, %sign3A_803 : i32
    %sign3A_805 = arith.extui %sign3A_804 : i1 to i32
    %sign3A_806 = arith.subi %sign3A_802, %sign3A_805 : i32
    %ne3A_807 = arith.cmpi ne, %sign3A_799, %sign3A_806 : i32
    %rem3A_808 = arith.remsi %add3A_774, %jit3A_791 : i32
    %ne3A_809 = arith.constant 0 : i32
    %ne3A_810 = arith.cmpi ne, %rem3A_808, %ne3A_809 : i32
    %and3A_811 = arith.andi %ne3A_807, %ne3A_810 : i1
    %sub3A_812 = arith.constant 1 : i32
    %sub3A_813 = arith.subi %div3A_792, %sub3A_812 : i32
    %select_n3A_814 = arith.select %and3A_811, %sub3A_813, %div3A_792 : i32
    %mul3A_815 = arith.constant 4 : i32
    %mul3A_816 = arith.muli %select_n3A_814, %mul3A_815 : i32
    %mul3A_817 = arith.constant 16 : i32
    %mul3A_818 = arith.muli %mul3A_816, %mul3A_817 : i32
    %get3A_819 = arith.index_cast %mul3A_818 : i32 to index
    %get3A_820 = tpu.vector_load %arg5[%get3A_819] {strides = array<i32>} : memref<6656xf32, #tpu.memory_space<vmem>>, vector<16xf32>,
    %get3A_821 = vector.shape_cast %get3A_820 : vector<16xf32> to vector<16xf32>
    %add3A_822 = arith.constant 16 : i32
    %add3A_823 = arith.addi %mul3A_818, %add3A_822 : i32
    %get3A_824 = arith.index_cast %add3A_823 : i32 to index
    %get3A_825 = tpu.vector_load %arg5[%get3A_824] {strides = array<i32>} : memref<6656xf32, #tpu.memory_space<vmem>>, vector<16xf32>,
    %get3A_826 = vector.shape_cast %get3A_825 : vector<16xf32> to vector<16xf32>
    %add3A_827 = arith.constant 32 : i32
    %add3A_828 = arith.addi %mul3A_818, %add3A_827 : i32
    %get3A_829 = arith.index_cast %add3A_828 : i32 to index
    %get3A_830 = tpu.vector_load %arg5[%get3A_829] {strides = array<i32>} : memref<6656xf32, #tpu.memory_space<vmem>>, vector<16xf32>,
    %get3A_831 = vector.shape_cast %get3A_830 : vector<16xf32> to vector<16xf32>
    %add3A_832 = arith.constant 48 : i32
    %add3A_833 = arith.addi %mul3A_818, %add3A_832 : i32
    %get3A_834 = arith.index_cast %add3A_833 : i32 to index
    %get3A_835 = tpu.vector_load %arg5[%get3A_834] {strides = array<i32>} : memref<6656xf32, #tpu.memory_space<vmem>>, vector<16xf32>,
    %get3A_836 = vector.shape_cast %get3A_835 : vector<16xf32> to vector<16xf32>
    %scan3A_837 = arith.constant 0 : i32
    %scan3A_838 = arith.constant 0 : i32
    %scan3A_839 = arith.constant 2048 : i32
    %scan3A_840 = arith.addi %scan3A_838, %scan3A_839 : i32
    %scan3A_841 = arith.constant 1 : i32
    scf.for %scan3A_1393 = %scan3A_838 to %scan3A_840 step %scan3A_841  : i32 {
      %mul3A_1394 = arith.constant 16 : i32
      %mul3A_1395 = arith.muli %scan3A_1393, %mul3A_1394 : i32
      %get3A_1396 = arith.constant 1 : i32
      %get3A_1397 = arith.index_cast %get3A_1396 : i32 to index
      %get3A_1398 = arith.index_cast %mul3A_1395 : i32 to index
      %get3A_1399 = tpu.vector_load %arg6[%get3A_1397, %get3A_1398] {strides = array<i32>} : memref<2x32768xf32, #tpu.memory_space<vmem>>, vector<1x16xf32>,
      %get3A_1400 = vector.shape_cast %get3A_1399 : vector<1x16xf32> to vector<16xf32>
      %mul3A_1401 = arith.mulf %get3A_1400, %get3A_821 : vector<16xf32>
      %sub3A_1402 = arith.subf %mul3A_1401, %get3A_826 : vector<16xf32>
      %exp3A = math.exp %sub3A_1402 : vector<16xf32>
      %add3A_1403 = arith.constant 1.000000e+00 : f32
      %add3A_1404 = vector.broadcast %add3A_1403 : f32 to vector<16xf32>
      %add3A_1405 = arith.addf %exp3A, %add3A_1404 : vector<16xf32>
      %div3A_1406 = arith.divf %get3A_836, %add3A_1405 : vector<16xf32>
      %sub3A_1407 = arith.subf %get3A_831, %div3A_1406 : vector<16xf32>
      %mul3A_1408 = arith.constant 16 : i32
      %mul3A_1409 = arith.muli %scan3A_1393, %mul3A_1408 : i32
      %swap3A = arith.constant 1 : i32
      %swap3A_1410 = arith.index_cast %swap3A : i32 to index
      %swap3A_1411 = arith.index_cast %mul3A_1409 : i32 to index
      %swap3A_1412 = tpu.vector_load %arg6[%swap3A_1410, %swap3A_1411] {strides = array<i32>} : memref<2x32768xf32, #tpu.memory_space<vmem>>, vector<1x16xf32>,
      %swap3A_1413 = vector.shape_cast %swap3A_1412 : vector<1x16xf32> to vector<16xf32>
      %swap3A_1414 = vector.shape_cast %sub3A_1407 : vector<16xf32> to vector<1x16xf32>
      tpu.vector_store %arg6[%swap3A_1410, %swap3A_1411], %swap3A_1414 {strides = array<i32>} : memref<2x32768xf32, #tpu.memory_space<vmem>>, vector<1x16xf32>,
    }
    %scan3A_842 = arith.constant 2048 : i32
    %mul3A_843 = arith.constant 32768 : i32
    %mul3A_844 = arith.muli %add3A_774, %mul3A_843 : i32
    %dma_start3A_845 = arith.constant 1 : i32
    %dma_start3A_846 = arith.constant 1 : i32
    %dma_start3A_847 = arith.constant 0 : i32
    %dma_start3A_848 = tpu.memref_slice %arg6[%dma_start3A_845, %dma_start3A_847] : memref<2x32768xf32, #tpu.memory_space<vmem>> -> memref<1x32768xf32, #tpu.memory_space<vmem>>
    %dma_start3A_849 = tpu.memref_squeeze %dma_start3A_848 : memref<1x32768xf32, #tpu.memory_space<vmem>> -> memref<32768xf32, #tpu.memory_space<vmem>>
    %dma_start3A_850 = tpu.memref_slice %arg4[%mul3A_844] : memref<13631488xf32, #tpu.memory_space<hbm>> -> memref<32768xf32, #tpu.memory_space<hbm>>
    %dma_start3A_851 = tpu.memref_slice %arg7[%dma_start3A_846] : memref<2x!tpu.dma_semaphore, #tpu.memory_space<semaphore_mem>> -> memref<1x!tpu.dma_semaphore, #tpu.memory_space<semaphore_mem>>
    %dma_start3A_852 = tpu.memref_squeeze %dma_start3A_851 : memref<1x!tpu.dma_semaphore, #tpu.memory_space<semaphore_mem>> -> memref<!tpu.dma_semaphore, #tpu.memory_space<semaphore_mem>>
    %dma_start3A_853 = tpu.memref_slice %arg4[%mul3A_844] : memref<13631488xf32, #tpu.memory_space<hbm>> -> memref<32768xf32, #tpu.memory_space<hbm>>
    %dma_start3A_854 = arith.constant 0 : i32
    %dma_start3A_855 = tpu.memref_slice %arg6[%dma_start3A_845, %dma_start3A_854] : memref<2x32768xf32, #tpu.memory_space<vmem>> -> memref<1x32768xf32, #tpu.memory_space<vmem>>
    %dma_start3A_856 = tpu.memref_squeeze %dma_start3A_855 : memref<1x32768xf32, #tpu.memory_space<vmem>> -> memref<32768xf32, #tpu.memory_space<vmem>>
    tpu.enqueue_dma source(%dma_start3A_856 : memref<32768xf32, #tpu.memory_space<vmem>>) target(%dma_start3A_853 : memref<32768xf32, #tpu.memory_space<hbm>>) target_semaphore(%dma_start3A_852 : memref<!tpu.dma_semaphore, #tpu.memory_space<semaphore_mem>>)
    %dma_wait3A_857 = arith.constant 1 : i32
    %dma_wait3A_858 = arith.constant 1 : i32
    %dma_wait3A_859 = arith.constant 0 : i32
    %dma_wait3A_860 = tpu.memref_slice %arg6[%dma_wait3A_857, %dma_wait3A_859] : memref<2x32768xf32, #tpu.memory_space<vmem>> -> memref<1x32768xf32, #tpu.memory_space<vmem>>
    %dma_wait3A_861 = tpu.memref_squeeze %dma_wait3A_860 : memref<1x32768xf32, #tpu.memory_space<vmem>> -> memref<32768xf32, #tpu.memory_space<vmem>>
    %dma_wait3A_862 = tpu.memref_slice %arg4[%mul3A_844] : memref<13631488xf32, #tpu.memory_space<hbm>> -> memref<32768xf32, #tpu.memory_space<hbm>>
    %dma_wait3A_863 = tpu.memref_slice %arg7[%dma_wait3A_858] : memref<2x!tpu.dma_semaphore, #tpu.memory_space<semaphore_mem>> -> memref<1x!tpu.dma_semaphore, #tpu.memory_space<semaphore_mem>>
    %dma_wait3A_864 = tpu.memref_squeeze %dma_wait3A_863 : memref<1x!tpu.dma_semaphore, #tpu.memory_space<semaphore_mem>> -> memref<!tpu.dma_semaphore, #tpu.memory_space<semaphore_mem>>
    %dma_wait3A_865 = tpu.memref_slice %arg4[%mul3A_844] : memref<13631488xf32, #tpu.memory_space<hbm>> -> memref<32768xf32, #tpu.memory_space<hbm>>
    %dma_wait3A_866 = arith.constant 0 : i32
    %dma_wait3A_867 = tpu.memref_slice %arg6[%dma_wait3A_857, %dma_wait3A_866] : memref<2x32768xf32, #tpu.memory_space<vmem>> -> memref<1x32768xf32, #tpu.memory_space<vmem>>
    %dma_wait3A_868 = tpu.memref_squeeze %dma_wait3A_867 : memref<1x32768xf32, #tpu.memory_space<vmem>> -> memref<32768xf32, #tpu.memory_space<vmem>>
    tpu.wait_dma2 semaphore(%dma_wait3A_864 : memref<!tpu.dma_semaphore, #tpu.memory_space<semaphore_mem>>) src(%dma_wait3A_868 : memref<32768xf32, #tpu.memory_space<vmem>>) dst(%dma_wait3A_865 : memref<32768xf32, #tpu.memory_space<hbm>>)
    %dma_wait3A_869 = arith.constant 0 : i32
    %dma_wait3A_870 = arith.constant 0 : i32
    %dma_wait3A_871 = arith.constant 0 : i32
    %dma_wait3A_872 = tpu.memref_slice %arg6[%dma_wait3A_869, %dma_wait3A_871] : memref<2x32768xf32, #tpu.memory_space<vmem>> -> memref<1x32768xf32, #tpu.memory_space<vmem>>
    %dma_wait3A_873 = tpu.memref_squeeze %dma_wait3A_872 : memref<1x32768xf32, #tpu.memory_space<vmem>> -> memref<32768xf32, #tpu.memory_space<vmem>>
    %dma_wait3A_874 = tpu.memref_slice %arg3[%mul3A_778] : memref<13631488xf32, #tpu.memory_space<hbm>> -> memref<32768xf32, #tpu.memory_space<hbm>>
    %dma_wait3A_875 = tpu.memref_slice %arg7[%dma_wait3A_870] : memref<2x!tpu.dma_semaphore, #tpu.memory_space<semaphore_mem>> -> memref<1x!tpu.dma_semaphore, #tpu.memory_space<semaphore_mem>>
    %dma_wait3A_876 = tpu.memref_squeeze %dma_wait3A_875 : memref<1x!tpu.dma_semaphore, #tpu.memory_space<semaphore_mem>> -> memref<!tpu.dma_semaphore, #tpu.memory_space<semaphore_mem>>
    %dma_wait3A_877 = arith.constant 0 : i32
    %dma_wait3A_878 = tpu.memref_slice %arg6[%dma_wait3A_869, %dma_wait3A_877] : memref<2x32768xf32, #tpu.memory_space<vmem>> -> memref<1x32768xf32, #tpu.memory_space<vmem>>
    %dma_wait3A_879 = tpu.memref_squeeze %dma_wait3A_878 : memref<1x32768xf32, #tpu.memory_space<vmem>> -> memref<32768xf32, #tpu.memory_space<vmem>>
    %dma_wait3A_880 = tpu.memref_slice %arg3[%mul3A_778] : memref<13631488xf32, #tpu.memory_space<hbm>> -> memref<32768xf32, #tpu.memory_space<hbm>>
    tpu.wait_dma2 semaphore(%dma_wait3A_876 : memref<!tpu.dma_semaphore, #tpu.memory_space<semaphore_mem>>) src(%dma_wait3A_880 : memref<32768xf32, #tpu.memory_space<hbm>>) dst(%dma_wait3A_879 : memref<32768xf32, #tpu.memory_space<vmem>>)
    %add3A_881 = arith.constant 8 : i32
    %add3A_882 = arith.addi %mul3A_2, %add3A_881 : i32
    %add3A_883 = arith.constant 1 : i32
    %add3A_884 = arith.addi %add3A_882, %add3A_883 : i32
    %mul3A_885 = arith.constant 32768 : i32
    %mul3A_886 = arith.muli %add3A_884, %mul3A_885 : i32
    %dma_start3A_887 = arith.constant 1 : i32
    %dma_start3A_888 = arith.constant 1 : i32
    %dma_start3A_889 = arith.constant 0 : i32
    %dma_start3A_890 = tpu.memref_slice %arg6[%dma_start3A_887, %dma_start3A_889] : memref<2x32768xf32, #tpu.memory_space<vmem>> -> memref<1x32768xf32, #tpu.memory_space<vmem>>
    %dma_start3A_891 = tpu.memref_squeeze %dma_start3A_890 : memref<1x32768xf32, #tpu.memory_space<vmem>> -> memref<32768xf32, #tpu.memory_space<vmem>>
    %dma_start3A_892 = tpu.memref_slice %arg3[%mul3A_886] : memref<13631488xf32, #tpu.memory_space<hbm>> -> memref<32768xf32, #tpu.memory_space<hbm>>
    %dma_start3A_893 = tpu.memref_slice %arg7[%dma_start3A_888] : memref<2x!tpu.dma_semaphore, #tpu.memory_space<semaphore_mem>> -> memref<1x!tpu.dma_semaphore, #tpu.memory_space<semaphore_mem>>
    %dma_start3A_894 = tpu.memref_squeeze %dma_start3A_893 : memref<1x!tpu.dma_semaphore, #tpu.memory_space<semaphore_mem>> -> memref<!tpu.dma_semaphore, #tpu.memory_space<semaphore_mem>>
    %dma_start3A_895 = arith.constant 0 : i32
    %dma_start3A_896 = tpu.memref_slice %arg6[%dma_start3A_887, %dma_start3A_895] : memref<2x32768xf32, #tpu.memory_space<vmem>> -> memref<1x32768xf32, #tpu.memory_space<vmem>>
    %dma_start3A_897 = tpu.memref_squeeze %dma_start3A_896 : memref<1x32768xf32, #tpu.memory_space<vmem>> -> memref<32768xf32, #tpu.memory_space<vmem>>
    %dma_start3A_898 = tpu.memref_slice %arg3[%mul3A_886] : memref<13631488xf32, #tpu.memory_space<hbm>> -> memref<32768xf32, #tpu.memory_space<hbm>>
    tpu.enqueue_dma source(%dma_start3A_898 : memref<32768xf32, #tpu.memory_space<hbm>>) target(%dma_start3A_897 : memref<32768xf32, #tpu.memory_space<vmem>>) target_semaphore(%dma_start3A_894 : memref<!tpu.dma_semaphore, #tpu.memory_space<semaphore_mem>>)
    %jit3A_899 = arith.constant 4 : i32
    %div3A_900 = arith.divsi %add3A_882, %jit3A_899 : i32
    %sign3A_901 = arith.constant 0 : i32
    %sign3A_902 = arith.cmpi sgt, %add3A_882, %sign3A_901 : i32
    %sign3A_903 = arith.extui %sign3A_902 : i1 to i32
    %sign3A_904 = arith.constant 0 : i32
    %sign3A_905 = arith.cmpi slt, %add3A_882, %sign3A_904 : i32
    %sign3A_906 = arith.extui %sign3A_905 : i1 to i32
    %sign3A_907 = arith.subi %sign3A_903, %sign3A_906 : i32
    %sign3A_908 = arith.constant 0 : i32
    %sign3A_909 = arith.cmpi sgt, %jit3A_899, %sign3A_908 : i32
    %sign3A_910 = arith.extui %sign3A_909 : i1 to i32
    %sign3A_911 = arith.constant 0 : i32
    %sign3A_912 = arith.cmpi slt, %jit3A_899, %sign3A_911 : i32
    %sign3A_913 = arith.extui %sign3A_912 : i1 to i32
    %sign3A_914 = arith.subi %sign3A_910, %sign3A_913 : i32
    %ne3A_915 = arith.cmpi ne, %sign3A_907, %sign3A_914 : i32
    %rem3A_916 = arith.remsi %add3A_882, %jit3A_899 : i32
    %ne3A_917 = arith.constant 0 : i32
    %ne3A_918 = arith.cmpi ne, %rem3A_916, %ne3A_917 : i32
    %and3A_919 = arith.andi %ne3A_915, %ne3A_918 : i1
    %sub3A_920 = arith.constant 1 : i32
    %sub3A_921 = arith.subi %div3A_900, %sub3A_920 : i32
    %select_n3A_922 = arith.select %and3A_919, %sub3A_921, %div3A_900 : i32
    %mul3A_923 = arith.constant 4 : i32
    %mul3A_924 = arith.muli %select_n3A_922, %mul3A_923 : i32
    %mul3A_925 = arith.constant 16 : i32
    %mul3A_926 = arith.muli %mul3A_924, %mul3A_925 : i32
    %get3A_927 = arith.index_cast %mul3A_926 : i32 to index
    %get3A_928 = tpu.vector_load %arg5[%get3A_927] {strides = array<i32>} : memref<6656xf32, #tpu.memory_space<vmem>>, vector<16xf32>,
    %get3A_929 = vector.shape_cast %get3A_928 : vector<16xf32> to vector<16xf32>
    %add3A_930 = arith.constant 16 : i32
    %add3A_931 = arith.addi %mul3A_926, %add3A_930 : i32
    %get3A_932 = arith.index_cast %add3A_931 : i32 to index
    %get3A_933 = tpu.vector_load %arg5[%get3A_932] {strides = array<i32>} : memref<6656xf32, #tpu.memory_space<vmem>>, vector<16xf32>,
    %get3A_934 = vector.shape_cast %get3A_933 : vector<16xf32> to vector<16xf32>
    %add3A_935 = arith.constant 32 : i32
    %add3A_936 = arith.addi %mul3A_926, %add3A_935 : i32
    %get3A_937 = arith.index_cast %add3A_936 : i32 to index
    %get3A_938 = tpu.vector_load %arg5[%get3A_937] {strides = array<i32>} : memref<6656xf32, #tpu.memory_space<vmem>>, vector<16xf32>,
    %get3A_939 = vector.shape_cast %get3A_938 : vector<16xf32> to vector<16xf32>
    %add3A_940 = arith.constant 48 : i32
    %add3A_941 = arith.addi %mul3A_926, %add3A_940 : i32
    %get3A_942 = arith.index_cast %add3A_941 : i32 to index
    %get3A_943 = tpu.vector_load %arg5[%get3A_942] {strides = array<i32>} : memref<6656xf32, #tpu.memory_space<vmem>>, vector<16xf32>,
    %get3A_944 = vector.shape_cast %get3A_943 : vector<16xf32> to vector<16xf32>
    %scan3A_945 = arith.constant 0 : i32
    %scan3A_946 = arith.constant 0 : i32
    %scan3A_947 = arith.constant 2048 : i32
    %scan3A_948 = arith.addi %scan3A_946, %scan3A_947 : i32
    %scan3A_949 = arith.constant 1 : i32
    scf.for %scan3A_1393 = %scan3A_946 to %scan3A_948 step %scan3A_949  : i32 {
      %mul3A_1394 = arith.constant 16 : i32
      %mul3A_1395 = arith.muli %scan3A_1393, %mul3A_1394 : i32
      %get3A_1396 = arith.constant 0 : i32
      %get3A_1397 = arith.index_cast %get3A_1396 : i32 to index
      %get3A_1398 = arith.index_cast %mul3A_1395 : i32 to index
      %get3A_1399 = tpu.vector_load %arg6[%get3A_1397, %get3A_1398] {strides = array<i32>} : memref<2x32768xf32, #tpu.memory_space<vmem>>, vector<1x16xf32>,
      %get3A_1400 = vector.shape_cast %get3A_1399 : vector<1x16xf32> to vector<16xf32>
      %mul3A_1401 = arith.mulf %get3A_1400, %get3A_929 : vector<16xf32>
      %sub3A_1402 = arith.subf %mul3A_1401, %get3A_934 : vector<16xf32>
      %exp3A = math.exp %sub3A_1402 : vector<16xf32>
      %add3A_1403 = arith.constant 1.000000e+00 : f32
      %add3A_1404 = vector.broadcast %add3A_1403 : f32 to vector<16xf32>
      %add3A_1405 = arith.addf %exp3A, %add3A_1404 : vector<16xf32>
      %div3A_1406 = arith.divf %get3A_944, %add3A_1405 : vector<16xf32>
      %sub3A_1407 = arith.subf %get3A_939, %div3A_1406 : vector<16xf32>
      %mul3A_1408 = arith.constant 16 : i32
      %mul3A_1409 = arith.muli %scan3A_1393, %mul3A_1408 : i32
      %swap3A = arith.constant 0 : i32
      %swap3A_1410 = arith.index_cast %swap3A : i32 to index
      %swap3A_1411 = arith.index_cast %mul3A_1409 : i32 to index
      %swap3A_1412 = tpu.vector_load %arg6[%swap3A_1410, %swap3A_1411] {strides = array<i32>} : memref<2x32768xf32, #tpu.memory_space<vmem>>, vector<1x16xf32>,
      %swap3A_1413 = vector.shape_cast %swap3A_1412 : vector<1x16xf32> to vector<16xf32>
      %swap3A_1414 = vector.shape_cast %sub3A_1407 : vector<16xf32> to vector<1x16xf32>
      tpu.vector_store %arg6[%swap3A_1410, %swap3A_1411], %swap3A_1414 {strides = array<i32>} : memref<2x32768xf32, #tpu.memory_space<vmem>>, vector<1x16xf32>,
    }
    %scan3A_950 = arith.constant 2048 : i32
    %mul3A_951 = arith.constant 32768 : i32
    %mul3A_952 = arith.muli %add3A_882, %mul3A_951 : i32
    %dma_start3A_953 = arith.constant 0 : i32
    %dma_start3A_954 = arith.constant 0 : i32
    %dma_start3A_955 = arith.constant 0 : i32
    %dma_start3A_956 = tpu.memref_slice %arg6[%dma_start3A_953, %dma_start3A_955] : memref<2x32768xf32, #tpu.memory_space<vmem>> -> memref<1x32768xf32, #tpu.memory_space<vmem>>
    %dma_start3A_957 = tpu.memref_squeeze %dma_start3A_956 : memref<1x32768xf32, #tpu.memory_space<vmem>> -> memref<32768xf32, #tpu.memory_space<vmem>>
    %dma_start3A_958 = tpu.memref_slice %arg4[%mul3A_952] : memref<13631488xf32, #tpu.memory_space<hbm>> -> memref<32768xf32, #tpu.memory_space<hbm>>
    %dma_start3A_959 = tpu.memref_slice %arg7[%dma_start3A_954] : memref<2x!tpu.dma_semaphore, #tpu.memory_space<semaphore_mem>> -> memref<1x!tpu.dma_semaphore, #tpu.memory_space<semaphore_mem>>
    %dma_start3A_960 = tpu.memref_squeeze %dma_start3A_959 : memref<1x!tpu.dma_semaphore, #tpu.memory_space<semaphore_mem>> -> memref<!tpu.dma_semaphore, #tpu.memory_space<semaphore_mem>>
    %dma_start3A_961 = tpu.memref_slice %arg4[%mul3A_952] : memref<13631488xf32, #tpu.memory_space<hbm>> -> memref<32768xf32, #tpu.memory_space<hbm>>
    %dma_start3A_962 = arith.constant 0 : i32
    %dma_start3A_963 = tpu.memref_slice %arg6[%dma_start3A_953, %dma_start3A_962] : memref<2x32768xf32, #tpu.memory_space<vmem>> -> memref<1x32768xf32, #tpu.memory_space<vmem>>
    %dma_start3A_964 = tpu.memref_squeeze %dma_start3A_963 : memref<1x32768xf32, #tpu.memory_space<vmem>> -> memref<32768xf32, #tpu.memory_space<vmem>>
    tpu.enqueue_dma source(%dma_start3A_964 : memref<32768xf32, #tpu.memory_space<vmem>>) target(%dma_start3A_961 : memref<32768xf32, #tpu.memory_space<hbm>>) target_semaphore(%dma_start3A_960 : memref<!tpu.dma_semaphore, #tpu.memory_space<semaphore_mem>>)
    %dma_wait3A_965 = arith.constant 0 : i32
    %dma_wait3A_966 = arith.constant 0 : i32
    %dma_wait3A_967 = arith.constant 0 : i32
    %dma_wait3A_968 = tpu.memref_slice %arg6[%dma_wait3A_965, %dma_wait3A_967] : memref<2x32768xf32, #tpu.memory_space<vmem>> -> memref<1x32768xf32, #tpu.memory_space<vmem>>
    %dma_wait3A_969 = tpu.memref_squeeze %dma_wait3A_968 : memref<1x32768xf32, #tpu.memory_space<vmem>> -> memref<32768xf32, #tpu.memory_space<vmem>>
    %dma_wait3A_970 = tpu.memref_slice %arg4[%mul3A_952] : memref<13631488xf32, #tpu.memory_space<hbm>> -> memref<32768xf32, #tpu.memory_space<hbm>>
    %dma_wait3A_971 = tpu.memref_slice %arg7[%dma_wait3A_966] : memref<2x!tpu.dma_semaphore, #tpu.memory_space<semaphore_mem>> -> memref<1x!tpu.dma_semaphore, #tpu.memory_space<semaphore_mem>>
    %dma_wait3A_972 = tpu.memref_squeeze %dma_wait3A_971 : memref<1x!tpu.dma_semaphore, #tpu.memory_space<semaphore_mem>> -> memref<!tpu.dma_semaphore, #tpu.memory_space<semaphore_mem>>
    %dma_wait3A_973 = tpu.memref_slice %arg4[%mul3A_952] : memref<13631488xf32, #tpu.memory_space<hbm>> -> memref<32768xf32, #tpu.memory_space<hbm>>
    %dma_wait3A_974 = arith.constant 0 : i32
    %dma_wait3A_975 = tpu.memref_slice %arg6[%dma_wait3A_965, %dma_wait3A_974] : memref<2x32768xf32, #tpu.memory_space<vmem>> -> memref<1x32768xf32, #tpu.memory_space<vmem>>
    %dma_wait3A_976 = tpu.memref_squeeze %dma_wait3A_975 : memref<1x32768xf32, #tpu.memory_space<vmem>> -> memref<32768xf32, #tpu.memory_space<vmem>>
    tpu.wait_dma2 semaphore(%dma_wait3A_972 : memref<!tpu.dma_semaphore, #tpu.memory_space<semaphore_mem>>) src(%dma_wait3A_976 : memref<32768xf32, #tpu.memory_space<vmem>>) dst(%dma_wait3A_973 : memref<32768xf32, #tpu.memory_space<hbm>>)
    %dma_wait3A_977 = arith.constant 1 : i32
    %dma_wait3A_978 = arith.constant 1 : i32
    %dma_wait3A_979 = arith.constant 0 : i32
    %dma_wait3A_980 = tpu.memref_slice %arg6[%dma_wait3A_977, %dma_wait3A_979] : memref<2x32768xf32, #tpu.memory_space<vmem>> -> memref<1x32768xf32, #tpu.memory_space<vmem>>
    %dma_wait3A_981 = tpu.memref_squeeze %dma_wait3A_980 : memref<1x32768xf32, #tpu.memory_space<vmem>> -> memref<32768xf32, #tpu.memory_space<vmem>>
    %dma_wait3A_982 = tpu.memref_slice %arg3[%mul3A_886] : memref<13631488xf32, #tpu.memory_space<hbm>> -> memref<32768xf32, #tpu.memory_space<hbm>>
    %dma_wait3A_983 = tpu.memref_slice %arg7[%dma_wait3A_978] : memref<2x!tpu.dma_semaphore, #tpu.memory_space<semaphore_mem>> -> memref<1x!tpu.dma_semaphore, #tpu.memory_space<semaphore_mem>>
    %dma_wait3A_984 = tpu.memref_squeeze %dma_wait3A_983 : memref<1x!tpu.dma_semaphore, #tpu.memory_space<semaphore_mem>> -> memref<!tpu.dma_semaphore, #tpu.memory_space<semaphore_mem>>
    %dma_wait3A_985 = arith.constant 0 : i32
    %dma_wait3A_986 = tpu.memref_slice %arg6[%dma_wait3A_977, %dma_wait3A_985] : memref<2x32768xf32, #tpu.memory_space<vmem>> -> memref<1x32768xf32, #tpu.memory_space<vmem>>
    %dma_wait3A_987 = tpu.memref_squeeze %dma_wait3A_986 : memref<1x32768xf32, #tpu.memory_space<vmem>> -> memref<32768xf32, #tpu.memory_space<vmem>>
    %dma_wait3A_988 = tpu.memref_slice %arg3[%mul3A_886] : memref<13631488xf32, #tpu.memory_space<hbm>> -> memref<32768xf32, #tpu.memory_space<hbm>>
    tpu.wait_dma2 semaphore(%dma_wait3A_984 : memref<!tpu.dma_semaphore, #tpu.memory_space<semaphore_mem>>) src(%dma_wait3A_988 : memref<32768xf32, #tpu.memory_space<hbm>>) dst(%dma_wait3A_987 : memref<32768xf32, #tpu.memory_space<vmem>>)
    %add3A_989 = arith.constant 9 : i32
    %add3A_990 = arith.addi %mul3A_2, %add3A_989 : i32
    %add3A_991 = arith.constant 1 : i32
    %add3A_992 = arith.addi %add3A_990, %add3A_991 : i32
    %mul3A_993 = arith.constant 32768 : i32
    %mul3A_994 = arith.muli %add3A_992, %mul3A_993 : i32
    %dma_start3A_995 = arith.constant 0 : i32
    %dma_start3A_996 = arith.constant 0 : i32
    %dma_start3A_997 = arith.constant 0 : i32
    %dma_start3A_998 = tpu.memref_slice %arg6[%dma_start3A_995, %dma_start3A_997] : memref<2x32768xf32, #tpu.memory_space<vmem>> -> memref<1x32768xf32, #tpu.memory_space<vmem>>
    %dma_start3A_999 = tpu.memref_squeeze %dma_start3A_998 : memref<1x32768xf32, #tpu.memory_space<vmem>> -> memref<32768xf32, #tpu.memory_space<vmem>>
    %dma_start3A_1000 = tpu.memref_slice %arg3[%mul3A_994] : memref<13631488xf32, #tpu.memory_space<hbm>> -> memref<32768xf32, #tpu.memory_space<hbm>>
    %dma_start3A_1001 = tpu.memref_slice %arg7[%dma_start3A_996] : memref<2x!tpu.dma_semaphore, #tpu.memory_space<semaphore_mem>> -> memref<1x!tpu.dma_semaphore, #tpu.memory_space<semaphore_mem>>
    %dma_start3A_1002 = tpu.memref_squeeze %dma_start3A_1001 : memref<1x!tpu.dma_semaphore, #tpu.memory_space<semaphore_mem>> -> memref<!tpu.dma_semaphore, #tpu.memory_space<semaphore_mem>>
    %dma_start3A_1003 = arith.constant 0 : i32
    %dma_start3A_1004 = tpu.memref_slice %arg6[%dma_start3A_995, %dma_start3A_1003] : memref<2x32768xf32, #tpu.memory_space<vmem>> -> memref<1x32768xf32, #tpu.memory_space<vmem>>
    %dma_start3A_1005 = tpu.memref_squeeze %dma_start3A_1004 : memref<1x32768xf32, #tpu.memory_space<vmem>> -> memref<32768xf32, #tpu.memory_space<vmem>>
    %dma_start3A_1006 = tpu.memref_slice %arg3[%mul3A_994] : memref<13631488xf32, #tpu.memory_space<hbm>> -> memref<32768xf32, #tpu.memory_space<hbm>>
    tpu.enqueue_dma source(%dma_start3A_1006 : memref<32768xf32, #tpu.memory_space<hbm>>) target(%dma_start3A_1005 : memref<32768xf32, #tpu.memory_space<vmem>>) target_semaphore(%dma_start3A_1002 : memref<!tpu.dma_semaphore, #tpu.memory_space<semaphore_mem>>)
    %jit3A_1007 = arith.constant 4 : i32
    %div3A_1008 = arith.divsi %add3A_990, %jit3A_1007 : i32
    %sign3A_1009 = arith.constant 0 : i32
    %sign3A_1010 = arith.cmpi sgt, %add3A_990, %sign3A_1009 : i32
    %sign3A_1011 = arith.extui %sign3A_1010 : i1 to i32
    %sign3A_1012 = arith.constant 0 : i32
    %sign3A_1013 = arith.cmpi slt, %add3A_990, %sign3A_1012 : i32
    %sign3A_1014 = arith.extui %sign3A_1013 : i1 to i32
    %sign3A_1015 = arith.subi %sign3A_1011, %sign3A_1014 : i32
    %sign3A_1016 = arith.constant 0 : i32
    %sign3A_1017 = arith.cmpi sgt, %jit3A_1007, %sign3A_1016 : i32
    %sign3A_1018 = arith.extui %sign3A_1017 : i1 to i32
    %sign3A_1019 = arith.constant 0 : i32
    %sign3A_1020 = arith.cmpi slt, %jit3A_1007, %sign3A_1019 : i32
    %sign3A_1021 = arith.extui %sign3A_1020 : i1 to i32
    %sign3A_1022 = arith.subi %sign3A_1018, %sign3A_1021 : i32
    %ne3A_1023 = arith.cmpi ne, %sign3A_1015, %sign3A_1022 : i32
    %rem3A_1024 = arith.remsi %add3A_990, %jit3A_1007 : i32
    %ne3A_1025 = arith.constant 0 : i32
    %ne3A_1026 = arith.cmpi ne, %rem3A_1024, %ne3A_1025 : i32
    %and3A_1027 = arith.andi %ne3A_1023, %ne3A_1026 : i1
    %sub3A_1028 = arith.constant 1 : i32
    %sub3A_1029 = arith.subi %div3A_1008, %sub3A_1028 : i32
    %select_n3A_1030 = arith.select %and3A_1027, %sub3A_1029, %div3A_1008 : i32
    %mul3A_1031 = arith.constant 4 : i32
    %mul3A_1032 = arith.muli %select_n3A_1030, %mul3A_1031 : i32
    %mul3A_1033 = arith.constant 16 : i32
    %mul3A_1034 = arith.muli %mul3A_1032, %mul3A_1033 : i32
    %get3A_1035 = arith.index_cast %mul3A_1034 : i32 to index
    %get3A_1036 = tpu.vector_load %arg5[%get3A_1035] {strides = array<i32>} : memref<6656xf32, #tpu.memory_space<vmem>>, vector<16xf32>,
    %get3A_1037 = vector.shape_cast %get3A_1036 : vector<16xf32> to vector<16xf32>
    %add3A_1038 = arith.constant 16 : i32
    %add3A_1039 = arith.addi %mul3A_1034, %add3A_1038 : i32
    %get3A_1040 = arith.index_cast %add3A_1039 : i32 to index
    %get3A_1041 = tpu.vector_load %arg5[%get3A_1040] {strides = array<i32>} : memref<6656xf32, #tpu.memory_space<vmem>>, vector<16xf32>,
    %get3A_1042 = vector.shape_cast %get3A_1041 : vector<16xf32> to vector<16xf32>
    %add3A_1043 = arith.constant 32 : i32
    %add3A_1044 = arith.addi %mul3A_1034, %add3A_1043 : i32
    %get3A_1045 = arith.index_cast %add3A_1044 : i32 to index
    %get3A_1046 = tpu.vector_load %arg5[%get3A_1045] {strides = array<i32>} : memref<6656xf32, #tpu.memory_space<vmem>>, vector<16xf32>,
    %get3A_1047 = vector.shape_cast %get3A_1046 : vector<16xf32> to vector<16xf32>
    %add3A_1048 = arith.constant 48 : i32
    %add3A_1049 = arith.addi %mul3A_1034, %add3A_1048 : i32
    %get3A_1050 = arith.index_cast %add3A_1049 : i32 to index
    %get3A_1051 = tpu.vector_load %arg5[%get3A_1050] {strides = array<i32>} : memref<6656xf32, #tpu.memory_space<vmem>>, vector<16xf32>,
    %get3A_1052 = vector.shape_cast %get3A_1051 : vector<16xf32> to vector<16xf32>
    %scan3A_1053 = arith.constant 0 : i32
    %scan3A_1054 = arith.constant 0 : i32
    %scan3A_1055 = arith.constant 2048 : i32
    %scan3A_1056 = arith.addi %scan3A_1054, %scan3A_1055 : i32
    %scan3A_1057 = arith.constant 1 : i32
    scf.for %scan3A_1393 = %scan3A_1054 to %scan3A_1056 step %scan3A_1057  : i32 {
      %mul3A_1394 = arith.constant 16 : i32
      %mul3A_1395 = arith.muli %scan3A_1393, %mul3A_1394 : i32
      %get3A_1396 = arith.constant 1 : i32
      %get3A_1397 = arith.index_cast %get3A_1396 : i32 to index
      %get3A_1398 = arith.index_cast %mul3A_1395 : i32 to index
      %get3A_1399 = tpu.vector_load %arg6[%get3A_1397, %get3A_1398] {strides = array<i32>} : memref<2x32768xf32, #tpu.memory_space<vmem>>, vector<1x16xf32>,
      %get3A_1400 = vector.shape_cast %get3A_1399 : vector<1x16xf32> to vector<16xf32>
      %mul3A_1401 = arith.mulf %get3A_1400, %get3A_1037 : vector<16xf32>
      %sub3A_1402 = arith.subf %mul3A_1401, %get3A_1042 : vector<16xf32>
      %exp3A = math.exp %sub3A_1402 : vector<16xf32>
      %add3A_1403 = arith.constant 1.000000e+00 : f32
      %add3A_1404 = vector.broadcast %add3A_1403 : f32 to vector<16xf32>
      %add3A_1405 = arith.addf %exp3A, %add3A_1404 : vector<16xf32>
      %div3A_1406 = arith.divf %get3A_1052, %add3A_1405 : vector<16xf32>
      %sub3A_1407 = arith.subf %get3A_1047, %div3A_1406 : vector<16xf32>
      %mul3A_1408 = arith.constant 16 : i32
      %mul3A_1409 = arith.muli %scan3A_1393, %mul3A_1408 : i32
      %swap3A = arith.constant 1 : i32
      %swap3A_1410 = arith.index_cast %swap3A : i32 to index
      %swap3A_1411 = arith.index_cast %mul3A_1409 : i32 to index
      %swap3A_1412 = tpu.vector_load %arg6[%swap3A_1410, %swap3A_1411] {strides = array<i32>} : memref<2x32768xf32, #tpu.memory_space<vmem>>, vector<1x16xf32>,
      %swap3A_1413 = vector.shape_cast %swap3A_1412 : vector<1x16xf32> to vector<16xf32>
      %swap3A_1414 = vector.shape_cast %sub3A_1407 : vector<16xf32> to vector<1x16xf32>
      tpu.vector_store %arg6[%swap3A_1410, %swap3A_1411], %swap3A_1414 {strides = array<i32>} : memref<2x32768xf32, #tpu.memory_space<vmem>>, vector<1x16xf32>,
    }
    %scan3A_1058 = arith.constant 2048 : i32
    %mul3A_1059 = arith.constant 32768 : i32
    %mul3A_1060 = arith.muli %add3A_990, %mul3A_1059 : i32
    %dma_start3A_1061 = arith.constant 1 : i32
    %dma_start3A_1062 = arith.constant 1 : i32
    %dma_start3A_1063 = arith.constant 0 : i32
    %dma_start3A_1064 = tpu.memref_slice %arg6[%dma_start3A_1061, %dma_start3A_1063] : memref<2x32768xf32, #tpu.memory_space<vmem>> -> memref<1x32768xf32, #tpu.memory_space<vmem>>
    %dma_start3A_1065 = tpu.memref_squeeze %dma_start3A_1064 : memref<1x32768xf32, #tpu.memory_space<vmem>> -> memref<32768xf32, #tpu.memory_space<vmem>>
    %dma_start3A_1066 = tpu.memref_slice %arg4[%mul3A_1060] : memref<13631488xf32, #tpu.memory_space<hbm>> -> memref<32768xf32, #tpu.memory_space<hbm>>
    %dma_start3A_1067 = tpu.memref_slice %arg7[%dma_start3A_1062] : memref<2x!tpu.dma_semaphore, #tpu.memory_space<semaphore_mem>> -> memref<1x!tpu.dma_semaphore, #tpu.memory_space<semaphore_mem>>
    %dma_start3A_1068 = tpu.memref_squeeze %dma_start3A_1067 : memref<1x!tpu.dma_semaphore, #tpu.memory_space<semaphore_mem>> -> memref<!tpu.dma_semaphore, #tpu.memory_space<semaphore_mem>>
    %dma_start3A_1069 = tpu.memref_slice %arg4[%mul3A_1060] : memref<13631488xf32, #tpu.memory_space<hbm>> -> memref<32768xf32, #tpu.memory_space<hbm>>
    %dma_start3A_1070 = arith.constant 0 : i32
    %dma_start3A_1071 = tpu.memref_slice %arg6[%dma_start3A_1061, %dma_start3A_1070] : memref<2x32768xf32, #tpu.memory_space<vmem>> -> memref<1x32768xf32, #tpu.memory_space<vmem>>
    %dma_start3A_1072 = tpu.memref_squeeze %dma_start3A_1071 : memref<1x32768xf32, #tpu.memory_space<vmem>> -> memref<32768xf32, #tpu.memory_space<vmem>>
    tpu.enqueue_dma source(%dma_start3A_1072 : memref<32768xf32, #tpu.memory_space<vmem>>) target(%dma_start3A_1069 : memref<32768xf32, #tpu.memory_space<hbm>>) target_semaphore(%dma_start3A_1068 : memref<!tpu.dma_semaphore, #tpu.memory_space<semaphore_mem>>)
    %dma_wait3A_1073 = arith.constant 1 : i32
    %dma_wait3A_1074 = arith.constant 1 : i32
    %dma_wait3A_1075 = arith.constant 0 : i32
    %dma_wait3A_1076 = tpu.memref_slice %arg6[%dma_wait3A_1073, %dma_wait3A_1075] : memref<2x32768xf32, #tpu.memory_space<vmem>> -> memref<1x32768xf32, #tpu.memory_space<vmem>>
    %dma_wait3A_1077 = tpu.memref_squeeze %dma_wait3A_1076 : memref<1x32768xf32, #tpu.memory_space<vmem>> -> memref<32768xf32, #tpu.memory_space<vmem>>
    %dma_wait3A_1078 = tpu.memref_slice %arg4[%mul3A_1060] : memref<13631488xf32, #tpu.memory_space<hbm>> -> memref<32768xf32, #tpu.memory_space<hbm>>
    %dma_wait3A_1079 = tpu.memref_slice %arg7[%dma_wait3A_1074] : memref<2x!tpu.dma_semaphore, #tpu.memory_space<semaphore_mem>> -> memref<1x!tpu.dma_semaphore, #tpu.memory_space<semaphore_mem>>
    %dma_wait3A_1080 = tpu.memref_squeeze %dma_wait3A_1079 : memref<1x!tpu.dma_semaphore, #tpu.memory_space<semaphore_mem>> -> memref<!tpu.dma_semaphore, #tpu.memory_space<semaphore_mem>>
    %dma_wait3A_1081 = tpu.memref_slice %arg4[%mul3A_1060] : memref<13631488xf32, #tpu.memory_space<hbm>> -> memref<32768xf32, #tpu.memory_space<hbm>>
    %dma_wait3A_1082 = arith.constant 0 : i32
    %dma_wait3A_1083 = tpu.memref_slice %arg6[%dma_wait3A_1073, %dma_wait3A_1082] : memref<2x32768xf32, #tpu.memory_space<vmem>> -> memref<1x32768xf32, #tpu.memory_space<vmem>>
    %dma_wait3A_1084 = tpu.memref_squeeze %dma_wait3A_1083 : memref<1x32768xf32, #tpu.memory_space<vmem>> -> memref<32768xf32, #tpu.memory_space<vmem>>
    tpu.wait_dma2 semaphore(%dma_wait3A_1080 : memref<!tpu.dma_semaphore, #tpu.memory_space<semaphore_mem>>) src(%dma_wait3A_1084 : memref<32768xf32, #tpu.memory_space<vmem>>) dst(%dma_wait3A_1081 : memref<32768xf32, #tpu.memory_space<hbm>>)
    %dma_wait3A_1085 = arith.constant 0 : i32
    %dma_wait3A_1086 = arith.constant 0 : i32
    %dma_wait3A_1087 = arith.constant 0 : i32
    %dma_wait3A_1088 = tpu.memref_slice %arg6[%dma_wait3A_1085, %dma_wait3A_1087] : memref<2x32768xf32, #tpu.memory_space<vmem>> -> memref<1x32768xf32, #tpu.memory_space<vmem>>
    %dma_wait3A_1089 = tpu.memref_squeeze %dma_wait3A_1088 : memref<1x32768xf32, #tpu.memory_space<vmem>> -> memref<32768xf32, #tpu.memory_space<vmem>>
    %dma_wait3A_1090 = tpu.memref_slice %arg3[%mul3A_994] : memref<13631488xf32, #tpu.memory_space<hbm>> -> memref<32768xf32, #tpu.memory_space<hbm>>
    %dma_wait3A_1091 = tpu.memref_slice %arg7[%dma_wait3A_1086] : memref<2x!tpu.dma_semaphore, #tpu.memory_space<semaphore_mem>> -> memref<1x!tpu.dma_semaphore, #tpu.memory_space<semaphore_mem>>
    %dma_wait3A_1092 = tpu.memref_squeeze %dma_wait3A_1091 : memref<1x!tpu.dma_semaphore, #tpu.memory_space<semaphore_mem>> -> memref<!tpu.dma_semaphore, #tpu.memory_space<semaphore_mem>>
    %dma_wait3A_1093 = arith.constant 0 : i32
    %dma_wait3A_1094 = tpu.memref_slice %arg6[%dma_wait3A_1085, %dma_wait3A_1093] : memref<2x32768xf32, #tpu.memory_space<vmem>> -> memref<1x32768xf32, #tpu.memory_space<vmem>>
    %dma_wait3A_1095 = tpu.memref_squeeze %dma_wait3A_1094 : memref<1x32768xf32, #tpu.memory_space<vmem>> -> memref<32768xf32, #tpu.memory_space<vmem>>
    %dma_wait3A_1096 = tpu.memref_slice %arg3[%mul3A_994] : memref<13631488xf32, #tpu.memory_space<hbm>> -> memref<32768xf32, #tpu.memory_space<hbm>>
    tpu.wait_dma2 semaphore(%dma_wait3A_1092 : memref<!tpu.dma_semaphore, #tpu.memory_space<semaphore_mem>>) src(%dma_wait3A_1096 : memref<32768xf32, #tpu.memory_space<hbm>>) dst(%dma_wait3A_1095 : memref<32768xf32, #tpu.memory_space<vmem>>)
    %add3A_1097 = arith.constant 10 : i32
    %add3A_1098 = arith.addi %mul3A_2, %add3A_1097 : i32
    %add3A_1099 = arith.constant 1 : i32
    %add3A_1100 = arith.addi %add3A_1098, %add3A_1099 : i32
    %mul3A_1101 = arith.constant 32768 : i32
    %mul3A_1102 = arith.muli %add3A_1100, %mul3A_1101 : i32
    %dma_start3A_1103 = arith.constant 1 : i32
    %dma_start3A_1104 = arith.constant 1 : i32
    %dma_start3A_1105 = arith.constant 0 : i32
    %dma_start3A_1106 = tpu.memref_slice %arg6[%dma_start3A_1103, %dma_start3A_1105] : memref<2x32768xf32, #tpu.memory_space<vmem>> -> memref<1x32768xf32, #tpu.memory_space<vmem>>
    %dma_start3A_1107 = tpu.memref_squeeze %dma_start3A_1106 : memref<1x32768xf32, #tpu.memory_space<vmem>> -> memref<32768xf32, #tpu.memory_space<vmem>>
    %dma_start3A_1108 = tpu.memref_slice %arg3[%mul3A_1102] : memref<13631488xf32, #tpu.memory_space<hbm>> -> memref<32768xf32, #tpu.memory_space<hbm>>
    %dma_start3A_1109 = tpu.memref_slice %arg7[%dma_start3A_1104] : memref<2x!tpu.dma_semaphore, #tpu.memory_space<semaphore_mem>> -> memref<1x!tpu.dma_semaphore, #tpu.memory_space<semaphore_mem>>
    %dma_start3A_1110 = tpu.memref_squeeze %dma_start3A_1109 : memref<1x!tpu.dma_semaphore, #tpu.memory_space<semaphore_mem>> -> memref<!tpu.dma_semaphore, #tpu.memory_space<semaphore_mem>>
    %dma_start3A_1111 = arith.constant 0 : i32
    %dma_start3A_1112 = tpu.memref_slice %arg6[%dma_start3A_1103, %dma_start3A_1111] : memref<2x32768xf32, #tpu.memory_space<vmem>> -> memref<1x32768xf32, #tpu.memory_space<vmem>>
    %dma_start3A_1113 = tpu.memref_squeeze %dma_start3A_1112 : memref<1x32768xf32, #tpu.memory_space<vmem>> -> memref<32768xf32, #tpu.memory_space<vmem>>
    %dma_start3A_1114 = tpu.memref_slice %arg3[%mul3A_1102] : memref<13631488xf32, #tpu.memory_space<hbm>> -> memref<32768xf32, #tpu.memory_space<hbm>>
    tpu.enqueue_dma source(%dma_start3A_1114 : memref<32768xf32, #tpu.memory_space<hbm>>) target(%dma_start3A_1113 : memref<32768xf32, #tpu.memory_space<vmem>>) target_semaphore(%dma_start3A_1110 : memref<!tpu.dma_semaphore, #tpu.memory_space<semaphore_mem>>)
    %jit3A_1115 = arith.constant 4 : i32
    %div3A_1116 = arith.divsi %add3A_1098, %jit3A_1115 : i32
    %sign3A_1117 = arith.constant 0 : i32
    %sign3A_1118 = arith.cmpi sgt, %add3A_1098, %sign3A_1117 : i32
    %sign3A_1119 = arith.extui %sign3A_1118 : i1 to i32
    %sign3A_1120 = arith.constant 0 : i32
    %sign3A_1121 = arith.cmpi slt, %add3A_1098, %sign3A_1120 : i32
    %sign3A_1122 = arith.extui %sign3A_1121 : i1 to i32
    %sign3A_1123 = arith.subi %sign3A_1119, %sign3A_1122 : i32
    %sign3A_1124 = arith.constant 0 : i32
    %sign3A_1125 = arith.cmpi sgt, %jit3A_1115, %sign3A_1124 : i32
    %sign3A_1126 = arith.extui %sign3A_1125 : i1 to i32
    %sign3A_1127 = arith.constant 0 : i32
    %sign3A_1128 = arith.cmpi slt, %jit3A_1115, %sign3A_1127 : i32
    %sign3A_1129 = arith.extui %sign3A_1128 : i1 to i32
    %sign3A_1130 = arith.subi %sign3A_1126, %sign3A_1129 : i32
    %ne3A_1131 = arith.cmpi ne, %sign3A_1123, %sign3A_1130 : i32
    %rem3A_1132 = arith.remsi %add3A_1098, %jit3A_1115 : i32
    %ne3A_1133 = arith.constant 0 : i32
    %ne3A_1134 = arith.cmpi ne, %rem3A_1132, %ne3A_1133 : i32
    %and3A_1135 = arith.andi %ne3A_1131, %ne3A_1134 : i1
    %sub3A_1136 = arith.constant 1 : i32
    %sub3A_1137 = arith.subi %div3A_1116, %sub3A_1136 : i32
    %select_n3A_1138 = arith.select %and3A_1135, %sub3A_1137, %div3A_1116 : i32
    %mul3A_1139 = arith.constant 4 : i32
    %mul3A_1140 = arith.muli %select_n3A_1138, %mul3A_1139 : i32
    %mul3A_1141 = arith.constant 16 : i32
    %mul3A_1142 = arith.muli %mul3A_1140, %mul3A_1141 : i32
    %get3A_1143 = arith.index_cast %mul3A_1142 : i32 to index
    %get3A_1144 = tpu.vector_load %arg5[%get3A_1143] {strides = array<i32>} : memref<6656xf32, #tpu.memory_space<vmem>>, vector<16xf32>,
    %get3A_1145 = vector.shape_cast %get3A_1144 : vector<16xf32> to vector<16xf32>
    %add3A_1146 = arith.constant 16 : i32
    %add3A_1147 = arith.addi %mul3A_1142, %add3A_1146 : i32
    %get3A_1148 = arith.index_cast %add3A_1147 : i32 to index
    %get3A_1149 = tpu.vector_load %arg5[%get3A_1148] {strides = array<i32>} : memref<6656xf32, #tpu.memory_space<vmem>>, vector<16xf32>,
    %get3A_1150 = vector.shape_cast %get3A_1149 : vector<16xf32> to vector<16xf32>
    %add3A_1151 = arith.constant 32 : i32
    %add3A_1152 = arith.addi %mul3A_1142, %add3A_1151 : i32
    %get3A_1153 = arith.index_cast %add3A_1152 : i32 to index
    %get3A_1154 = tpu.vector_load %arg5[%get3A_1153] {strides = array<i32>} : memref<6656xf32, #tpu.memory_space<vmem>>, vector<16xf32>,
    %get3A_1155 = vector.shape_cast %get3A_1154 : vector<16xf32> to vector<16xf32>
    %add3A_1156 = arith.constant 48 : i32
    %add3A_1157 = arith.addi %mul3A_1142, %add3A_1156 : i32
    %get3A_1158 = arith.index_cast %add3A_1157 : i32 to index
    %get3A_1159 = tpu.vector_load %arg5[%get3A_1158] {strides = array<i32>} : memref<6656xf32, #tpu.memory_space<vmem>>, vector<16xf32>,
    %get3A_1160 = vector.shape_cast %get3A_1159 : vector<16xf32> to vector<16xf32>
    %scan3A_1161 = arith.constant 0 : i32
    %scan3A_1162 = arith.constant 0 : i32
    %scan3A_1163 = arith.constant 2048 : i32
    %scan3A_1164 = arith.addi %scan3A_1162, %scan3A_1163 : i32
    %scan3A_1165 = arith.constant 1 : i32
    scf.for %scan3A_1393 = %scan3A_1162 to %scan3A_1164 step %scan3A_1165  : i32 {
      %mul3A_1394 = arith.constant 16 : i32
      %mul3A_1395 = arith.muli %scan3A_1393, %mul3A_1394 : i32
      %get3A_1396 = arith.constant 0 : i32
      %get3A_1397 = arith.index_cast %get3A_1396 : i32 to index
      %get3A_1398 = arith.index_cast %mul3A_1395 : i32 to index
      %get3A_1399 = tpu.vector_load %arg6[%get3A_1397, %get3A_1398] {strides = array<i32>} : memref<2x32768xf32, #tpu.memory_space<vmem>>, vector<1x16xf32>,
      %get3A_1400 = vector.shape_cast %get3A_1399 : vector<1x16xf32> to vector<16xf32>
      %mul3A_1401 = arith.mulf %get3A_1400, %get3A_1145 : vector<16xf32>
      %sub3A_1402 = arith.subf %mul3A_1401, %get3A_1150 : vector<16xf32>
      %exp3A = math.exp %sub3A_1402 : vector<16xf32>
      %add3A_1403 = arith.constant 1.000000e+00 : f32
      %add3A_1404 = vector.broadcast %add3A_1403 : f32 to vector<16xf32>
      %add3A_1405 = arith.addf %exp3A, %add3A_1404 : vector<16xf32>
      %div3A_1406 = arith.divf %get3A_1160, %add3A_1405 : vector<16xf32>
      %sub3A_1407 = arith.subf %get3A_1155, %div3A_1406 : vector<16xf32>
      %mul3A_1408 = arith.constant 16 : i32
      %mul3A_1409 = arith.muli %scan3A_1393, %mul3A_1408 : i32
      %swap3A = arith.constant 0 : i32
      %swap3A_1410 = arith.index_cast %swap3A : i32 to index
      %swap3A_1411 = arith.index_cast %mul3A_1409 : i32 to index
      %swap3A_1412 = tpu.vector_load %arg6[%swap3A_1410, %swap3A_1411] {strides = array<i32>} : memref<2x32768xf32, #tpu.memory_space<vmem>>, vector<1x16xf32>,
      %swap3A_1413 = vector.shape_cast %swap3A_1412 : vector<1x16xf32> to vector<16xf32>
      %swap3A_1414 = vector.shape_cast %sub3A_1407 : vector<16xf32> to vector<1x16xf32>
      tpu.vector_store %arg6[%swap3A_1410, %swap3A_1411], %swap3A_1414 {strides = array<i32>} : memref<2x32768xf32, #tpu.memory_space<vmem>>, vector<1x16xf32>,
    }
    %scan3A_1166 = arith.constant 2048 : i32
    %mul3A_1167 = arith.constant 32768 : i32
    %mul3A_1168 = arith.muli %add3A_1098, %mul3A_1167 : i32
    %dma_start3A_1169 = arith.constant 0 : i32
    %dma_start3A_1170 = arith.constant 0 : i32
    %dma_start3A_1171 = arith.constant 0 : i32
    %dma_start3A_1172 = tpu.memref_slice %arg6[%dma_start3A_1169, %dma_start3A_1171] : memref<2x32768xf32, #tpu.memory_space<vmem>> -> memref<1x32768xf32, #tpu.memory_space<vmem>>
    %dma_start3A_1173 = tpu.memref_squeeze %dma_start3A_1172 : memref<1x32768xf32, #tpu.memory_space<vmem>> -> memref<32768xf32, #tpu.memory_space<vmem>>
    %dma_start3A_1174 = tpu.memref_slice %arg4[%mul3A_1168] : memref<13631488xf32, #tpu.memory_space<hbm>> -> memref<32768xf32, #tpu.memory_space<hbm>>
    %dma_start3A_1175 = tpu.memref_slice %arg7[%dma_start3A_1170] : memref<2x!tpu.dma_semaphore, #tpu.memory_space<semaphore_mem>> -> memref<1x!tpu.dma_semaphore, #tpu.memory_space<semaphore_mem>>
    %dma_start3A_1176 = tpu.memref_squeeze %dma_start3A_1175 : memref<1x!tpu.dma_semaphore, #tpu.memory_space<semaphore_mem>> -> memref<!tpu.dma_semaphore, #tpu.memory_space<semaphore_mem>>
    %dma_start3A_1177 = tpu.memref_slice %arg4[%mul3A_1168] : memref<13631488xf32, #tpu.memory_space<hbm>> -> memref<32768xf32, #tpu.memory_space<hbm>>
    %dma_start3A_1178 = arith.constant 0 : i32
    %dma_start3A_1179 = tpu.memref_slice %arg6[%dma_start3A_1169, %dma_start3A_1178] : memref<2x32768xf32, #tpu.memory_space<vmem>> -> memref<1x32768xf32, #tpu.memory_space<vmem>>
    %dma_start3A_1180 = tpu.memref_squeeze %dma_start3A_1179 : memref<1x32768xf32, #tpu.memory_space<vmem>> -> memref<32768xf32, #tpu.memory_space<vmem>>
    tpu.enqueue_dma source(%dma_start3A_1180 : memref<32768xf32, #tpu.memory_space<vmem>>) target(%dma_start3A_1177 : memref<32768xf32, #tpu.memory_space<hbm>>) target_semaphore(%dma_start3A_1176 : memref<!tpu.dma_semaphore, #tpu.memory_space<semaphore_mem>>)
    %dma_wait3A_1181 = arith.constant 0 : i32
    %dma_wait3A_1182 = arith.constant 0 : i32
    %dma_wait3A_1183 = arith.constant 0 : i32
    %dma_wait3A_1184 = tpu.memref_slice %arg6[%dma_wait3A_1181, %dma_wait3A_1183] : memref<2x32768xf32, #tpu.memory_space<vmem>> -> memref<1x32768xf32, #tpu.memory_space<vmem>>
    %dma_wait3A_1185 = tpu.memref_squeeze %dma_wait3A_1184 : memref<1x32768xf32, #tpu.memory_space<vmem>> -> memref<32768xf32, #tpu.memory_space<vmem>>
    %dma_wait3A_1186 = tpu.memref_slice %arg4[%mul3A_1168] : memref<13631488xf32, #tpu.memory_space<hbm>> -> memref<32768xf32, #tpu.memory_space<hbm>>
    %dma_wait3A_1187 = tpu.memref_slice %arg7[%dma_wait3A_1182] : memref<2x!tpu.dma_semaphore, #tpu.memory_space<semaphore_mem>> -> memref<1x!tpu.dma_semaphore, #tpu.memory_space<semaphore_mem>>
    %dma_wait3A_1188 = tpu.memref_squeeze %dma_wait3A_1187 : memref<1x!tpu.dma_semaphore, #tpu.memory_space<semaphore_mem>> -> memref<!tpu.dma_semaphore, #tpu.memory_space<semaphore_mem>>
    %dma_wait3A_1189 = tpu.memref_slice %arg4[%mul3A_1168] : memref<13631488xf32, #tpu.memory_space<hbm>> -> memref<32768xf32, #tpu.memory_space<hbm>>
    %dma_wait3A_1190 = arith.constant 0 : i32
    %dma_wait3A_1191 = tpu.memref_slice %arg6[%dma_wait3A_1181, %dma_wait3A_1190] : memref<2x32768xf32, #tpu.memory_space<vmem>> -> memref<1x32768xf32, #tpu.memory_space<vmem>>
    %dma_wait3A_1192 = tpu.memref_squeeze %dma_wait3A_1191 : memref<1x32768xf32, #tpu.memory_space<vmem>> -> memref<32768xf32, #tpu.memory_space<vmem>>
    tpu.wait_dma2 semaphore(%dma_wait3A_1188 : memref<!tpu.dma_semaphore, #tpu.memory_space<semaphore_mem>>) src(%dma_wait3A_1192 : memref<32768xf32, #tpu.memory_space<vmem>>) dst(%dma_wait3A_1189 : memref<32768xf32, #tpu.memory_space<hbm>>)
    %dma_wait3A_1193 = arith.constant 1 : i32
    %dma_wait3A_1194 = arith.constant 1 : i32
    %dma_wait3A_1195 = arith.constant 0 : i32
    %dma_wait3A_1196 = tpu.memref_slice %arg6[%dma_wait3A_1193, %dma_wait3A_1195] : memref<2x32768xf32, #tpu.memory_space<vmem>> -> memref<1x32768xf32, #tpu.memory_space<vmem>>
    %dma_wait3A_1197 = tpu.memref_squeeze %dma_wait3A_1196 : memref<1x32768xf32, #tpu.memory_space<vmem>> -> memref<32768xf32, #tpu.memory_space<vmem>>
    %dma_wait3A_1198 = tpu.memref_slice %arg3[%mul3A_1102] : memref<13631488xf32, #tpu.memory_space<hbm>> -> memref<32768xf32, #tpu.memory_space<hbm>>
    %dma_wait3A_1199 = tpu.memref_slice %arg7[%dma_wait3A_1194] : memref<2x!tpu.dma_semaphore, #tpu.memory_space<semaphore_mem>> -> memref<1x!tpu.dma_semaphore, #tpu.memory_space<semaphore_mem>>
    %dma_wait3A_1200 = tpu.memref_squeeze %dma_wait3A_1199 : memref<1x!tpu.dma_semaphore, #tpu.memory_space<semaphore_mem>> -> memref<!tpu.dma_semaphore, #tpu.memory_space<semaphore_mem>>
    %dma_wait3A_1201 = arith.constant 0 : i32
    %dma_wait3A_1202 = tpu.memref_slice %arg6[%dma_wait3A_1193, %dma_wait3A_1201] : memref<2x32768xf32, #tpu.memory_space<vmem>> -> memref<1x32768xf32, #tpu.memory_space<vmem>>
    %dma_wait3A_1203 = tpu.memref_squeeze %dma_wait3A_1202 : memref<1x32768xf32, #tpu.memory_space<vmem>> -> memref<32768xf32, #tpu.memory_space<vmem>>
    %dma_wait3A_1204 = tpu.memref_slice %arg3[%mul3A_1102] : memref<13631488xf32, #tpu.memory_space<hbm>> -> memref<32768xf32, #tpu.memory_space<hbm>>
    tpu.wait_dma2 semaphore(%dma_wait3A_1200 : memref<!tpu.dma_semaphore, #tpu.memory_space<semaphore_mem>>) src(%dma_wait3A_1204 : memref<32768xf32, #tpu.memory_space<hbm>>) dst(%dma_wait3A_1203 : memref<32768xf32, #tpu.memory_space<vmem>>)
    %add3A_1205 = arith.constant 11 : i32
    %add3A_1206 = arith.addi %mul3A_2, %add3A_1205 : i32
    %add3A_1207 = arith.constant 1 : i32
    %add3A_1208 = arith.addi %add3A_1206, %add3A_1207 : i32
    %mul3A_1209 = arith.constant 32768 : i32
    %mul3A_1210 = arith.muli %add3A_1208, %mul3A_1209 : i32
    %dma_start3A_1211 = arith.constant 0 : i32
    %dma_start3A_1212 = arith.constant 0 : i32
    %dma_start3A_1213 = arith.constant 0 : i32
    %dma_start3A_1214 = tpu.memref_slice %arg6[%dma_start3A_1211, %dma_start3A_1213] : memref<2x32768xf32, #tpu.memory_space<vmem>> -> memref<1x32768xf32, #tpu.memory_space<vmem>>
    %dma_start3A_1215 = tpu.memref_squeeze %dma_start3A_1214 : memref<1x32768xf32, #tpu.memory_space<vmem>> -> memref<32768xf32, #tpu.memory_space<vmem>>
    %dma_start3A_1216 = tpu.memref_slice %arg3[%mul3A_1210] : memref<13631488xf32, #tpu.memory_space<hbm>> -> memref<32768xf32, #tpu.memory_space<hbm>>
    %dma_start3A_1217 = tpu.memref_slice %arg7[%dma_start3A_1212] : memref<2x!tpu.dma_semaphore, #tpu.memory_space<semaphore_mem>> -> memref<1x!tpu.dma_semaphore, #tpu.memory_space<semaphore_mem>>
    %dma_start3A_1218 = tpu.memref_squeeze %dma_start3A_1217 : memref<1x!tpu.dma_semaphore, #tpu.memory_space<semaphore_mem>> -> memref<!tpu.dma_semaphore, #tpu.memory_space<semaphore_mem>>
    %dma_start3A_1219 = arith.constant 0 : i32
    %dma_start3A_1220 = tpu.memref_slice %arg6[%dma_start3A_1211, %dma_start3A_1219] : memref<2x32768xf32, #tpu.memory_space<vmem>> -> memref<1x32768xf32, #tpu.memory_space<vmem>>
    %dma_start3A_1221 = tpu.memref_squeeze %dma_start3A_1220 : memref<1x32768xf32, #tpu.memory_space<vmem>> -> memref<32768xf32, #tpu.memory_space<vmem>>
    %dma_start3A_1222 = tpu.memref_slice %arg3[%mul3A_1210] : memref<13631488xf32, #tpu.memory_space<hbm>> -> memref<32768xf32, #tpu.memory_space<hbm>>
    tpu.enqueue_dma source(%dma_start3A_1222 : memref<32768xf32, #tpu.memory_space<hbm>>) target(%dma_start3A_1221 : memref<32768xf32, #tpu.memory_space<vmem>>) target_semaphore(%dma_start3A_1218 : memref<!tpu.dma_semaphore, #tpu.memory_space<semaphore_mem>>)
    %jit3A_1223 = arith.constant 4 : i32
    %div3A_1224 = arith.divsi %add3A_1206, %jit3A_1223 : i32
    %sign3A_1225 = arith.constant 0 : i32
    %sign3A_1226 = arith.cmpi sgt, %add3A_1206, %sign3A_1225 : i32
    %sign3A_1227 = arith.extui %sign3A_1226 : i1 to i32
    %sign3A_1228 = arith.constant 0 : i32
    %sign3A_1229 = arith.cmpi slt, %add3A_1206, %sign3A_1228 : i32
    %sign3A_1230 = arith.extui %sign3A_1229 : i1 to i32
    %sign3A_1231 = arith.subi %sign3A_1227, %sign3A_1230 : i32
    %sign3A_1232 = arith.constant 0 : i32
    %sign3A_1233 = arith.cmpi sgt, %jit3A_1223, %sign3A_1232 : i32
    %sign3A_1234 = arith.extui %sign3A_1233 : i1 to i32
    %sign3A_1235 = arith.constant 0 : i32
    %sign3A_1236 = arith.cmpi slt, %jit3A_1223, %sign3A_1235 : i32
    %sign3A_1237 = arith.extui %sign3A_1236 : i1 to i32
    %sign3A_1238 = arith.subi %sign3A_1234, %sign3A_1237 : i32
    %ne3A_1239 = arith.cmpi ne, %sign3A_1231, %sign3A_1238 : i32
    %rem3A_1240 = arith.remsi %add3A_1206, %jit3A_1223 : i32
    %ne3A_1241 = arith.constant 0 : i32
    %ne3A_1242 = arith.cmpi ne, %rem3A_1240, %ne3A_1241 : i32
    %and3A_1243 = arith.andi %ne3A_1239, %ne3A_1242 : i1
    %sub3A_1244 = arith.constant 1 : i32
    %sub3A_1245 = arith.subi %div3A_1224, %sub3A_1244 : i32
    %select_n3A_1246 = arith.select %and3A_1243, %sub3A_1245, %div3A_1224 : i32
    %mul3A_1247 = arith.constant 4 : i32
    %mul3A_1248 = arith.muli %select_n3A_1246, %mul3A_1247 : i32
    %mul3A_1249 = arith.constant 16 : i32
    %mul3A_1250 = arith.muli %mul3A_1248, %mul3A_1249 : i32
    %get3A_1251 = arith.index_cast %mul3A_1250 : i32 to index
    %get3A_1252 = tpu.vector_load %arg5[%get3A_1251] {strides = array<i32>} : memref<6656xf32, #tpu.memory_space<vmem>>, vector<16xf32>,
    %get3A_1253 = vector.shape_cast %get3A_1252 : vector<16xf32> to vector<16xf32>
    %add3A_1254 = arith.constant 16 : i32
    %add3A_1255 = arith.addi %mul3A_1250, %add3A_1254 : i32
    %get3A_1256 = arith.index_cast %add3A_1255 : i32 to index
    %get3A_1257 = tpu.vector_load %arg5[%get3A_1256] {strides = array<i32>} : memref<6656xf32, #tpu.memory_space<vmem>>, vector<16xf32>,
    %get3A_1258 = vector.shape_cast %get3A_1257 : vector<16xf32> to vector<16xf32>
    %add3A_1259 = arith.constant 32 : i32
    %add3A_1260 = arith.addi %mul3A_1250, %add3A_1259 : i32
    %get3A_1261 = arith.index_cast %add3A_1260 : i32 to index
    %get3A_1262 = tpu.vector_load %arg5[%get3A_1261] {strides = array<i32>} : memref<6656xf32, #tpu.memory_space<vmem>>, vector<16xf32>,
    %get3A_1263 = vector.shape_cast %get3A_1262 : vector<16xf32> to vector<16xf32>
    %add3A_1264 = arith.constant 48 : i32
    %add3A_1265 = arith.addi %mul3A_1250, %add3A_1264 : i32
    %get3A_1266 = arith.index_cast %add3A_1265 : i32 to index
    %get3A_1267 = tpu.vector_load %arg5[%get3A_1266] {strides = array<i32>} : memref<6656xf32, #tpu.memory_space<vmem>>, vector<16xf32>,
    %get3A_1268 = vector.shape_cast %get3A_1267 : vector<16xf32> to vector<16xf32>
    %scan3A_1269 = arith.constant 0 : i32
    %scan3A_1270 = arith.constant 0 : i32
    %scan3A_1271 = arith.constant 2048 : i32
    %scan3A_1272 = arith.addi %scan3A_1270, %scan3A_1271 : i32
    %scan3A_1273 = arith.constant 1 : i32
    scf.for %scan3A_1393 = %scan3A_1270 to %scan3A_1272 step %scan3A_1273  : i32 {
      %mul3A_1394 = arith.constant 16 : i32
      %mul3A_1395 = arith.muli %scan3A_1393, %mul3A_1394 : i32
      %get3A_1396 = arith.constant 1 : i32
      %get3A_1397 = arith.index_cast %get3A_1396 : i32 to index
      %get3A_1398 = arith.index_cast %mul3A_1395 : i32 to index
      %get3A_1399 = tpu.vector_load %arg6[%get3A_1397, %get3A_1398] {strides = array<i32>} : memref<2x32768xf32, #tpu.memory_space<vmem>>, vector<1x16xf32>,
      %get3A_1400 = vector.shape_cast %get3A_1399 : vector<1x16xf32> to vector<16xf32>
      %mul3A_1401 = arith.mulf %get3A_1400, %get3A_1253 : vector<16xf32>
      %sub3A_1402 = arith.subf %mul3A_1401, %get3A_1258 : vector<16xf32>
      %exp3A = math.exp %sub3A_1402 : vector<16xf32>
      %add3A_1403 = arith.constant 1.000000e+00 : f32
      %add3A_1404 = vector.broadcast %add3A_1403 : f32 to vector<16xf32>
      %add3A_1405 = arith.addf %exp3A, %add3A_1404 : vector<16xf32>
      %div3A_1406 = arith.divf %get3A_1268, %add3A_1405 : vector<16xf32>
      %sub3A_1407 = arith.subf %get3A_1263, %div3A_1406 : vector<16xf32>
      %mul3A_1408 = arith.constant 16 : i32
      %mul3A_1409 = arith.muli %scan3A_1393, %mul3A_1408 : i32
      %swap3A = arith.constant 1 : i32
      %swap3A_1410 = arith.index_cast %swap3A : i32 to index
      %swap3A_1411 = arith.index_cast %mul3A_1409 : i32 to index
      %swap3A_1412 = tpu.vector_load %arg6[%swap3A_1410, %swap3A_1411] {strides = array<i32>} : memref<2x32768xf32, #tpu.memory_space<vmem>>, vector<1x16xf32>,
      %swap3A_1413 = vector.shape_cast %swap3A_1412 : vector<1x16xf32> to vector<16xf32>
      %swap3A_1414 = vector.shape_cast %sub3A_1407 : vector<16xf32> to vector<1x16xf32>
      tpu.vector_store %arg6[%swap3A_1410, %swap3A_1411], %swap3A_1414 {strides = array<i32>} : memref<2x32768xf32, #tpu.memory_space<vmem>>, vector<1x16xf32>,
    }
    %scan3A_1274 = arith.constant 2048 : i32
    %mul3A_1275 = arith.constant 32768 : i32
    %mul3A_1276 = arith.muli %add3A_1206, %mul3A_1275 : i32
    %dma_start3A_1277 = arith.constant 1 : i32
    %dma_start3A_1278 = arith.constant 1 : i32
    %dma_start3A_1279 = arith.constant 0 : i32
    %dma_start3A_1280 = tpu.memref_slice %arg6[%dma_start3A_1277, %dma_start3A_1279] : memref<2x32768xf32, #tpu.memory_space<vmem>> -> memref<1x32768xf32, #tpu.memory_space<vmem>>
    %dma_start3A_1281 = tpu.memref_squeeze %dma_start3A_1280 : memref<1x32768xf32, #tpu.memory_space<vmem>> -> memref<32768xf32, #tpu.memory_space<vmem>>
    %dma_start3A_1282 = tpu.memref_slice %arg4[%mul3A_1276] : memref<13631488xf32, #tpu.memory_space<hbm>> -> memref<32768xf32, #tpu.memory_space<hbm>>
    %dma_start3A_1283 = tpu.memref_slice %arg7[%dma_start3A_1278] : memref<2x!tpu.dma_semaphore, #tpu.memory_space<semaphore_mem>> -> memref<1x!tpu.dma_semaphore, #tpu.memory_space<semaphore_mem>>
    %dma_start3A_1284 = tpu.memref_squeeze %dma_start3A_1283 : memref<1x!tpu.dma_semaphore, #tpu.memory_space<semaphore_mem>> -> memref<!tpu.dma_semaphore, #tpu.memory_space<semaphore_mem>>
    %dma_start3A_1285 = tpu.memref_slice %arg4[%mul3A_1276] : memref<13631488xf32, #tpu.memory_space<hbm>> -> memref<32768xf32, #tpu.memory_space<hbm>>
    %dma_start3A_1286 = arith.constant 0 : i32
    %dma_start3A_1287 = tpu.memref_slice %arg6[%dma_start3A_1277, %dma_start3A_1286] : memref<2x32768xf32, #tpu.memory_space<vmem>> -> memref<1x32768xf32, #tpu.memory_space<vmem>>
    %dma_start3A_1288 = tpu.memref_squeeze %dma_start3A_1287 : memref<1x32768xf32, #tpu.memory_space<vmem>> -> memref<32768xf32, #tpu.memory_space<vmem>>
    tpu.enqueue_dma source(%dma_start3A_1288 : memref<32768xf32, #tpu.memory_space<vmem>>) target(%dma_start3A_1285 : memref<32768xf32, #tpu.memory_space<hbm>>) target_semaphore(%dma_start3A_1284 : memref<!tpu.dma_semaphore, #tpu.memory_space<semaphore_mem>>)
    %dma_wait3A_1289 = arith.constant 1 : i32
    %dma_wait3A_1290 = arith.constant 1 : i32
    %dma_wait3A_1291 = arith.constant 0 : i32
    %dma_wait3A_1292 = tpu.memref_slice %arg6[%dma_wait3A_1289, %dma_wait3A_1291] : memref<2x32768xf32, #tpu.memory_space<vmem>> -> memref<1x32768xf32, #tpu.memory_space<vmem>>
    %dma_wait3A_1293 = tpu.memref_squeeze %dma_wait3A_1292 : memref<1x32768xf32, #tpu.memory_space<vmem>> -> memref<32768xf32, #tpu.memory_space<vmem>>
    %dma_wait3A_1294 = tpu.memref_slice %arg4[%mul3A_1276] : memref<13631488xf32, #tpu.memory_space<hbm>> -> memref<32768xf32, #tpu.memory_space<hbm>>
    %dma_wait3A_1295 = tpu.memref_slice %arg7[%dma_wait3A_1290] : memref<2x!tpu.dma_semaphore, #tpu.memory_space<semaphore_mem>> -> memref<1x!tpu.dma_semaphore, #tpu.memory_space<semaphore_mem>>
    %dma_wait3A_1296 = tpu.memref_squeeze %dma_wait3A_1295 : memref<1x!tpu.dma_semaphore, #tpu.memory_space<semaphore_mem>> -> memref<!tpu.dma_semaphore, #tpu.memory_space<semaphore_mem>>
    %dma_wait3A_1297 = tpu.memref_slice %arg4[%mul3A_1276] : memref<13631488xf32, #tpu.memory_space<hbm>> -> memref<32768xf32, #tpu.memory_space<hbm>>
    %dma_wait3A_1298 = arith.constant 0 : i32
    %dma_wait3A_1299 = tpu.memref_slice %arg6[%dma_wait3A_1289, %dma_wait3A_1298] : memref<2x32768xf32, #tpu.memory_space<vmem>> -> memref<1x32768xf32, #tpu.memory_space<vmem>>
    %dma_wait3A_1300 = tpu.memref_squeeze %dma_wait3A_1299 : memref<1x32768xf32, #tpu.memory_space<vmem>> -> memref<32768xf32, #tpu.memory_space<vmem>>
    tpu.wait_dma2 semaphore(%dma_wait3A_1296 : memref<!tpu.dma_semaphore, #tpu.memory_space<semaphore_mem>>) src(%dma_wait3A_1300 : memref<32768xf32, #tpu.memory_space<vmem>>) dst(%dma_wait3A_1297 : memref<32768xf32, #tpu.memory_space<hbm>>)
    %dma_wait3A_1301 = arith.constant 0 : i32
    %dma_wait3A_1302 = arith.constant 0 : i32
    %dma_wait3A_1303 = arith.constant 0 : i32
    %dma_wait3A_1304 = tpu.memref_slice %arg6[%dma_wait3A_1301, %dma_wait3A_1303] : memref<2x32768xf32, #tpu.memory_space<vmem>> -> memref<1x32768xf32, #tpu.memory_space<vmem>>
    %dma_wait3A_1305 = tpu.memref_squeeze %dma_wait3A_1304 : memref<1x32768xf32, #tpu.memory_space<vmem>> -> memref<32768xf32, #tpu.memory_space<vmem>>
    %dma_wait3A_1306 = tpu.memref_slice %arg3[%mul3A_1210] : memref<13631488xf32, #tpu.memory_space<hbm>> -> memref<32768xf32, #tpu.memory_space<hbm>>
    %dma_wait3A_1307 = tpu.memref_slice %arg7[%dma_wait3A_1302] : memref<2x!tpu.dma_semaphore, #tpu.memory_space<semaphore_mem>> -> memref<1x!tpu.dma_semaphore, #tpu.memory_space<semaphore_mem>>
    %dma_wait3A_1308 = tpu.memref_squeeze %dma_wait3A_1307 : memref<1x!tpu.dma_semaphore, #tpu.memory_space<semaphore_mem>> -> memref<!tpu.dma_semaphore, #tpu.memory_space<semaphore_mem>>
    %dma_wait3A_1309 = arith.constant 0 : i32
    %dma_wait3A_1310 = tpu.memref_slice %arg6[%dma_wait3A_1301, %dma_wait3A_1309] : memref<2x32768xf32, #tpu.memory_space<vmem>> -> memref<1x32768xf32, #tpu.memory_space<vmem>>
    %dma_wait3A_1311 = tpu.memref_squeeze %dma_wait3A_1310 : memref<1x32768xf32, #tpu.memory_space<vmem>> -> memref<32768xf32, #tpu.memory_space<vmem>>
    %dma_wait3A_1312 = tpu.memref_slice %arg3[%mul3A_1210] : memref<13631488xf32, #tpu.memory_space<hbm>> -> memref<32768xf32, #tpu.memory_space<hbm>>
    tpu.wait_dma2 semaphore(%dma_wait3A_1308 : memref<!tpu.dma_semaphore, #tpu.memory_space<semaphore_mem>>) src(%dma_wait3A_1312 : memref<32768xf32, #tpu.memory_space<hbm>>) dst(%dma_wait3A_1311 : memref<32768xf32, #tpu.memory_space<vmem>>)
    %add3A_1313 = arith.constant 12 : i32
    %add3A_1314 = arith.addi %mul3A_2, %add3A_1313 : i32
    %jit3A_1315 = arith.constant 4 : i32
    %div3A_1316 = arith.divsi %add3A_1314, %jit3A_1315 : i32
    %sign3A_1317 = arith.constant 0 : i32
    %sign3A_1318 = arith.cmpi sgt, %add3A_1314, %sign3A_1317 : i32
    %sign3A_1319 = arith.extui %sign3A_1318 : i1 to i32
    %sign3A_1320 = arith.constant 0 : i32
    %sign3A_1321 = arith.cmpi slt, %add3A_1314, %sign3A_1320 : i32
    %sign3A_1322 = arith.extui %sign3A_1321 : i1 to i32
    %sign3A_1323 = arith.subi %sign3A_1319, %sign3A_1322 : i32
    %sign3A_1324 = arith.constant 0 : i32
    %sign3A_1325 = arith.cmpi sgt, %jit3A_1315, %sign3A_1324 : i32
    %sign3A_1326 = arith.extui %sign3A_1325 : i1 to i32
    %sign3A_1327 = arith.constant 0 : i32
    %sign3A_1328 = arith.cmpi slt, %jit3A_1315, %sign3A_1327 : i32
    %sign3A_1329 = arith.extui %sign3A_1328 : i1 to i32
    %sign3A_1330 = arith.subi %sign3A_1326, %sign3A_1329 : i32
    %ne3A_1331 = arith.cmpi ne, %sign3A_1323, %sign3A_1330 : i32
    %rem3A_1332 = arith.remsi %add3A_1314, %jit3A_1315 : i32
    %ne3A_1333 = arith.constant 0 : i32
    %ne3A_1334 = arith.cmpi ne, %rem3A_1332, %ne3A_1333 : i32
    %and3A_1335 = arith.andi %ne3A_1331, %ne3A_1334 : i1
    %sub3A_1336 = arith.constant 1 : i32
    %sub3A_1337 = arith.subi %div3A_1316, %sub3A_1336 : i32
    %select_n3A_1338 = arith.select %and3A_1335, %sub3A_1337, %div3A_1316 : i32
    %mul3A_1339 = arith.constant 4 : i32
    %mul3A_1340 = arith.muli %select_n3A_1338, %mul3A_1339 : i32
    %mul3A_1341 = arith.constant 16 : i32
    %mul3A_1342 = arith.muli %mul3A_1340, %mul3A_1341 : i32
    %get3A_1343 = arith.index_cast %mul3A_1342 : i32 to index
    %get3A_1344 = tpu.vector_load %arg5[%get3A_1343] {strides = array<i32>} : memref<6656xf32, #tpu.memory_space<vmem>>, vector<16xf32>,
    %get3A_1345 = vector.shape_cast %get3A_1344 : vector<16xf32> to vector<16xf32>
    %add3A_1346 = arith.constant 16 : i32
    %add3A_1347 = arith.addi %mul3A_1342, %add3A_1346 : i32
    %get3A_1348 = arith.index_cast %add3A_1347 : i32 to index
    %get3A_1349 = tpu.vector_load %arg5[%get3A_1348] {strides = array<i32>} : memref<6656xf32, #tpu.memory_space<vmem>>, vector<16xf32>,
    %get3A_1350 = vector.shape_cast %get3A_1349 : vector<16xf32> to vector<16xf32>
    %add3A_1351 = arith.constant 32 : i32
    %add3A_1352 = arith.addi %mul3A_1342, %add3A_1351 : i32
    %get3A_1353 = arith.index_cast %add3A_1352 : i32 to index
    %get3A_1354 = tpu.vector_load %arg5[%get3A_1353] {strides = array<i32>} : memref<6656xf32, #tpu.memory_space<vmem>>, vector<16xf32>,
    %get3A_1355 = vector.shape_cast %get3A_1354 : vector<16xf32> to vector<16xf32>
    %add3A_1356 = arith.constant 48 : i32
    %add3A_1357 = arith.addi %mul3A_1342, %add3A_1356 : i32
    %get3A_1358 = arith.index_cast %add3A_1357 : i32 to index
    %get3A_1359 = tpu.vector_load %arg5[%get3A_1358] {strides = array<i32>} : memref<6656xf32, #tpu.memory_space<vmem>>, vector<16xf32>,
    %get3A_1360 = vector.shape_cast %get3A_1359 : vector<16xf32> to vector<16xf32>
    %scan3A_1361 = arith.constant 0 : i32
    %scan3A_1362 = arith.constant 0 : i32
    %scan3A_1363 = arith.constant 2048 : i32
    %scan3A_1364 = arith.addi %scan3A_1362, %scan3A_1363 : i32
    %scan3A_1365 = arith.constant 1 : i32
    scf.for %scan3A_1393 = %scan3A_1362 to %scan3A_1364 step %scan3A_1365  : i32 {
      %mul3A_1394 = arith.constant 16 : i32
      %mul3A_1395 = arith.muli %scan3A_1393, %mul3A_1394 : i32
      %get3A_1396 = arith.constant 0 : i32
      %get3A_1397 = arith.index_cast %get3A_1396 : i32 to index
      %get3A_1398 = arith.index_cast %mul3A_1395 : i32 to index
      %get3A_1399 = tpu.vector_load %arg6[%get3A_1397, %get3A_1398] {strides = array<i32>} : memref<2x32768xf32, #tpu.memory_space<vmem>>, vector<1x16xf32>,
      %get3A_1400 = vector.shape_cast %get3A_1399 : vector<1x16xf32> to vector<16xf32>
      %mul3A_1401 = arith.mulf %get3A_1400, %get3A_1345 : vector<16xf32>
      %sub3A_1402 = arith.subf %mul3A_1401, %get3A_1350 : vector<16xf32>
      %exp3A = math.exp %sub3A_1402 : vector<16xf32>
      %add3A_1403 = arith.constant 1.000000e+00 : f32
      %add3A_1404 = vector.broadcast %add3A_1403 : f32 to vector<16xf32>
      %add3A_1405 = arith.addf %exp3A, %add3A_1404 : vector<16xf32>
      %div3A_1406 = arith.divf %get3A_1360, %add3A_1405 : vector<16xf32>
      %sub3A_1407 = arith.subf %get3A_1355, %div3A_1406 : vector<16xf32>
      %mul3A_1408 = arith.constant 16 : i32
      %mul3A_1409 = arith.muli %scan3A_1393, %mul3A_1408 : i32
      %swap3A = arith.constant 0 : i32
      %swap3A_1410 = arith.index_cast %swap3A : i32 to index
      %swap3A_1411 = arith.index_cast %mul3A_1409 : i32 to index
      %swap3A_1412 = tpu.vector_load %arg6[%swap3A_1410, %swap3A_1411] {strides = array<i32>} : memref<2x32768xf32, #tpu.memory_space<vmem>>, vector<1x16xf32>,
      %swap3A_1413 = vector.shape_cast %swap3A_1412 : vector<1x16xf32> to vector<16xf32>
      %swap3A_1414 = vector.shape_cast %sub3A_1407 : vector<16xf32> to vector<1x16xf32>
      tpu.vector_store %arg6[%swap3A_1410, %swap3A_1411], %swap3A_1414 {strides = array<i32>} : memref<2x32768xf32, #tpu.memory_space<vmem>>, vector<1x16xf32>,
    }
    %scan3A_1366 = arith.constant 2048 : i32
    %mul3A_1367 = arith.constant 32768 : i32
    %mul3A_1368 = arith.muli %add3A_1314, %mul3A_1367 : i32
    %dma_start3A_1369 = arith.constant 0 : i32
    %dma_start3A_1370 = arith.constant 0 : i32
    %dma_start3A_1371 = arith.constant 0 : i32
    %dma_start3A_1372 = tpu.memref_slice %arg6[%dma_start3A_1369, %dma_start3A_1371] : memref<2x32768xf32, #tpu.memory_space<vmem>> -> memref<1x32768xf32, #tpu.memory_space<vmem>>
    %dma_start3A_1373 = tpu.memref_squeeze %dma_start3A_1372 : memref<1x32768xf32, #tpu.memory_space<vmem>> -> memref<32768xf32, #tpu.memory_space<vmem>>
    %dma_start3A_1374 = tpu.memref_slice %arg4[%mul3A_1368] : memref<13631488xf32, #tpu.memory_space<hbm>> -> memref<32768xf32, #tpu.memory_space<hbm>>
    %dma_start3A_1375 = tpu.memref_slice %arg7[%dma_start3A_1370] : memref<2x!tpu.dma_semaphore, #tpu.memory_space<semaphore_mem>> -> memref<1x!tpu.dma_semaphore, #tpu.memory_space<semaphore_mem>>
    %dma_start3A_1376 = tpu.memref_squeeze %dma_start3A_1375 : memref<1x!tpu.dma_semaphore, #tpu.memory_space<semaphore_mem>> -> memref<!tpu.dma_semaphore, #tpu.memory_space<semaphore_mem>>
    %dma_start3A_1377 = tpu.memref_slice %arg4[%mul3A_1368] : memref<13631488xf32, #tpu.memory_space<hbm>> -> memref<32768xf32, #tpu.memory_space<hbm>>
    %dma_start3A_1378 = arith.constant 0 : i32
    %dma_start3A_1379 = tpu.memref_slice %arg6[%dma_start3A_1369, %dma_start3A_1378] : memref<2x32768xf32, #tpu.memory_space<vmem>> -> memref<1x32768xf32, #tpu.memory_space<vmem>>
    %dma_start3A_1380 = tpu.memref_squeeze %dma_start3A_1379 : memref<1x32768xf32, #tpu.memory_space<vmem>> -> memref<32768xf32, #tpu.memory_space<vmem>>
    tpu.enqueue_dma source(%dma_start3A_1380 : memref<32768xf32, #tpu.memory_space<vmem>>) target(%dma_start3A_1377 : memref<32768xf32, #tpu.memory_space<hbm>>) target_semaphore(%dma_start3A_1376 : memref<!tpu.dma_semaphore, #tpu.memory_space<semaphore_mem>>)
    %dma_wait3A_1381 = arith.constant 0 : i32
    %dma_wait3A_1382 = arith.constant 0 : i32
    %dma_wait3A_1383 = arith.constant 0 : i32
    %dma_wait3A_1384 = tpu.memref_slice %arg6[%dma_wait3A_1381, %dma_wait3A_1383] : memref<2x32768xf32, #tpu.memory_space<vmem>> -> memref<1x32768xf32, #tpu.memory_space<vmem>>
    %dma_wait3A_1385 = tpu.memref_squeeze %dma_wait3A_1384 : memref<1x32768xf32, #tpu.memory_space<vmem>> -> memref<32768xf32, #tpu.memory_space<vmem>>
    %dma_wait3A_1386 = tpu.memref_slice %arg4[%mul3A_1368] : memref<13631488xf32, #tpu.memory_space<hbm>> -> memref<32768xf32, #tpu.memory_space<hbm>>
    %dma_wait3A_1387 = tpu.memref_slice %arg7[%dma_wait3A_1382] : memref<2x!tpu.dma_semaphore, #tpu.memory_space<semaphore_mem>> -> memref<1x!tpu.dma_semaphore, #tpu.memory_space<semaphore_mem>>
    %dma_wait3A_1388 = tpu.memref_squeeze %dma_wait3A_1387 : memref<1x!tpu.dma_semaphore, #tpu.memory_space<semaphore_mem>> -> memref<!tpu.dma_semaphore, #tpu.memory_space<semaphore_mem>>
    %dma_wait3A_1389 = tpu.memref_slice %arg4[%mul3A_1368] : memref<13631488xf32, #tpu.memory_space<hbm>> -> memref<32768xf32, #tpu.memory_space<hbm>>
    %dma_wait3A_1390 = arith.constant 0 : i32
    %dma_wait3A_1391 = tpu.memref_slice %arg6[%dma_wait3A_1381, %dma_wait3A_1390] : memref<2x32768xf32, #tpu.memory_space<vmem>> -> memref<1x32768xf32, #tpu.memory_space<vmem>>
    %dma_wait3A_1392 = tpu.memref_squeeze %dma_wait3A_1391 : memref<1x32768xf32, #tpu.memory_space<vmem>> -> memref<32768xf32, #tpu.memory_space<vmem>>
    tpu.wait_dma2 semaphore(%dma_wait3A_1388 : memref<!tpu.dma_semaphore, #tpu.memory_space<semaphore_mem>>) src(%dma_wait3A_1392 : memref<32768xf32, #tpu.memory_space<vmem>>) dst(%dma_wait3A_1389 : memref<32768xf32, #tpu.memory_space<hbm>>)
    return
  }
}

</mosaic_0001>

<sc_bundles>
// kernel: kernel.3.cloned.1.call-start
scs
__scs_entry_jumppad:
0x0: {  	(pc) =	sbr.rel $0x88, $3  }
0x1: {  	(tag) =	ssettag $0x0;
	lr =	simm.s32 $0x1  }
0x2: {  	[smem:$0x3F9E] =	sst lr;
	_ =	strace $0xD0000000  }
0x3: {  	_ = 	snop  }
0x4: {  	_ = 	snop  }
0x5: {  	_ = 	snop  }
0x6: {  	_ = 	snop  }
0x7: {  	_ = 	snop  }
__scs_overlays_trampoline_lowered:
0x8: {  	[smem:$0x3FAD] =	sst s0  }
0x9: {  	[smem:$0x3FAE] =	sst s1  }
0xa: {  	[smem:$0x3FAF] =	sst s2  }
0xb: {  	[smem:$0x3FB0] =	sst s3  }
0xc: {  	[smem:$0x3FB1] =	sst s4  }
0xd: {  	[smem:$0x3FB2] =	sst s5  }
0xe: {  	[smem:$0x3FB3] =	sst s6  }
0xf: {  	[smem:$0x3FB4] =	sst s7  }
0x10: {  	[smem:$0x3FB5] =	sst s8  }
0x11: {  	[smem:$0x3FB6] =	sst s9;
	s0 =	simm.s32 @!p0 $0x0  }
0x12: {  	s1 =	sld [smem:$0x3F9C];
	s0 =	simm.s32 @p0 $0x1  }
0x13: {  	[smem:$0x3FB7] =	sst s0;
	s0 =	simm.s32 @!p1 $0x0  }
0x14: {  	s2 =	sld [smem:$0x3F9B];
	s0 =	simm.s32 @p1 $0x1  }
0x15: {  	[smem:$0x3FB8] =	sst s0;
	s0 =	simm.s32 @!p2 $0x0  }
0x16: {  	s3 =	sld [smem:$0x3FDB];
	s0 =	simm.s32 @p2 $0x1  }
0x17: {  	s4 =	simm.s32 $0x1BF5;
	[smem:$0x3FBA] =	sst s0  }
0x18: {  	s0 =	sld [smem:$0x3F9D];
	_ =	swait.ge [sflag:s4], $0x0  }
0x19: {  	s7 =	sld [smem:$0x3F9E]  }
0x1a: {  	s8 =	sadd.s32 $0xFFFFE003, lr  }
0x1b: {  	s9 =	sadd.s32 $0xFFFFFEF7, lr;
	s5 =	simm.s32 $0xFFFFFFFF;
	p2 =	slt.u32 s8, $0xFFFFF086  }
0x1c: {  	p1 =	slt.u32 s9, $0xF7A;
	s5 =	simm.s32 @!p2 $0x0  }
0x1d: {  	s5 =	simm.s32 @p1 $0x1;
	p0 =	seq.s32 s7, s2  }
0x1e: {  	s7 =	smul.u32 @!p0 $0xF7A, s2;
	p2 =	seq.s32 @!p0 s5, $0x0  }
0x1f: {  	s9 =	smul.u32 $0xF7A, s1;
	s8 =	simm.s32 @!p0 $0x1BF5;
	p2 =	por !p2, p0  }
0x20: {  	[sflag:s8] =	ssyncset.s32 @!p0 $0xFFFFF086;
	s6 =	sadd.s32 @!p0 s3, s7;
	s7 =	simm.s32 @!p0 $0x108  }
0x21: {  	s3 =	sadd.s32 s3, s9;
	s6 =	sadd.s32 @!p0 $0x88, s6;
	s7 =	simm.s32 @p2 $0x1082  }
0x22: {  	[simem:s7], [sflag:s8] =	dma.local @!p0 [hbm:s6], $0xF7A  }
0x23: {  	s9 =	sor.u32 $0xD0000000, s2;
	s6 =	simm.s32 $0x108;
	_ =	swait.ge @!p0 [sflag:s8], $0x0  }
0x24: {  	s3 =	sadd.s32 $0x88, s3;
	s6 =	simm.s32 @!p1 $0x1082;
	[sflag:s4] =	ssyncset.s32 $0xFFFFF086  }
0x25: {  	[simem:s6], [sflag:s4] =	dma.local [hbm:s3], $0xF7A  }
0x26: {  	[smem:$0x3F9E] =	sst s1;
	(tag) =	ssettag s2;
	_ =	strace s9  }
0x27: {  	s1 =	sld [smem:$0x3FAE]  }
0x28: {  	s2 =	sld [smem:$0x3FAF]  }
0x29: {  	s4 =	sld [smem:$0x3FB1]  }
0x2a: {  	p0 =	seq.s32 s5, $0x0;
	s5 =	sld [smem:$0x3FB2]  }
0x2b: {  	s6 =	sld [smem:$0x3FB3]  }
0x2c: {  	s7 =	sld [smem:$0x3FB4]  }
0x2d: {  	s3 =	simm.s32 $0x108;
	s8 =	sld [smem:$0x3FB5]  }
0x2e: {  	s3 =	simm.s32 @!p0 $0x1082;
	s9 =	sld [smem:$0x3FB6]  }
0x2f: {  	lr =	sadd.s32 s0, s3;
	s0 =	sld [smem:$0x3FAD]  }
0x30: {  	s3 =	sld [smem:$0x3FB0]  }
0x31: {  	[smem:$0x3FB9] =	sst s10  }
0x32: {  	s10 =	sld [smem:$0x3FB7];
	_ =	sdelay $0x3  }
0x33: {  	p0 =	seq.s32 s10, $0x1;
	s10 =	sld [smem:$0x3FB9];
	_ =	sdelay $0x3  }
0x34: {  	[smem:$0x3FB9] =	sst s10  }
0x35: {  	s10 =	sld [smem:$0x3FB8];
	_ =	sdelay $0x3  }
0x36: {  	p1 =	seq.s32 s10, $0x1;
	s10 =	sld [smem:$0x3FB9];
	_ =	sdelay $0x3  }
0x37: {  	[smem:$0x3FB9] =	sst s10  }
0x38: {  	s10 =	sld [smem:$0x3FBA]  }
0x39: {  	_ = 	snop;
	(pc) =	sbr.ind lr, $3  }
0x3a: {  	_ = 	snop  }
0x3b: {  	_ = 	snop  }
0x3c: {  	p2 =	seq.s32 s10, $0x1;
	s10 =	sld [smem:$0x3FB9]  }
0x3d: {  	_ =	shalt  }
0x3e: {  	_ =	shalt  }
0x3f: {  	_ =	shalt  }
0x40: {  	_ =	shalt  }
0x41: {  	_ =	shalt  }
0x42: {  	_ =	shalt  }
0x43: {  	_ =	shalt  }
0x44: {  	_ =	shalt  }
0x45: {  	_ =	shalt  }
0x46: {  	_ =	shalt  }
0x47: {  	_ =	shalt  }
0x48: {  	_ =	shalt  }
0x49: {  	_ =	shalt  }
0x4a: {  	_ =	shalt  }
0x4b: {  	_ =	shalt  }
0x4c: {  	_ =	shalt  }
0x4d: {  	_ =	shalt  }
0x4e: {  	_ =	shalt  }
0x4f: {  	_ =	shalt  }
0x50: {  	_ =	shalt  }
0x51: {  	_ =	shalt  }
0x52: {  	_ =	shalt  }
0x53: {  	_ =	shalt  }
0x54: {  	_ =	shalt  }
0x55: {  	_ =	shalt  }
0x56: {  	_ =	shalt  }
0x57: {  	_ =	shalt  }
0x58: {  	_ =	shalt  }
0x59: {  	_ =	shalt  }
0x5a: {  	_ =	shalt  }
0x5b: {  	_ =	shalt  }
0x5c: {  	_ =	shalt  }
0x5d: {  	_ =	shalt  }
0x5e: {  	_ =	shalt  }
0x5f: {  	_ =	shalt  }
0x60: {  	_ =	shalt  }
0x61: {  	_ =	shalt  }
0x62: {  	_ =	shalt  }
0x63: {  	_ =	shalt  }
0x64: {  	_ =	shalt  }
0x65: {  	_ =	shalt  }
0x66: {  	_ =	shalt  }
0x67: {  	_ =	shalt  }
0x68: {  	_ =	shalt  }
0x69: {  	_ =	shalt  }
0x6a: {  	_ =	shalt  }
0x6b: {  	_ =	shalt  }
0x6c: {  	_ =	shalt  }
0x6d: {  	_ =	shalt  }
0x6e: {  	_ =	shalt  }
0x6f: {  	_ =	shalt  }
0x70: {  	_ =	shalt  }
0x71: {  	_ =	shalt  }
0x72: {  	_ =	shalt  }
0x73: {  	_ =	shalt  }
0x74: {  	_ =	shalt  }
0x75: {  	_ =	shalt  }
0x76: {  	_ =	shalt  }
0x77: {  	_ =	shalt  }
0x78: {  	_ =	shalt  }
0x79: {  	_ =	shalt  }
0x7a: {  	_ =	shalt  }
0x7b: {  	_ =	shalt  }
0x7c: {  	_ =	shalt  }
0x7d: {  	_ =	shalt  }
0x7e: {  	_ =	shalt  }
0x7f: {  	_ =	shalt  }
0x80: {  	_ =	shalt  }
0x81: {  	_ =	shalt  }
0x82: {  	_ =	shalt  }
0x83: {  	_ =	shalt  }
0x84: {  	_ =	shalt  }
0x85: {  	_ =	shalt  }
0x86: {  	_ =	shalt  }
0x87: {  	_ =	shalt  }
.Lfunc_end0:
.L_simem_size_0:
called_computation_lowered:
.L_overlay_start_0:
0x88: {  	s2 =	sld [smem:$0x3FD9]  }
0x89: {  	s3 =	sld [smem:$0x3FFE];
	_ =	sdelay $0x1  }
0x8a: {  	s1 =	srdreg.scid  }
0x8b: {  	s0 =	sand.u32 $0x1, s1  }
0x8c: {  	s17 =	sshll.u32 s0, $0xA;
	s2 =	sadd.s32 s3, s2  }
0x8d: {  	s2 =	sadd.s32 s2, s17  }
0x8e: {  	[smem:$0x3FC5] =	sst s2  }
0x8f: {  	_ = 	snop  }
0x90: {  	s2 =	sld [smem:$0x3FC9]  }
0x91: {  	s18 =	sld [smem:$0x3FD0];
	(tm) =	ssettm $0x1  }
0x92: {  	s4 =	sld [smem:$0x3FFB];
	_ =	sdelay $0x3  }
0x93: {  	_ =	strace s4  }
0x94: {  	s4 =	sld [smem:$0x3FFC];
	_ =	sdelay $0x3  }
0x95: {  	_ =	strace s4  }
0x96: {  	s4 =	sld [smem:$0x3FFD];
	_ =	sdelay $0x3  }
0x97: {  	_ =	strace s4  }
0x98: {  	_ =	strace $0x8FFFFFFF  }
0x99: {  	s19 =	sld [smem:$0x3FDB];
	_ =	sdelay $0x1  }
0x9a: {  	s5 =	simm.s32 $_scs_section_size  }
0x9b: {  	s6 =	simm.s32 $_size__tile_overlayer_lowered;
	s7 =	simm.s32 $_tile_overlayer_lowered  }
0x9c: {  	s22 =	simm.s32 $0x1BFF;
	s21 =	sshll.u32 s7, $0x1;
	s4 =	sadd.s32 s5, s19  }
0x9d: {  	s8 =	simm.s32 $0x0;
	s20 =	sshll.u32 s6, $0x1;
	s6 =	sadd.s32 s21, s4  }
0x9e: {  	[timem:s8], [sflag:s22] =	dma.local [hbm:s6], s20  }
0x9f: {  	_ =	swait.ge [sflag:s22], s20  }
0xa0: {  	s5 =	ssub.s32 $0x0, s20;
	[sflag:s22] =	ssyncset.done $0x0  }
0xa1: {  	[sflag:s22] =	ssyncadd.s32 s5;
	_ =	sdelay $0x1  }
0xa2: {  	s23 =	simm.s32 $0x1B8B  }
0xa3: {  	_ =	swait.ge [sflag:s23], $0x1  }
0xa4: {  	[sflag:s23] =	ssyncset.done $0x0  }
0xa5: {  	s25 =	simm.s32 $0x1B8E;
	s24 =	sld [smem:$0x3FFE];
	[sflag:s23] =	ssyncadd.s32 $0xFFFFFFFF  }
0xa6: {  	s26 =	simm.s32 $execute0_lowered;
	[smem:$0x3FD2] =	sst s25  }
0xa7: {  	s6 =	sshll.u32 s26, $0x1;
	_ =	strace $0x80000046;
	[dreg:$0x1] =	wrdreg $0xFFFFFFFF  }
0xa8: {  	s28 =	simm.s32 $_size_execute0_lowered;
	s4 =	sadd.s32 s4, s6;
	[dreg:$0x0] =	wrdreg $0x0  }
0xa9: {  	s6 =	sshll.u32 s28, $0x1;
	[dreg:$0x2] =	wrdreg s4  }
0xaa: {  	[dreg:$0x3] =	wrdreg s6  }
0xab: {  	[dreg:$0x4] =	wrdreg $0xC0  }
0xac: {  	_ =	task [dreg:s8], $0x5FFFF  }
0xad: {  	[dreg:$0x1] =	wrdreg $0xFFFFFFFF  }
0xae: {  	[dreg:$0x0] =	wrdreg $0x60  }
0xaf: {  	[dreg:$0x2] =	wrdreg s24  }
0xb0: {  	[dreg:$0x3] =	wrdreg s2  }
0xb1: {  	[dreg:$0x4] =	wrdreg s18  }
0xb2: {  	[dreg:$0x5] =	wrdreg $0x9  }
0xb3: {  	_ =	task.clear_ibuf [dreg:s8], $0x6FFFF;
	_ =	strace $0x90000046  }
0xb4: {  	s29 =	simm.s32 $0x9;
	_ =	strace $0x80000048  }
0xb5: {  	_ =	swait.ge [sflag:s29], $0x1  }
0xb6: {  	[sflag:s29] =	ssyncadd.s32 $0xFFFFFFFF  }
0xb7: {  	_ =	strace $0x90000048  }
0xb8: {  	_ =	sfence  }
0xb9: {  	s30 =	sld [smem:$0x0];
	_ =	sdelay $0x2  }
0xba: {  	s31 =	sshll.u32 s1, $0xD;
	s1 =	sshrl.u32 s1, $0x2  }
0xbb: {  	s3 =	sand.u32 $0x4000, s31;
	s1 =	sadd.s32 s1, s30  }
0xbc: {  	s0 =	sor.u32 s3, s0;
	s1 =	sshll.u32 s1, $0x11  }
0xbd: {  	s0 =	sor.u32 s1, s0  }
0xbe: {  	s0 =	sadd.s32 $0x8F2B, s0  }
0xbf: {  	[sflag:s0] =	ssyncadd.remote.s32 $0x1  }
0xc0: {  	_ =	sfence.sel $0xFFFF  }
0xc1: {  	[dreg:$0x0] =	wrdreg $0xFFFFFFFF;
	(pc) =	sbr.abs _section_cstart, $3  }
0xc2: {  	[dreg:$0x1] =	wrdreg $0xFFFFFFFF  }
0xc3: {  	_ =	task.clear_ibuf [dreg:s8], $0x2FFFF;
	_ =	strace $0x9FFFFFFF  }
0xc4: {  	(tm) =	ssettm $0x7FFFFFFF  }
0xc5: {  	_ =	shalt  }
tec
execute0_lowered:
.L_overlay_start_1:
0x0: {  	(tag) =	ssettag $0x1  }
0x1: {  	s0 =	srdreg.scid;
	s1 =	stileid.u32  }
0x2: {  	s0 =	sand.u32 $0x1, s0;
	s1 =	sshll.u32 s1, $0x1  }
0x3: {  	s2 =	rddreg [dreg:$0x1];
	s4 =	sor.u32 s0, s1  }
0x4: {  	s24 =	rddreg [dreg:$0x2];
	s0 =	ssub.s32 $0x2, s0;
	s25 =	smul.u32 $0xD, s4  }
0x5: {  	s1 =	simm.s32 $0x0;
	s3 =	sshrl.u32 s0, $0x1;
	s5 =	smul.u32 $0xD000, s4  }
0x6: {  	[smem:$0x7FF] =	sst s1;
	s4 =	smul.u32 $0xD0, s4;
	s0 =	ssub.s32 s0, s3  }
0x7: {  	[dreg:$0x15] =	wrdreg s0  }
0x8: {  	s14 =	sadd.s32 $0x1, s25;
	s15 =	sadd.s32 s2, s5;
	[dreg:$0x18] =	wrdreg s4  }
0x9: {  	s16 =	sadd.s32 $0x2, s25;
	s4 =	sadd.s32 s24, s5;
	[dreg:$0x16] =	wrdreg s14  }
0xa: {  	s17 =	sadd.s32 $0x3, s25;
	s18 =	sadd.s32 $0x4, s25;
	[dreg:$0x4] =	wrdreg s15  }
0xb: {  	s19 =	sadd.s32 $0x5, s25;
	s20 =	sadd.s32 $0x6, s25;
	[dreg:$0x17] =	wrdreg s16  }
0xc: {  	s21 =	sadd.s32 $0x7, s25;
	s22 =	sadd.s32 $0x8, s25;
	[dreg:$0x19] =	wrdreg s17  }
0xd: {  	s23 =	sadd.s32 $0x9, s25;
	s31 =	sadd.s32 $0xA, s25;
	[dreg:$0x1a] =	wrdreg s18  }
0xe: {  	s0 =	sadd.s32 $0xB, s25;
	s30 =	sadd.s32 $0xC, s25;
	[dreg:$0x1b] =	wrdreg s19  }
0xf: {  	s6 =	sshll.u32 s14, $0xC;
	s8 =	sshll.u32 s16, $0xC;
	[dreg:$0x1c] =	wrdreg s20  }
0x10: {  	s10 =	sshll.u32 s17, $0xC;
	s12 =	sshll.u32 s18, $0xC;
	[dreg:$0x1d] =	wrdreg s21  }
0x11: {  	s13 =	sshll.u32 s19, $0xC;
	s15 =	sshll.u32 s20, $0xC;
	[dreg:$0x1e] =	wrdreg s22  }
0x12: {  	s17 =	sshll.u32 s21, $0xC;
	s19 =	sshll.u32 s22, $0xC;
	[dreg:$0x1f] =	wrdreg s23  }
0x13: {  	s21 =	sshll.u32 s23, $0xC;
	s23 =	sshll.u32 s31, $0xC;
	s28 =	sshll.u32 s0, $0xC  }
0x14: {  	s29 =	sshll.u32 s30, $0xC;
	s3 =	sadd.s32 s2, s6;
	s5 =	sadd.s32 s2, s8  }
0x15: {  	s6 =	sadd.s32 s24, s6;
	s7 =	sadd.s32 s2, s10;
	s8 =	sadd.s32 s24, s8  }
0x16: {  	s9 =	sadd.s32 s2, s12;
	s10 =	sadd.s32 s24, s10;
	s11 =	sadd.s32 s2, s13  }
0x17: {  	s12 =	sadd.s32 s24, s12;
	s13 =	sadd.s32 s24, s13;
	s14 =	sadd.s32 s2, s15  }
0x18: {  	s15 =	sadd.s32 s24, s15;
	s16 =	sadd.s32 s2, s17;
	s17 =	sadd.s32 s24, s17  }
0x19: {  	s18 =	sadd.s32 s2, s19;
	s19 =	sadd.s32 s24, s19;
	s20 =	sadd.s32 s2, s21  }
0x1a: {  	s21 =	sadd.s32 s24, s21;
	s22 =	sadd.s32 s2, s23;
	s23 =	sadd.s32 s24, s23  }
0x1b: {  	s25 =	sadd.s32 s2, s28;
	s26 =	sadd.s32 s2, s29;
	_ =	strace $0x80000047  }
0x1c: {  	s28 =	sadd.s32 s24, s28;
	s29 =	sadd.s32 s24, s29;
	s24 =	rddreg [dreg:$0x0]  }
0x1d: {  	s2 =	sadd.s32 $0x600, s24;
	s24 =	rddreg [dreg:$0x18]  }
0x1e: {  	[dreg:$0x5] =	wrdreg s2  }
0x1f: {  	s2 =	sand.u32 $0x1FC0, s24;
	s24 =	rddreg [dreg:$0x16]  }
0x20: {  	[dreg:$0x6] =	wrdreg s2  }
0x21: {  	s2 =	sshll.u32 s24, $0x4;
	s24 =	rddreg [dreg:$0x17]  }
0x22: {  	s24 =	sshll.u32 s24, $0x4  }
0x23: {  	s24 =	sand.u32 $0x3FC0, s24  }
0x24: {  	[dreg:$0x8] =	wrdreg s24  }
0x25: {  	s2 =	sand.u32 $0x3FC0, s2;
	s24 =	rddreg [dreg:$0x19]  }
0x26: {  	[dreg:$0x7] =	wrdreg s2;
	s2 =	sshll.u32 s24, $0x4  }
0x27: {  	s24 =	rddreg [dreg:$0x1a];
	s2 =	sand.u32 $0x3FC0, s2  }
0x28: {  	[dreg:$0x9] =	wrdreg s2  }
0x29: {  	s0 =	sshll.u32 s0, $0x4;
	s2 =	sshll.u32 s24, $0x4;
	s24 =	rddreg [dreg:$0x1b]  }
0x2a: {  	s0 =	sand.u32 $0x3FC0, s0;
	s24 =	sshll.u32 s24, $0x4  }
0x2b: {  	[dreg:$0x11] =	wrdreg s0;
	s24 =	sand.u32 $0x3FC0, s24  }
0x2c: {  	[dreg:$0xb] =	wrdreg s24  }
0x2d: {  	s2 =	sand.u32 $0x3FC0, s2;
	s24 =	rddreg [dreg:$0x1c]  }
0x2e: {  	[dreg:$0xa] =	wrdreg s2;
	s2 =	sshll.u32 s24, $0x4  }
0x2f: {  	s24 =	rddreg [dreg:$0x1d];
	s2 =	sand.u32 $0x3FC0, s2  }
0x30: {  	[dreg:$0xc] =	wrdreg s2;
	s2 =	sshll.u32 s24, $0x4  }
0x31: {  	s24 =	rddreg [dreg:$0x1e];
	s2 =	sand.u32 $0x3FC0, s2  }
0x32: {  	s24 =	sshll.u32 s24, $0x4;
	[dreg:$0xd] =	wrdreg s2  }
0x33: {  	s24 =	sand.u32 $0x3FC0, s24;
	s2 =	rddreg [dreg:$0x1f]  }
0x34: {  	[dreg:$0xe] =	wrdreg s24;
	s2 =	sshll.u32 s2, $0x4  }
0x35: {  	s31 =	sshll.u32 s31, $0x4;
	s24 =	rddreg [dreg:$0x4];
	s2 =	sand.u32 $0x3FC0, s2  }
0x36: {  	[dreg:$0xf] =	wrdreg s2;
	s2 =	sand.u32 $0x3FC0, s31  }
0x37: {  	[dreg:$0x10] =	wrdreg s2;
	s2 =	sshll.u32 s30, $0x4  }
0x38: {  	s31 =	rddreg [dreg:$0x15];
	s0 =	sand.u32 $0x3FC0, s2  }
0x39: {  	[dreg:$0x12] =	wrdreg s0;
	s0 =	smax.u32 s31, $0x1  }
0x3a: {  	s30 =	simm.s32 $0x0;
	[dreg:$0x13] =	wrdreg s0  }
.LBB2_1:
0x3b: {  	[dreg:$0x14] =	wrdreg s30  }
0x3c: {  	s0 =	rddreg [dreg:$0x5];
	s2 =	simm.s32 $0x3  }
0x3d: {  	[tilespmem:s1], [sflag:$0x3] =	stream.linear.gather [hbm4b:s0+s1], $0x1A00, $0x38;
	[tilespmem:$0x11A00] =	vst v63  }
0x3e: {  	_ =	swait.ge [sflag:s2], $0x1A00  }
0x3f: {  	s30 =	simm.s32 $0x10;
	s31 =	simm.s32 $0x1B00;
	[sflag:s2] =	ssyncset.done $0x0  }
0x40: {  	s0 =	simm.s32 $0x1A00;
	[sflag:s2] =	ssyncadd.s32 $0xFFFFE600;
	s2 =	sadd.s32 $0x0, s24  }
.LBB2_2:
0x41: {  	[tilespmem:s0], [sflag:$0x1] =	stream.linear.gather [hbm4b:s2+s1], $0x80, $0x38;
	[tilespmem:$0x11A00] =	vst v63  }
0x42: {  	s2 =	smov.u32 s30;
	s0 =	smov.u32 s31;
	p0 =	sne.s32 s30, $0xFF0  }
.Ltmp0:
0x43: {  	s30 =	sadd.s32 $0x10, s30;
	(pc) =	sbr.rel @p0 .LBB2_2-.Ltmp0, $2  }
0x44: {  	_ =	sdelay $0x2  }
0x45: {  	s31 =	sadd.s32 $0x100, s31;
	s2 =	sadd.s32 s2, s24  }
0x46: {  	[tilespmem:s0], [sflag:$0x1] =	stream.linear.gather [hbm4b:s2+s1], $0x80, $0x38;
	[tilespmem:$0x11A00] =	vst v63  }
0x47: {  	s24 =	simm.s32 $0x1  }
0x48: {  	_ =	swait.ge [sflag:s24], $0x8000  }
0x49: {  	s0 =	simm.s32 $0x1A80;
	s30 =	simm.s32 $0x10;
	[sflag:s24] =	ssyncset.done $0x0  }
0x4a: {  	s2 =	sadd.s32 $0x0, s3;
	s31 =	simm.s32 $0x1B80;
	[sflag:s24] =	ssyncadd.s32 $0xFFFF8000  }
.LBB2_4:
0x4b: {  	[tilespmem:s0], [sflag:$0x2] =	stream.linear.gather [hbm4b:s2+s1], $0x80, $0x38;
	[tilespmem:$0x11A00] =	vst v63  }
0x4c: {  	s2 =	smov.u32 s30;
	s0 =	smov.u32 s31;
	p0 =	sne.s32 s30, $0xFF0  }
.Ltmp1:
0x4d: {  	s30 =	sadd.s32 $0x10, s30;
	(pc) =	sbr.rel @p0 .LBB2_4-.Ltmp1, $2  }
0x4e: {  	_ =	sdelay $0x2  }
0x4f: {  	s31 =	sadd.s32 $0x100, s31;
	s2 =	sadd.s32 s2, s3  }
0x50: {  	[tilespmem:s0], [sflag:$0x2] =	stream.linear.gather [hbm4b:s2+s1], $0x80, $0x38;
	[tilespmem:$0x11A00] =	vst v63  }
0x51: {  	s24 =	simm.s32 $0x0  }
0x52: {  	s2 =	sand.u32 $0x70, s24;
	s0 =	sand.u32 $0xFF00, s24;
	s24 =	rddreg [dreg:$0x6]  }
0x53: {  	v0 =	vld [tilespmem:s24+$0x0];
	s31 =	sor.u32 s2, s0  }
0x54: {  	v2 =	vld [tilespmem:s31+$0x1A00];
	_ =	sdelay $0x1  }
0x55: {  	v1 =	vld [tilespmem:s24+$0x10];
	_ =	sdelay $0x2  }
0x56: {  	v2 =	vmul.f32 v2, v0;
	_ =	sdelay $0x1  }
0x57: {  	v2 =	vsub.f32 v2, v1;
	_ =	sdelay $0x1  }
0x58: {  	v2 =	vmul.f32 $1.442695020e+00, v2;
	_ =	sdelay $0x1  }
0x59: {  	(erf) = vpow2.f32 v2;
	_ =	sdelay $0x8  }
0x5a: {  	v2 =	vpop (erf)  }
0x5b: {  	v2 =	vadd.f32 $1.000000000e+00, v2;
	_ =	sdelay $0x1  }
0x5c: {  	(erf) = vrcp.f32 v2;
	_ =	sdelay $0x4  }
0x5d: {  	v3 =	vld [tilespmem:s24+$0x30];
	_ =	sdelay $0x1  }
0x5e: {  	v2 =	vld [tilespmem:s24+$0x20];
	_ =	sdelay $0x1  }
0x5f: {  	v4 =	vpop (erf)  }
0x60: {  	v4 =	vmul.f32 v4, v3;
	_ =	sdelay $0x1  }
0x61: {  	s30 =	simm.s32 $0x20;
	s24 =	simm.s32 $0x10;
	v4 =	vsub.f32 v2, v4  }
0x62: {  	s2 =	sand.u32 $0xFF00, s30;
	s0 =	simm.s32 $0x20;
	s24 =	sand.u32 $0x70, s24  }
.LBB2_6:
0x63: {  	p0 =	sne.s32 s0, $0x7FF0;
	[tilespmem:s31+$0x1A00] =	vst v4;
	s31 =	sor.u32 s24, s2  }
0x64: {  	v4 =	vld [tilespmem:s31+$0x1A00];
	_ =	sdelay $0x4  }
0x65: {  	v4 =	vmul.f32 v4, v0;
	_ =	sdelay $0x1  }
0x66: {  	v4 =	vsub.f32 v4, v1;
	_ =	sdelay $0x1  }
0x67: {  	v4 =	vmul.f32 $1.442695020e+00, v4;
	_ =	sdelay $0x1  }
0x68: {  	(erf) = vpow2.f32 v4;
	_ =	sdelay $0x8  }
0x69: {  	v4 =	vpop (erf)  }
0x6a: {  	v4 =	vadd.f32 $1.000000000e+00, v4;
	_ =	sdelay $0x1  }
0x6b: {  	(erf) = vrcp.f32 v4;
	_ =	sdelay $0x8  }
.Ltmp2:
0x6c: {  	v4 =	vpop (erf);
	(pc) =	sbr.rel @p0 .LBB2_6-.Ltmp2, $3  }
0x6d: {  	v4 =	vmul.f32 v4, v3;
	_ =	sdelay $0x1  }
0x6e: {  	s30 =	sadd.s32 $0x20, s30;
	v4 =	vsub.f32 v2, v4  }
0x6f: {  	s24 =	sand.u32 $0x70, s0;
	s0 =	sadd.s32 $0x10, s0;
	s2 =	sand.u32 $0xFF00, s30  }
0x70: {  	s2 =	sor.u32 s24, s2;
	[tilespmem:s31+$0x1A00] =	vst v4  }
0x71: {  	v4 =	vld [tilespmem:s2+$0x1A00];
	_ =	sdelay $0x4  }
0x72: {  	v0 =	vmul.f32 v4, v0;
	_ =	sdelay $0x1  }
0x73: {  	v0 =	vsub.f32 v0, v1;
	_ =	sdelay $0x1  }
0x74: {  	v0 =	vmul.f32 $1.442695020e+00, v0;
	_ =	sdelay $0x1  }
0x75: {  	(erf) = vpow2.f32 v0;
	_ =	sdelay $0x8  }
0x76: {  	v0 =	vpop (erf)  }
0x77: {  	v0 =	vadd.f32 $1.000000000e+00, v0;
	_ =	sdelay $0x1  }
0x78: {  	(erf) = vrcp.f32 v0;
	_ =	sdelay $0x8  }
0x79: {  	v0 =	vpop (erf)  }
0x7a: {  	v0 =	vmul.f32 v0, v3;
	_ =	sdelay $0x1  }
0x7b: {  	v0 =	vsub.f32 v2, v0  }
0x7c: {  	s0 =	simm.s32 $0x1A00  }
0x7d: {  	s30 =	simm.s32 $0x10;
	s31 =	simm.s32 $0x1B00;
	[tilespmem:s2+$0x1A00] =	vst v0;
	s2 =	sadd.s32 $0x0, s4  }
.LBB2_8:
0x7e: {  	[hbm4b:s2+s1] =	stream.linear.scatter [tilespmem:s0], [sflag:$0x1], $0x80, $0x38;
	[tilespmem:$0x11A00] =	vst v63  }
0x7f: {  	s2 =	smov.u32 s30;
	s0 =	smov.u32 s31;
	p0 =	sne.s32 s30, $0xFF0  }
.Ltmp3:
0x80: {  	s30 =	sadd.s32 $0x10, s30;
	(pc) =	sbr.rel @p0 .LBB2_8-.Ltmp3, $2  }
0x81: {  	_ =	sdelay $0x2  }
0x82: {  	s31 =	sadd.s32 $0x100, s31;
	s2 =	sadd.s32 s2, s4  }
0x83: {  	[hbm4b:s2+s1] =	stream.linear.scatter [tilespmem:s0], [sflag:$0x1], $0x80, $0x38;
	[tilespmem:$0x11A00] =	vst v63  }
0x84: {  	s2 =	simm.s32 $0x1  }
0x85: {  	_ =	swait.ge [sflag:s2], $0x8000  }
0x86: {  	[sflag:s2] =	ssyncset.done $0x0  }
0x87: {  	s24 =	simm.s32 $0x2;
	[sflag:s2] =	ssyncadd.s32 $0xFFFF8000  }
0x88: {  	_ =	swait.ge [sflag:s24], $0x8000  }
0x89: {  	s0 =	simm.s32 $0x1A00;
	s30 =	simm.s32 $0x10;
	[sflag:s24] =	ssyncset.done $0x0  }
0x8a: {  	s31 =	simm.s32 $0x1B00;
	s2 =	sadd.s32 $0x0, s5;
	[sflag:s24] =	ssyncadd.s32 $0xFFFF8000  }
.LBB2_10:
0x8b: {  	[tilespmem:s0], [sflag:$0x1] =	stream.linear.gather [hbm4b:s2+s1], $0x80, $0x38;
	[tilespmem:$0x11A00] =	vst v63  }
0x8c: {  	s2 =	smov.u32 s30;
	s0 =	smov.u32 s31;
	p0 =	sne.s32 s30, $0xFF0  }
.Ltmp4:
0x8d: {  	s30 =	sadd.s32 $0x10, s30;
	(pc) =	sbr.rel @p0 .LBB2_10-.Ltmp4, $2  }
0x8e: {  	_ =	sdelay $0x2  }
0x8f: {  	s31 =	sadd.s32 $0x100, s31;
	s2 =	sadd.s32 s2, s5  }
0x90: {  	[tilespmem:s0], [sflag:$0x1] =	stream.linear.gather [hbm4b:s2+s1], $0x80, $0x38;
	[tilespmem:$0x11A00] =	vst v63  }
0x91: {  	s24 =	simm.s32 $0x0  }
0x92: {  	s2 =	sand.u32 $0x70, s24;
	s0 =	sand.u32 $0xFF00, s24;
	s24 =	rddreg [dreg:$0x7]  }
0x93: {  	v0 =	vld [tilespmem:s24+$0x0];
	s31 =	sor.u32 s2, s0  }
0x94: {  	v2 =	vld [tilespmem:s31+$0x1A80];
	_ =	sdelay $0x1  }
0x95: {  	v1 =	vld [tilespmem:s24+$0x10];
	_ =	sdelay $0x2  }
0x96: {  	v2 =	vmul.f32 v2, v0;
	_ =	sdelay $0x1  }
0x97: {  	v2 =	vsub.f32 v2, v1;
	_ =	sdelay $0x1  }
0x98: {  	v2 =	vmul.f32 $1.442695020e+00, v2;
	_ =	sdelay $0x1  }
0x99: {  	(erf) = vpow2.f32 v2;
	_ =	sdelay $0x8  }
0x9a: {  	v2 =	vpop (erf)  }
0x9b: {  	v2 =	vadd.f32 $1.000000000e+00, v2;
	_ =	sdelay $0x1  }
0x9c: {  	(erf) = vrcp.f32 v2;
	_ =	sdelay $0x4  }
0x9d: {  	v3 =	vld [tilespmem:s24+$0x30];
	_ =	sdelay $0x1  }
0x9e: {  	v2 =	vld [tilespmem:s24+$0x20];
	_ =	sdelay $0x1  }
0x9f: {  	v4 =	vpop (erf)  }
0xa0: {  	v4 =	vmul.f32 v4, v3;
	_ =	sdelay $0x1  }
0xa1: {  	s30 =	simm.s32 $0x20;
	s24 =	simm.s32 $0x10;
	v4 =	vsub.f32 v2, v4  }
0xa2: {  	s2 =	sand.u32 $0xFF00, s30;
	s0 =	simm.s32 $0x20;
	s24 =	sand.u32 $0x70, s24  }
.LBB2_12:
0xa3: {  	p0 =	sne.s32 s0, $0x7FF0;
	[tilespmem:s31+$0x1A80] =	vst v4;
	s31 =	sor.u32 s24, s2  }
0xa4: {  	v4 =	vld [tilespmem:s31+$0x1A80];
	_ =	sdelay $0x4  }
0xa5: {  	v4 =	vmul.f32 v4, v0;
	_ =	sdelay $0x1  }
0xa6: {  	v4 =	vsub.f32 v4, v1;
	_ =	sdelay $0x1  }
0xa7: {  	v4 =	vmul.f32 $1.442695020e+00, v4;
	_ =	sdelay $0x1  }
0xa8: {  	(erf) = vpow2.f32 v4;
	_ =	sdelay $0x8  }
0xa9: {  	v4 =	vpop (erf)  }
0xaa: {  	v4 =	vadd.f32 $1.000000000e+00, v4;
	_ =	sdelay $0x1  }
0xab: {  	(erf) = vrcp.f32 v4;
	_ =	sdelay $0x8  }
.Ltmp5:
0xac: {  	v4 =	vpop (erf);
	(pc) =	sbr.rel @p0 .LBB2_12-.Ltmp5, $3  }
0xad: {  	v4 =	vmul.f32 v4, v3;
	_ =	sdelay $0x1  }
0xae: {  	s30 =	sadd.s32 $0x20, s30;
	v4 =	vsub.f32 v2, v4  }
0xaf: {  	s24 =	sand.u32 $0x70, s0;
	s0 =	sadd.s32 $0x10, s0;
	s2 =	sand.u32 $0xFF00, s30  }
0xb0: {  	s2 =	sor.u32 s24, s2;
	[tilespmem:s31+$0x1A80] =	vst v4  }
0xb1: {  	v4 =	vld [tilespmem:s2+$0x1A80];
	_ =	sdelay $0x4  }
0xb2: {  	v0 =	vmul.f32 v4, v0;
	_ =	sdelay $0x1  }
0xb3: {  	v0 =	vsub.f32 v0, v1;
	_ =	sdelay $0x1  }
0xb4: {  	v0 =	vmul.f32 $1.442695020e+00, v0;
	_ =	sdelay $0x1  }
0xb5: {  	(erf) = vpow2.f32 v0;
	_ =	sdelay $0x8  }
0xb6: {  	v0 =	vpop (erf)  }
0xb7: {  	v0 =	vadd.f32 $1.000000000e+00, v0;
	_ =	sdelay $0x1  }
0xb8: {  	(erf) = vrcp.f32 v0;
	_ =	sdelay $0x8  }
0xb9: {  	v0 =	vpop (erf)  }
0xba: {  	v0 =	vmul.f32 v0, v3;
	_ =	sdelay $0x1  }
0xbb: {  	v0 =	vsub.f32 v2, v0  }
0xbc: {  	s0 =	simm.s32 $0x1A80  }
0xbd: {  	s30 =	simm.s32 $0x10;
	s31 =	simm.s32 $0x1B80;
	[tilespmem:s2+$0x1A80] =	vst v0;
	s2 =	sadd.s32 $0x0, s6  }
.LBB2_14:
0xbe: {  	[hbm4b:s2+s1] =	stream.linear.scatter [tilespmem:s0], [sflag:$0x2], $0x80, $0x38;
	[tilespmem:$0x11A00] =	vst v63  }
0xbf: {  	s2 =	smov.u32 s30;
	s0 =	smov.u32 s31;
	p0 =	sne.s32 s30, $0xFF0  }
.Ltmp6:
0xc0: {  	s30 =	sadd.s32 $0x10, s30;
	(pc) =	sbr.rel @p0 .LBB2_14-.Ltmp6, $2  }
0xc1: {  	_ =	sdelay $0x2  }
0xc2: {  	s31 =	sadd.s32 $0x100, s31;
	s2 =	sadd.s32 s2, s6  }
0xc3: {  	[hbm4b:s2+s1] =	stream.linear.scatter [tilespmem:s0], [sflag:$0x2], $0x80, $0x38;
	[tilespmem:$0x11A00] =	vst v63  }
0xc4: {  	s2 =	simm.s32 $0x2  }
0xc5: {  	_ =	swait.ge [sflag:s2], $0x8000  }
0xc6: {  	[sflag:s2] =	ssyncset.done $0x0  }
0xc7: {  	s24 =	simm.s32 $0x1;
	[sflag:s2] =	ssyncadd.s32 $0xFFFF8000  }
0xc8: {  	_ =	swait.ge [sflag:s24], $0x8000  }
0xc9: {  	s0 =	simm.s32 $0x1A80;
	s30 =	simm.s32 $0x10;
	[sflag:s24] =	ssyncset.done $0x0  }
0xca: {  	s31 =	simm.s32 $0x1B80;
	s2 =	sadd.s32 $0x0, s7;
	[sflag:s24] =	ssyncadd.s32 $0xFFFF8000  }
.LBB2_16:
0xcb: {  	[tilespmem:s0], [sflag:$0x2] =	stream.linear.gather [hbm4b:s2+s1], $0x80, $0x38;
	[tilespmem:$0x11A00] =	vst v63  }
0xcc: {  	s2 =	smov.u32 s30;
	s0 =	smov.u32 s31;
	p0 =	sne.s32 s30, $0xFF0  }
.Ltmp7:
0xcd: {  	s30 =	sadd.s32 $0x10, s30;
	(pc) =	sbr.rel @p0 .LBB2_16-.Ltmp7, $2  }
0xce: {  	_ =	sdelay $0x2  }
0xcf: {  	s31 =	sadd.s32 $0x100, s31;
	s2 =	sadd.s32 s2, s7  }
0xd0: {  	[tilespmem:s0], [sflag:$0x2] =	stream.linear.gather [hbm4b:s2+s1], $0x80, $0x38;
	[tilespmem:$0x11A00] =	vst v63  }
0xd1: {  	s24 =	simm.s32 $0x0  }
0xd2: {  	s2 =	sand.u32 $0x70, s24;
	s0 =	sand.u32 $0xFF00, s24;
	s24 =	rddreg [dreg:$0x8]  }
0xd3: {  	v0 =	vld [tilespmem:s24+$0x0];
	s31 =	sor.u32 s2, s0  }
0xd4: {  	v2 =	vld [tilespmem:s31+$0x1A00];
	_ =	sdelay $0x1  }
0xd5: {  	v1 =	vld [tilespmem:s24+$0x10];
	_ =	sdelay $0x2  }
0xd6: {  	v2 =	vmul.f32 v2, v0;
	_ =	sdelay $0x1  }
0xd7: {  	v2 =	vsub.f32 v2, v1;
	_ =	sdelay $0x1  }
0xd8: {  	v2 =	vmul.f32 $1.442695020e+00, v2;
	_ =	sdelay $0x1  }
0xd9: {  	(erf) = vpow2.f32 v2;
	_ =	sdelay $0x8  }
0xda: {  	v2 =	vpop (erf)  }
0xdb: {  	v2 =	vadd.f32 $1.000000000e+00, v2;
	_ =	sdelay $0x1  }
0xdc: {  	(erf) = vrcp.f32 v2;
	_ =	sdelay $0x4  }
0xdd: {  	v3 =	vld [tilespmem:s24+$0x30];
	_ =	sdelay $0x1  }
0xde: {  	v2 =	vld [tilespmem:s24+$0x20];
	_ =	sdelay $0x1  }
0xdf: {  	v4 =	vpop (erf)  }
0xe0: {  	v4 =	vmul.f32 v4, v3;
	_ =	sdelay $0x1  }
0xe1: {  	s30 =	simm.s32 $0x20;
	s24 =	simm.s32 $0x10;
	v4 =	vsub.f32 v2, v4  }
0xe2: {  	s2 =	sand.u32 $0xFF00, s30;
	s0 =	simm.s32 $0x20;
	s24 =	sand.u32 $0x70, s24  }
.LBB2_18:
0xe3: {  	p0 =	sne.s32 s0, $0x7FF0;
	[tilespmem:s31+$0x1A00] =	vst v4;
	s31 =	sor.u32 s24, s2  }
0xe4: {  	v4 =	vld [tilespmem:s31+$0x1A00];
	_ =	sdelay $0x4  }
0xe5: {  	v4 =	vmul.f32 v4, v0;
	_ =	sdelay $0x1  }
0xe6: {  	v4 =	vsub.f32 v4, v1;
	_ =	sdelay $0x1  }
0xe7: {  	v4 =	vmul.f32 $1.442695020e+00, v4;
	_ =	sdelay $0x1  }
0xe8: {  	(erf) = vpow2.f32 v4;
	_ =	sdelay $0x8  }
0xe9: {  	v4 =	vpop (erf)  }
0xea: {  	v4 =	vadd.f32 $1.000000000e+00, v4;
	_ =	sdelay $0x1  }
0xeb: {  	(erf) = vrcp.f32 v4;
	_ =	sdelay $0x8  }
.Ltmp8:
0xec: {  	v4 =	vpop (erf);
	(pc) =	sbr.rel @p0 .LBB2_18-.Ltmp8, $3  }
0xed: {  	v4 =	vmul.f32 v4, v3;
	_ =	sdelay $0x1  }
0xee: {  	s30 =	sadd.s32 $0x20, s30;
	v4 =	vsub.f32 v2, v4  }
0xef: {  	s24 =	sand.u32 $0x70, s0;
	s0 =	sadd.s32 $0x10, s0;
	s2 =	sand.u32 $0xFF00, s30  }
0xf0: {  	s2 =	sor.u32 s24, s2;
	[tilespmem:s31+$0x1A00] =	vst v4  }
0xf1: {  	v4 =	vld [tilespmem:s2+$0x1A00];
	_ =	sdelay $0x4  }
0xf2: {  	v0 =	vmul.f32 v4, v0;
	_ =	sdelay $0x1  }
0xf3: {  	v0 =	vsub.f32 v0, v1;
	_ =	sdelay $0x1  }
0xf4: {  	v0 =	vmul.f32 $1.442695020e+00, v0;
	_ =	sdelay $0x1  }
0xf5: {  	(erf) = vpow2.f32 v0;
	_ =	sdelay $0x8  }
0xf6: {  	v0 =	vpop (erf)  }
0xf7: {  	v0 =	vadd.f32 $1.000000000e+00, v0;
	_ =	sdelay $0x1  }
0xf8: {  	(erf) = vrcp.f32 v0;
	_ =	sdelay $0x8  }
0xf9: {  	v0 =	vpop (erf)  }
0xfa: {  	v0 =	vmul.f32 v0, v3;
	_ =	sdelay $0x1  }
0xfb: {  	v0 =	vsub.f32 v2, v0  }
0xfc: {  	s0 =	simm.s32 $0x1A00  }
0xfd: {  	s30 =	simm.s32 $0x10;
	s31 =	simm.s32 $0x1B00;
	[tilespmem:s2+$0x1A00] =	vst v0;
	s2 =	sadd.s32 $0x0, s8  }
.LBB2_20:
0xfe: {  	[hbm4b:s2+s1] =	stream.linear.scatter [tilespmem:s0], [sflag:$0x1], $0x80, $0x38;
	[tilespmem:$0x11A00] =	vst v63  }
0xff: {  	s2 =	smov.u32 s30;
	s0 =	smov.u32 s31;
	p0 =	sne.s32 s30, $0xFF0  }
.Ltmp9:
0x100: {  	s30 =	sadd.s32 $0x10, s30;
	(pc) =	sbr.rel @p0 .LBB2_20-.Ltmp9, $2  }
0x101: {  	_ =	sdelay $0x2  }
0x102: {  	s31 =	sadd.s32 $0x100, s31;
	s2 =	sadd.s32 s2, s8  }
0x103: {  	[hbm4b:s2+s1] =	stream.linear.scatter [tilespmem:s0], [sflag:$0x1], $0x80, $0x38;
	[tilespmem:$0x11A00] =	vst v63  }
0x104: {  	s2 =	simm.s32 $0x1  }
0x105: {  	_ =	swait.ge [sflag:s2], $0x8000  }
0x106: {  	[sflag:s2] =	ssyncset.done $0x0  }
0x107: {  	s24 =	simm.s32 $0x2;
	[sflag:s2] =	ssyncadd.s32 $0xFFFF8000  }
0x108: {  	_ =	swait.ge [sflag:s24], $0x8000  }
0x109: {  	s0 =	simm.s32 $0x1A00;
	s30 =	simm.s32 $0x10;
	[sflag:s24] =	ssyncset.done $0x0  }
0x10a: {  	s31 =	simm.s32 $0x1B00;
	s2 =	sadd.s32 $0x0, s9;
	[sflag:s24] =	ssyncadd.s32 $0xFFFF8000  }
.LBB2_22:
0x10b: {  	[tilespmem:s0], [sflag:$0x1] =	stream.linear.gather [hbm4b:s2+s1], $0x80, $0x38;
	[tilespmem:$0x11A00] =	vst v63  }
0x10c: {  	s2 =	smov.u32 s30;
	s0 =	smov.u32 s31;
	p0 =	sne.s32 s30, $0xFF0  }
.Ltmp10:
0x10d: {  	s30 =	sadd.s32 $0x10, s30;
	(pc) =	sbr.rel @p0 .LBB2_22-.Ltmp10, $2  }
0x10e: {  	_ =	sdelay $0x2  }
0x10f: {  	s31 =	sadd.s32 $0x100, s31;
	s2 =	sadd.s32 s2, s9  }
0x110: {  	[tilespmem:s0], [sflag:$0x1] =	stream.linear.gather [hbm4b:s2+s1], $0x80, $0x38;
	[tilespmem:$0x11A00] =	vst v63  }
0x111: {  	s24 =	simm.s32 $0x0  }
0x112: {  	s2 =	sand.u32 $0x70, s24;
	s0 =	sand.u32 $0xFF00, s24;
	s24 =	rddreg [dreg:$0x9]  }
0x113: {  	v0 =	vld [tilespmem:s24+$0x0];
	s31 =	sor.u32 s2, s0  }
0x114: {  	v2 =	vld [tilespmem:s31+$0x1A80];
	_ =	sdelay $0x1  }
0x115: {  	v1 =	vld [tilespmem:s24+$0x10];
	_ =	sdelay $0x2  }
0x116: {  	v2 =	vmul.f32 v2, v0;
	_ =	sdelay $0x1  }
0x117: {  	v2 =	vsub.f32 v2, v1;
	_ =	sdelay $0x1  }
0x118: {  	v2 =	vmul.f32 $1.442695020e+00, v2;
	_ =	sdelay $0x1  }
0x119: {  	(erf) = vpow2.f32 v2;
	_ =	sdelay $0x8  }
0x11a: {  	v2 =	vpop (erf)  }
0x11b: {  	v2 =	vadd.f32 $1.000000000e+00, v2;
	_ =	sdelay $0x1  }
0x11c: {  	(erf) = vrcp.f32 v2;
	_ =	sdelay $0x4  }
0x11d: {  	v3 =	vld [tilespmem:s24+$0x30];
	_ =	sdelay $0x1  }
0x11e: {  	v2 =	vld [tilespmem:s24+$0x20];
	_ =	sdelay $0x1  }
0x11f: {  	v4 =	vpop (erf)  }
0x120: {  	v4 =	vmul.f32 v4, v3;
	_ =	sdelay $0x1  }
0x121: {  	s30 =	simm.s32 $0x20;
	s24 =	simm.s32 $0x10;
	v4 =	vsub.f32 v2, v4  }
0x122: {  	s2 =	sand.u32 $0xFF00, s30;
	s0 =	simm.s32 $0x20;
	s24 =	sand.u32 $0x70, s24  }
.LBB2_24:
0x123: {  	p0 =	sne.s32 s0, $0x7FF0;
	[tilespmem:s31+$0x1A80] =	vst v4;
	s31 =	sor.u32 s24, s2  }
0x124: {  	v4 =	vld [tilespmem:s31+$0x1A80];
	_ =	sdelay $0x4  }
0x125: {  	v4 =	vmul.f32 v4, v0;
	_ =	sdelay $0x1  }
0x126: {  	v4 =	vsub.f32 v4, v1;
	_ =	sdelay $0x1  }
0x127: {  	v4 =	vmul.f32 $1.442695020e+00, v4;
	_ =	sdelay $0x1  }
0x128: {  	(erf) = vpow2.f32 v4;
	_ =	sdelay $0x8  }
0x129: {  	v4 =	vpop (erf)  }
0x12a: {  	v4 =	vadd.f32 $1.000000000e+00, v4;
	_ =	sdelay $0x1  }
0x12b: {  	(erf) = vrcp.f32 v4;
	_ =	sdelay $0x8  }
.Ltmp11:
0x12c: {  	v4 =	vpop (erf);
	(pc) =	sbr.rel @p0 .LBB2_24-.Ltmp11, $3  }
0x12d: {  	v4 =	vmul.f32 v4, v3;
	_ =	sdelay $0x1  }
0x12e: {  	s30 =	sadd.s32 $0x20, s30;
	v4 =	vsub.f32 v2, v4  }
0x12f: {  	s24 =	sand.u32 $0x70, s0;
	s0 =	sadd.s32 $0x10, s0;
	s2 =	sand.u32 $0xFF00, s30  }
0x130: {  	s2 =	sor.u32 s24, s2;
	[tilespmem:s31+$0x1A80] =	vst v4  }
0x131: {  	v4 =	vld [tilespmem:s2+$0x1A80];
	_ =	sdelay $0x4  }
0x132: {  	v0 =	vmul.f32 v4, v0;
	_ =	sdelay $0x1  }
0x133: {  	v0 =	vsub.f32 v0, v1;
	_ =	sdelay $0x1  }
0x134: {  	v0 =	vmul.f32 $1.442695020e+00, v0;
	_ =	sdelay $0x1  }
0x135: {  	(erf) = vpow2.f32 v0;
	_ =	sdelay $0x8  }
0x136: {  	v0 =	vpop (erf)  }
0x137: {  	v0 =	vadd.f32 $1.000000000e+00, v0;
	_ =	sdelay $0x1  }
0x138: {  	(erf) = vrcp.f32 v0;
	_ =	sdelay $0x8  }
0x139: {  	v0 =	vpop (erf)  }
0x13a: {  	v0 =	vmul.f32 v0, v3;
	_ =	sdelay $0x1  }
0x13b: {  	v0 =	vsub.f32 v2, v0  }
0x13c: {  	s0 =	simm.s32 $0x1A80  }
0x13d: {  	s30 =	simm.s32 $0x10;
	s31 =	simm.s32 $0x1B80;
	[tilespmem:s2+$0x1A80] =	vst v0;
	s2 =	sadd.s32 $0x0, s10  }
.LBB2_26:
0x13e: {  	[hbm4b:s2+s1] =	stream.linear.scatter [tilespmem:s0], [sflag:$0x2], $0x80, $0x38;
	[tilespmem:$0x11A00] =	vst v63  }
0x13f: {  	s2 =	smov.u32 s30;
	s0 =	smov.u32 s31;
	p0 =	sne.s32 s30, $0xFF0  }
.Ltmp12:
0x140: {  	s30 =	sadd.s32 $0x10, s30;
	(pc) =	sbr.rel @p0 .LBB2_26-.Ltmp12, $2  }
0x141: {  	_ =	sdelay $0x2  }
0x142: {  	s31 =	sadd.s32 $0x100, s31;
	s2 =	sadd.s32 s2, s10  }
0x143: {  	[hbm4b:s2+s1] =	stream.linear.scatter [tilespmem:s0], [sflag:$0x2], $0x80, $0x38;
	[tilespmem:$0x11A00] =	vst v63  }
0x144: {  	s2 =	simm.s32 $0x2  }
0x145: {  	_ =	swait.ge [sflag:s2], $0x8000  }
0x146: {  	[sflag:s2] =	ssyncset.done $0x0  }
0x147: {  	s24 =	simm.s32 $0x1;
	[sflag:s2] =	ssyncadd.s32 $0xFFFF8000  }
0x148: {  	_ =	swait.ge [sflag:s24], $0x8000  }
0x149: {  	s0 =	simm.s32 $0x1A80;
	s30 =	simm.s32 $0x10;
	[sflag:s24] =	ssyncset.done $0x0  }
0x14a: {  	s31 =	simm.s32 $0x1B80;
	s2 =	sadd.s32 $0x0, s11;
	[sflag:s24] =	ssyncadd.s32 $0xFFFF8000  }
.LBB2_28:
0x14b: {  	[tilespmem:s0], [sflag:$0x2] =	stream.linear.gather [hbm4b:s2+s1], $0x80, $0x38;
	[tilespmem:$0x11A00] =	vst v63  }
0x14c: {  	s2 =	smov.u32 s30;
	s0 =	smov.u32 s31;
	p0 =	sne.s32 s30, $0xFF0  }
.Ltmp13:
0x14d: {  	s30 =	sadd.s32 $0x10, s30;
	(pc) =	sbr.rel @p0 .LBB2_28-.Ltmp13, $2  }
0x14e: {  	_ =	sdelay $0x2  }
0x14f: {  	s31 =	sadd.s32 $0x100, s31;
	s2 =	sadd.s32 s2, s11  }
0x150: {  	[tilespmem:s0], [sflag:$0x2] =	stream.linear.gather [hbm4b:s2+s1], $0x80, $0x38;
	[tilespmem:$0x11A00] =	vst v63  }
0x151: {  	s24 =	simm.s32 $0x0  }
0x152: {  	s2 =	sand.u32 $0x70, s24;
	s0 =	sand.u32 $0xFF00, s24;
	s24 =	rddreg [dreg:$0xa]  }
0x153: {  	v0 =	vld [tilespmem:s24+$0x0];
	s31 =	sor.u32 s2, s0  }
0x154: {  	v2 =	vld [tilespmem:s31+$0x1A00];
	_ =	sdelay $0x1  }
0x155: {  	v1 =	vld [tilespmem:s24+$0x10];
	_ =	sdelay $0x2  }
0x156: {  	v2 =	vmul.f32 v2, v0;
	_ =	sdelay $0x1  }
0x157: {  	v2 =	vsub.f32 v2, v1;
	_ =	sdelay $0x1  }
0x158: {  	v2 =	vmul.f32 $1.442695020e+00, v2;
	_ =	sdelay $0x1  }
0x159: {  	(erf) = vpow2.f32 v2;
	_ =	sdelay $0x8  }
0x15a: {  	v2 =	vpop (erf)  }
0x15b: {  	v2 =	vadd.f32 $1.000000000e+00, v2;
	_ =	sdelay $0x1  }
0x15c: {  	(erf) = vrcp.f32 v2;
	_ =	sdelay $0x4  }
0x15d: {  	v3 =	vld [tilespmem:s24+$0x30];
	_ =	sdelay $0x1  }
0x15e: {  	v2 =	vld [tilespmem:s24+$0x20];
	_ =	sdelay $0x1  }
0x15f: {  	v4 =	vpop (erf)  }
0x160: {  	v4 =	vmul.f32 v4, v3;
	_ =	sdelay $0x1  }
0x161: {  	s30 =	simm.s32 $0x20;
	s24 =	simm.s32 $0x10;
	v4 =	vsub.f32 v2, v4  }
0x162: {  	s2 =	sand.u32 $0xFF00, s30;
	s0 =	simm.s32 $0x20;
	s24 =	sand.u32 $0x70, s24  }
.LBB2_30:
0x163: {  	p0 =	sne.s32 s0, $0x7FF0;
	[tilespmem:s31+$0x1A00] =	vst v4;
	s31 =	sor.u32 s24, s2  }
0x164: {  	v4 =	vld [tilespmem:s31+$0x1A00];
	_ =	sdelay $0x4  }
0x165: {  	v4 =	vmul.f32 v4, v0;
	_ =	sdelay $0x1  }
0x166: {  	v4 =	vsub.f32 v4, v1;
	_ =	sdelay $0x1  }
0x167: {  	v4 =	vmul.f32 $1.442695020e+00, v4;
	_ =	sdelay $0x1  }
0x168: {  	(erf) = vpow2.f32 v4;
	_ =	sdelay $0x8  }
0x169: {  	v4 =	vpop (erf)  }
0x16a: {  	v4 =	vadd.f32 $1.000000000e+00, v4;
	_ =	sdelay $0x1  }
0x16b: {  	(erf) = vrcp.f32 v4;
	_ =	sdelay $0x8  }
.Ltmp14:
0x16c: {  	v4 =	vpop (erf);
	(pc) =	sbr.rel @p0 .LBB2_30-.Ltmp14, $3  }
0x16d: {  	v4 =	vmul.f32 v4, v3;
	_ =	sdelay $0x1  }
0x16e: {  	s30 =	sadd.s32 $0x20, s30;
	v4 =	vsub.f32 v2, v4  }
0x16f: {  	s24 =	sand.u32 $0x70, s0;
	s0 =	sadd.s32 $0x10, s0;
	s2 =	sand.u32 $0xFF00, s30  }
0x170: {  	s2 =	sor.u32 s24, s2;
	[tilespmem:s31+$0x1A00] =	vst v4  }
0x171: {  	v4 =	vld [tilespmem:s2+$0x1A00];
	_ =	sdelay $0x4  }
0x172: {  	v0 =	vmul.f32 v4, v0;
	_ =	sdelay $0x1  }
0x173: {  	v0 =	vsub.f32 v0, v1;
	_ =	sdelay $0x1  }
0x174: {  	v0 =	vmul.f32 $1.442695020e+00, v0;
	_ =	sdelay $0x1  }
0x175: {  	(erf) = vpow2.f32 v0;
	_ =	sdelay $0x8  }
0x176: {  	v0 =	vpop (erf)  }
0x177: {  	v0 =	vadd.f32 $1.000000000e+00, v0;
	_ =	sdelay $0x1  }
0x178: {  	(erf) = vrcp.f32 v0;
	_ =	sdelay $0x8  }
0x179: {  	v0 =	vpop (erf)  }
0x17a: {  	v0 =	vmul.f32 v0, v3;
	_ =	sdelay $0x1  }
0x17b: {  	v0 =	vsub.f32 v2, v0  }
0x17c: {  	s0 =	simm.s32 $0x1A00  }
0x17d: {  	s30 =	simm.s32 $0x10;
	s31 =	simm.s32 $0x1B00;
	[tilespmem:s2+$0x1A00] =	vst v0;
	s2 =	sadd.s32 $0x0, s12  }
.LBB2_32:
0x17e: {  	[hbm4b:s2+s1] =	stream.linear.scatter [tilespmem:s0], [sflag:$0x1], $0x80, $0x38;
	[tilespmem:$0x11A00] =	vst v63  }
0x17f: {  	s2 =	smov.u32 s30;
	s0 =	smov.u32 s31;
	p0 =	sne.s32 s30, $0xFF0  }
.Ltmp15:
0x180: {  	s30 =	sadd.s32 $0x10, s30;
	(pc) =	sbr.rel @p0 .LBB2_32-.Ltmp15, $2  }
0x181: {  	_ =	sdelay $0x2  }
0x182: {  	s31 =	sadd.s32 $0x100, s31;
	s2 =	sadd.s32 s2, s12  }
0x183: {  	[hbm4b:s2+s1] =	stream.linear.scatter [tilespmem:s0], [sflag:$0x1], $0x80, $0x38;
	[tilespmem:$0x11A00] =	vst v63  }
0x184: {  	s2 =	simm.s32 $0x1  }
0x185: {  	_ =	swait.ge [sflag:s2], $0x8000  }
0x186: {  	[sflag:s2] =	ssyncset.done $0x0  }
0x187: {  	s24 =	simm.s32 $0x2;
	[sflag:s2] =	ssyncadd.s32 $0xFFFF8000  }
0x188: {  	_ =	swait.ge [sflag:s24], $0x8000  }
0x189: {  	s0 =	simm.s32 $0x1A00;
	s30 =	simm.s32 $0x10;
	[sflag:s24] =	ssyncset.done $0x0  }
0x18a: {  	s31 =	simm.s32 $0x1B00;
	s2 =	sadd.s32 $0x0, s14;
	[sflag:s24] =	ssyncadd.s32 $0xFFFF8000  }
.LBB2_34:
0x18b: {  	[tilespmem:s0], [sflag:$0x1] =	stream.linear.gather [hbm4b:s2+s1], $0x80, $0x38;
	[tilespmem:$0x11A00] =	vst v63  }
0x18c: {  	s2 =	smov.u32 s30;
	s0 =	smov.u32 s31;
	p0 =	sne.s32 s30, $0xFF0  }
.Ltmp16:
0x18d: {  	s30 =	sadd.s32 $0x10, s30;
	(pc) =	sbr.rel @p0 .LBB2_34-.Ltmp16, $2  }
0x18e: {  	_ =	sdelay $0x2  }
0x18f: {  	s31 =	sadd.s32 $0x100, s31;
	s2 =	sadd.s32 s2, s14  }
0x190: {  	[tilespmem:s0], [sflag:$0x1] =	stream.linear.gather [hbm4b:s2+s1], $0x80, $0x38;
	[tilespmem:$0x11A00] =	vst v63  }
0x191: {  	s24 =	simm.s32 $0x0  }
0x192: {  	s2 =	sand.u32 $0x70, s24;
	s0 =	sand.u32 $0xFF00, s24;
	s24 =	rddreg [dreg:$0xb]  }
0x193: {  	v0 =	vld [tilespmem:s24+$0x0];
	s31 =	sor.u32 s2, s0  }
0x194: {  	v2 =	vld [tilespmem:s31+$0x1A80];
	_ =	sdelay $0x1  }
0x195: {  	v1 =	vld [tilespmem:s24+$0x10];
	_ =	sdelay $0x2  }
0x196: {  	v2 =	vmul.f32 v2, v0;
	_ =	sdelay $0x1  }
0x197: {  	v2 =	vsub.f32 v2, v1;
	_ =	sdelay $0x1  }
0x198: {  	v2 =	vmul.f32 $1.442695020e+00, v2;
	_ =	sdelay $0x1  }
0x199: {  	(erf) = vpow2.f32 v2;
	_ =	sdelay $0x8  }
0x19a: {  	v2 =	vpop (erf)  }
0x19b: {  	v2 =	vadd.f32 $1.000000000e+00, v2;
	_ =	sdelay $0x1  }
0x19c: {  	(erf) = vrcp.f32 v2;
	_ =	sdelay $0x4  }
0x19d: {  	v3 =	vld [tilespmem:s24+$0x30];
	_ =	sdelay $0x1  }
0x19e: {  	v2 =	vld [tilespmem:s24+$0x20];
	_ =	sdelay $0x1  }
0x19f: {  	v4 =	vpop (erf)  }
0x1a0: {  	v4 =	vmul.f32 v4, v3;
	_ =	sdelay $0x1  }
0x1a1: {  	s30 =	simm.s32 $0x20;
	s24 =	simm.s32 $0x10;
	v4 =	vsub.f32 v2, v4  }
0x1a2: {  	s2 =	sand.u32 $0xFF00, s30;
	s0 =	simm.s32 $0x20;
	s24 =	sand.u32 $0x70, s24  }
.LBB2_36:
0x1a3: {  	p0 =	sne.s32 s0, $0x7FF0;
	[tilespmem:s31+$0x1A80] =	vst v4;
	s31 =	sor.u32 s24, s2  }
0x1a4: {  	v4 =	vld [tilespmem:s31+$0x1A80];
	_ =	sdelay $0x4  }
0x1a5: {  	v4 =	vmul.f32 v4, v0;
	_ =	sdelay $0x1  }
0x1a6: {  	v4 =	vsub.f32 v4, v1;
	_ =	sdelay $0x1  }
0x1a7: {  	v4 =	vmul.f32 $1.442695020e+00, v4;
	_ =	sdelay $0x1  }
0x1a8: {  	(erf) = vpow2.f32 v4;
	_ =	sdelay $0x8  }
0x1a9: {  	v4 =	vpop (erf)  }
0x1aa: {  	v4 =	vadd.f32 $1.000000000e+00, v4;
	_ =	sdelay $0x1  }
0x1ab: {  	(erf) = vrcp.f32 v4;
	_ =	sdelay $0x8  }
.Ltmp17:
0x1ac: {  	v4 =	vpop (erf);
	(pc) =	sbr.rel @p0 .LBB2_36-.Ltmp17, $3  }
0x1ad: {  	v4 =	vmul.f32 v4, v3;
	_ =	sdelay $0x1  }
0x1ae: {  	s30 =	sadd.s32 $0x20, s30;
	v4 =	vsub.f32 v2, v4  }
0x1af: {  	s24 =	sand.u32 $0x70, s0;
	s0 =	sadd.s32 $0x10, s0;
	s2 =	sand.u32 $0xFF00, s30  }
0x1b0: {  	s2 =	sor.u32 s24, s2;
	[tilespmem:s31+$0x1A80] =	vst v4  }
0x1b1: {  	v4 =	vld [tilespmem:s2+$0x1A80];
	_ =	sdelay $0x4  }
0x1b2: {  	v0 =	vmul.f32 v4, v0;
	_ =	sdelay $0x1  }
0x1b3: {  	v0 =	vsub.f32 v0, v1;
	_ =	sdelay $0x1  }
0x1b4: {  	v0 =	vmul.f32 $1.442695020e+00, v0;
	_ =	sdelay $0x1  }
0x1b5: {  	(erf) = vpow2.f32 v0;
	_ =	sdelay $0x8  }
0x1b6: {  	v0 =	vpop (erf)  }
0x1b7: {  	v0 =	vadd.f32 $1.000000000e+00, v0;
	_ =	sdelay $0x1  }
0x1b8: {  	(erf) = vrcp.f32 v0;
	_ =	sdelay $0x8  }
0x1b9: {  	v0 =	vpop (erf)  }
0x1ba: {  	v0 =	vmul.f32 v0, v3;
	_ =	sdelay $0x1  }
0x1bb: {  	v0 =	vsub.f32 v2, v0  }
0x1bc: {  	s0 =	simm.s32 $0x1A80  }
0x1bd: {  	s30 =	simm.s32 $0x10;
	s31 =	simm.s32 $0x1B80;
	[tilespmem:s2+$0x1A80] =	vst v0;
	s2 =	sadd.s32 $0x0, s13  }
.LBB2_38:
0x1be: {  	[hbm4b:s2+s1] =	stream.linear.scatter [tilespmem:s0], [sflag:$0x2], $0x80, $0x38;
	[tilespmem:$0x11A00] =	vst v63  }
0x1bf: {  	s2 =	smov.u32 s30;
	s0 =	smov.u32 s31;
	p0 =	sne.s32 s30, $0xFF0  }
.Ltmp18:
0x1c0: {  	s30 =	sadd.s32 $0x10, s30;
	(pc) =	sbr.rel @p0 .LBB2_38-.Ltmp18, $2  }
0x1c1: {  	_ =	sdelay $0x2  }
0x1c2: {  	s31 =	sadd.s32 $0x100, s31;
	s2 =	sadd.s32 s2, s13  }
0x1c3: {  	[hbm4b:s2+s1] =	stream.linear.scatter [tilespmem:s0], [sflag:$0x2], $0x80, $0x38;
	[tilespmem:$0x11A00] =	vst v63  }
0x1c4: {  	s2 =	simm.s32 $0x2  }
0x1c5: {  	_ =	swait.ge [sflag:s2], $0x8000  }
0x1c6: {  	[sflag:s2] =	ssyncset.done $0x0  }
0x1c7: {  	s24 =	simm.s32 $0x1;
	[sflag:s2] =	ssyncadd.s32 $0xFFFF8000  }
0x1c8: {  	_ =	swait.ge [sflag:s24], $0x8000  }
0x1c9: {  	s0 =	simm.s32 $0x1A80;
	s30 =	simm.s32 $0x10;
	[sflag:s24] =	ssyncset.done $0x0  }
0x1ca: {  	s31 =	simm.s32 $0x1B80;
	s2 =	sadd.s32 $0x0, s16;
	[sflag:s24] =	ssyncadd.s32 $0xFFFF8000  }
.LBB2_40:
0x1cb: {  	[tilespmem:s0], [sflag:$0x2] =	stream.linear.gather [hbm4b:s2+s1], $0x80, $0x38;
	[tilespmem:$0x11A00] =	vst v63  }
0x1cc: {  	s2 =	smov.u32 s30;
	s0 =	smov.u32 s31;
	p0 =	sne.s32 s30, $0xFF0  }
.Ltmp19:
0x1cd: {  	s30 =	sadd.s32 $0x10, s30;
	(pc) =	sbr.rel @p0 .LBB2_40-.Ltmp19, $2  }
0x1ce: {  	_ =	sdelay $0x2  }
0x1cf: {  	s31 =	sadd.s32 $0x100, s31;
	s2 =	sadd.s32 s2, s16  }
0x1d0: {  	[tilespmem:s0], [sflag:$0x2] =	stream.linear.gather [hbm4b:s2+s1], $0x80, $0x38;
	[tilespmem:$0x11A00] =	vst v63  }
0x1d1: {  	s24 =	simm.s32 $0x0  }
0x1d2: {  	s2 =	sand.u32 $0x70, s24;
	s0 =	sand.u32 $0xFF00, s24;
	s24 =	rddreg [dreg:$0xc]  }
0x1d3: {  	v0 =	vld [tilespmem:s24+$0x0];
	s31 =	sor.u32 s2, s0  }
0x1d4: {  	v2 =	vld [tilespmem:s31+$0x1A00];
	_ =	sdelay $0x1  }
0x1d5: {  	v1 =	vld [tilespmem:s24+$0x10];
	_ =	sdelay $0x2  }
0x1d6: {  	v2 =	vmul.f32 v2, v0;
	_ =	sdelay $0x1  }
0x1d7: {  	v2 =	vsub.f32 v2, v1;
	_ =	sdelay $0x1  }
0x1d8: {  	v2 =	vmul.f32 $1.442695020e+00, v2;
	_ =	sdelay $0x1  }
0x1d9: {  	(erf) = vpow2.f32 v2;
	_ =	sdelay $0x8  }
0x1da: {  	v2 =	vpop (erf)  }
0x1db: {  	v2 =	vadd.f32 $1.000000000e+00, v2;
	_ =	sdelay $0x1  }
0x1dc: {  	(erf) = vrcp.f32 v2;
	_ =	sdelay $0x4  }
0x1dd: {  	v3 =	vld [tilespmem:s24+$0x30];
	_ =	sdelay $0x1  }
0x1de: {  	v2 =	vld [tilespmem:s24+$0x20];
	_ =	sdelay $0x1  }
0x1df: {  	v4 =	vpop (erf)  }
0x1e0: {  	v4 =	vmul.f32 v4, v3;
	_ =	sdelay $0x1  }
0x1e1: {  	s30 =	simm.s32 $0x20;
	s24 =	simm.s32 $0x10;
	v4 =	vsub.f32 v2, v4  }
0x1e2: {  	s2 =	sand.u32 $0xFF00, s30;
	s0 =	simm.s32 $0x20;
	s24 =	sand.u32 $0x70, s24  }
.LBB2_42:
0x1e3: {  	p0 =	sne.s32 s0, $0x7FF0;
	[tilespmem:s31+$0x1A00] =	vst v4;
	s31 =	sor.u32 s24, s2  }
0x1e4: {  	v4 =	vld [tilespmem:s31+$0x1A00];
	_ =	sdelay $0x4  }
0x1e5: {  	v4 =	vmul.f32 v4, v0;
	_ =	sdelay $0x1  }
0x1e6: {  	v4 =	vsub.f32 v4, v1;
	_ =	sdelay $0x1  }
0x1e7: {  	v4 =	vmul.f32 $1.442695020e+00, v4;
	_ =	sdelay $0x1  }
0x1e8: {  	(erf) = vpow2.f32 v4;
	_ =	sdelay $0x8  }
0x1e9: {  	v4 =	vpop (erf)  }
0x1ea: {  	v4 =	vadd.f32 $1.000000000e+00, v4;
	_ =	sdelay $0x1  }
0x1eb: {  	(erf) = vrcp.f32 v4;
	_ =	sdelay $0x8  }
.Ltmp20:
0x1ec: {  	v4 =	vpop (erf);
	(pc) =	sbr.rel @p0 .LBB2_42-.Ltmp20, $3  }
0x1ed: {  	v4 =	vmul.f32 v4, v3;
	_ =	sdelay $0x1  }
0x1ee: {  	s30 =	sadd.s32 $0x20, s30;
	v4 =	vsub.f32 v2, v4  }
0x1ef: {  	s24 =	sand.u32 $0x70, s0;
	s0 =	sadd.s32 $0x10, s0;
	s2 =	sand.u32 $0xFF00, s30  }
0x1f0: {  	s2 =	sor.u32 s24, s2;
	[tilespmem:s31+$0x1A00] =	vst v4  }
0x1f1: {  	v4 =	vld [tilespmem:s2+$0x1A00];
	_ =	sdelay $0x4  }
0x1f2: {  	v0 =	vmul.f32 v4, v0;
	_ =	sdelay $0x1  }
0x1f3: {  	v0 =	vsub.f32 v0, v1;
	_ =	sdelay $0x1  }
0x1f4: {  	v0 =	vmul.f32 $1.442695020e+00, v0;
	_ =	sdelay $0x1  }
0x1f5: {  	(erf) = vpow2.f32 v0;
	_ =	sdelay $0x8  }
0x1f6: {  	v0 =	vpop (erf)  }
0x1f7: {  	v0 =	vadd.f32 $1.000000000e+00, v0;
	_ =	sdelay $0x1  }
0x1f8: {  	(erf) = vrcp.f32 v0;
	_ =	sdelay $0x8  }
0x1f9: {  	v0 =	vpop (erf)  }
0x1fa: {  	v0 =	vmul.f32 v0, v3;
	_ =	sdelay $0x1  }
0x1fb: {  	v0 =	vsub.f32 v2, v0  }
0x1fc: {  	s0 =	simm.s32 $0x1A00  }
0x1fd: {  	s30 =	simm.s32 $0x10;
	s31 =	simm.s32 $0x1B00;
	[tilespmem:s2+$0x1A00] =	vst v0;
	s2 =	sadd.s32 $0x0, s15  }
.LBB2_44:
0x1fe: {  	[hbm4b:s2+s1] =	stream.linear.scatter [tilespmem:s0], [sflag:$0x1], $0x80, $0x38;
	[tilespmem:$0x11A00] =	vst v63  }
0x1ff: {  	s2 =	smov.u32 s30;
	s0 =	smov.u32 s31;
	p0 =	sne.s32 s30, $0xFF0  }
.Ltmp21:
0x200: {  	s30 =	sadd.s32 $0x10, s30;
	(pc) =	sbr.rel @p0 .LBB2_44-.Ltmp21, $2  }
0x201: {  	_ =	sdelay $0x2  }
0x202: {  	s31 =	sadd.s32 $0x100, s31;
	s2 =	sadd.s32 s2, s15  }
0x203: {  	[hbm4b:s2+s1] =	stream.linear.scatter [tilespmem:s0], [sflag:$0x1], $0x80, $0x38;
	[tilespmem:$0x11A00] =	vst v63  }
0x204: {  	s2 =	simm.s32 $0x1  }
0x205: {  	_ =	swait.ge [sflag:s2], $0x8000  }
0x206: {  	[sflag:s2] =	ssyncset.done $0x0  }
0x207: {  	s24 =	simm.s32 $0x2;
	[sflag:s2] =	ssyncadd.s32 $0xFFFF8000  }
0x208: {  	_ =	swait.ge [sflag:s24], $0x8000  }
0x209: {  	s0 =	simm.s32 $0x1A00;
	s30 =	simm.s32 $0x10;
	[sflag:s24] =	ssyncset.done $0x0  }
0x20a: {  	s31 =	simm.s32 $0x1B00;
	s2 =	sadd.s32 $0x0, s18;
	[sflag:s24] =	ssyncadd.s32 $0xFFFF8000  }
.LBB2_46:
0x20b: {  	[tilespmem:s0], [sflag:$0x1] =	stream.linear.gather [hbm4b:s2+s1], $0x80, $0x38;
	[tilespmem:$0x11A00] =	vst v63  }
0x20c: {  	s2 =	smov.u32 s30;
	s0 =	smov.u32 s31;
	p0 =	sne.s32 s30, $0xFF0  }
.Ltmp22:
0x20d: {  	s30 =	sadd.s32 $0x10, s30;
	(pc) =	sbr.rel @p0 .LBB2_46-.Ltmp22, $2  }
0x20e: {  	_ =	sdelay $0x2  }
0x20f: {  	s31 =	sadd.s32 $0x100, s31;
	s2 =	sadd.s32 s2, s18  }
0x210: {  	[tilespmem:s0], [sflag:$0x1] =	stream.linear.gather [hbm4b:s2+s1], $0x80, $0x38;
	[tilespmem:$0x11A00] =	vst v63  }
0x211: {  	s24 =	simm.s32 $0x0  }
0x212: {  	s2 =	sand.u32 $0x70, s24;
	s0 =	sand.u32 $0xFF00, s24;
	s24 =	rddreg [dreg:$0xd]  }
0x213: {  	v0 =	vld [tilespmem:s24+$0x0];
	s31 =	sor.u32 s2, s0  }
0x214: {  	v2 =	vld [tilespmem:s31+$0x1A80];
	_ =	sdelay $0x1  }
0x215: {  	v1 =	vld [tilespmem:s24+$0x10];
	_ =	sdelay $0x2  }
0x216: {  	v2 =	vmul.f32 v2, v0;
	_ =	sdelay $0x1  }
0x217: {  	v2 =	vsub.f32 v2, v1;
	_ =	sdelay $0x1  }
0x218: {  	v2 =	vmul.f32 $1.442695020e+00, v2;
	_ =	sdelay $0x1  }
0x219: {  	(erf) = vpow2.f32 v2;
	_ =	sdelay $0x8  }
0x21a: {  	v2 =	vpop (erf)  }
0x21b: {  	v2 =	vadd.f32 $1.000000000e+00, v2;
	_ =	sdelay $0x1  }
0x21c: {  	(erf) = vrcp.f32 v2;
	_ =	sdelay $0x4  }
0x21d: {  	v3 =	vld [tilespmem:s24+$0x30];
	_ =	sdelay $0x1  }
0x21e: {  	v2 =	vld [tilespmem:s24+$0x20];
	_ =	sdelay $0x1  }
0x21f: {  	v4 =	vpop (erf)  }
0x220: {  	v4 =	vmul.f32 v4, v3;
	_ =	sdelay $0x1  }
0x221: {  	s30 =	simm.s32 $0x20;
	s24 =	simm.s32 $0x10;
	v4 =	vsub.f32 v2, v4  }
0x222: {  	s2 =	sand.u32 $0xFF00, s30;
	s0 =	simm.s32 $0x20;
	s24 =	sand.u32 $0x70, s24  }
.LBB2_48:
0x223: {  	p0 =	sne.s32 s0, $0x7FF0;
	[tilespmem:s31+$0x1A80] =	vst v4;
	s31 =	sor.u32 s24, s2  }
0x224: {  	v4 =	vld [tilespmem:s31+$0x1A80];
	_ =	sdelay $0x4  }
0x225: {  	v4 =	vmul.f32 v4, v0;
	_ =	sdelay $0x1  }
0x226: {  	v4 =	vsub.f32 v4, v1;
	_ =	sdelay $0x1  }
0x227: {  	v4 =	vmul.f32 $1.442695020e+00, v4;
	_ =	sdelay $0x1  }
0x228: {  	(erf) = vpow2.f32 v4;
	_ =	sdelay $0x8  }
0x229: {  	v4 =	vpop (erf)  }
0x22a: {  	v4 =	vadd.f32 $1.000000000e+00, v4;
	_ =	sdelay $0x1  }
0x22b: {  	(erf) = vrcp.f32 v4;
	_ =	sdelay $0x8  }
.Ltmp23:
0x22c: {  	v4 =	vpop (erf);
	(pc) =	sbr.rel @p0 .LBB2_48-.Ltmp23, $3  }
0x22d: {  	v4 =	vmul.f32 v4, v3;
	_ =	sdelay $0x1  }
0x22e: {  	s30 =	sadd.s32 $0x20, s30;
	v4 =	vsub.f32 v2, v4  }
0x22f: {  	s24 =	sand.u32 $0x70, s0;
	s0 =	sadd.s32 $0x10, s0;
	s2 =	sand.u32 $0xFF00, s30  }
0x230: {  	s2 =	sor.u32 s24, s2;
	[tilespmem:s31+$0x1A80] =	vst v4  }
0x231: {  	v4 =	vld [tilespmem:s2+$0x1A80];
	_ =	sdelay $0x4  }
0x232: {  	v0 =	vmul.f32 v4, v0;
	_ =	sdelay $0x1  }
0x233: {  	v0 =	vsub.f32 v0, v1;
	_ =	sdelay $0x1  }
0x234: {  	v0 =	vmul.f32 $1.442695020e+00, v0;
	_ =	sdelay $0x1  }
0x235: {  	(erf) = vpow2.f32 v0;
	_ =	sdelay $0x8  }
0x236: {  	v0 =	vpop (erf)  }
0x237: {  	v0 =	vadd.f32 $1.000000000e+00, v0;
	_ =	sdelay $0x1  }
0x238: {  	(erf) = vrcp.f32 v0;
	_ =	sdelay $0x8  }
0x239: {  	v0 =	vpop (erf)  }
0x23a: {  	v0 =	vmul.f32 v0, v3;
	_ =	sdelay $0x1  }
0x23b: {  	v0 =	vsub.f32 v2, v0  }
0x23c: {  	s0 =	simm.s32 $0x1A80  }
0x23d: {  	s30 =	simm.s32 $0x10;
	s31 =	simm.s32 $0x1B80;
	[tilespmem:s2+$0x1A80] =	vst v0;
	s2 =	sadd.s32 $0x0, s17  }
.LBB2_50:
0x23e: {  	[hbm4b:s2+s1] =	stream.linear.scatter [tilespmem:s0], [sflag:$0x2], $0x80, $0x38;
	[tilespmem:$0x11A00] =	vst v63  }
0x23f: {  	s2 =	smov.u32 s30;
	s0 =	smov.u32 s31;
	p0 =	sne.s32 s30, $0xFF0  }
.Ltmp24:
0x240: {  	s30 =	sadd.s32 $0x10, s30;
	(pc) =	sbr.rel @p0 .LBB2_50-.Ltmp24, $2  }
0x241: {  	_ =	sdelay $0x2  }
0x242: {  	s31 =	sadd.s32 $0x100, s31;
	s2 =	sadd.s32 s2, s17  }
0x243: {  	[hbm4b:s2+s1] =	stream.linear.scatter [tilespmem:s0], [sflag:$0x2], $0x80, $0x38;
	[tilespmem:$0x11A00] =	vst v63  }
0x244: {  	s2 =	simm.s32 $0x2  }
0x245: {  	_ =	swait.ge [sflag:s2], $0x8000  }
0x246: {  	[sflag:s2] =	ssyncset.done $0x0  }
0x247: {  	s24 =	simm.s32 $0x1;
	[sflag:s2] =	ssyncadd.s32 $0xFFFF8000  }
0x248: {  	_ =	swait.ge [sflag:s24], $0x8000  }
0x249: {  	s0 =	simm.s32 $0x1A80;
	s30 =	simm.s32 $0x10;
	[sflag:s24] =	ssyncset.done $0x0  }
0x24a: {  	s31 =	simm.s32 $0x1B80;
	s2 =	sadd.s32 $0x0, s20;
	[sflag:s24] =	ssyncadd.s32 $0xFFFF8000  }
.LBB2_52:
0x24b: {  	[tilespmem:s0], [sflag:$0x2] =	stream.linear.gather [hbm4b:s2+s1], $0x80, $0x38;
	[tilespmem:$0x11A00] =	vst v63  }
0x24c: {  	s2 =	smov.u32 s30;
	s0 =	smov.u32 s31;
	p0 =	sne.s32 s30, $0xFF0  }
.Ltmp25:
0x24d: {  	s30 =	sadd.s32 $0x10, s30;
	(pc) =	sbr.rel @p0 .LBB2_52-.Ltmp25, $2  }
0x24e: {  	_ =	sdelay $0x2  }
0x24f: {  	s31 =	sadd.s32 $0x100, s31;
	s2 =	sadd.s32 s2, s20  }
0x250: {  	[tilespmem:s0], [sflag:$0x2] =	stream.linear.gather [hbm4b:s2+s1], $0x80, $0x38;
	[tilespmem:$0x11A00] =	vst v63  }
0x251: {  	s24 =	simm.s32 $0x0  }
0x252: {  	s2 =	sand.u32 $0x70, s24;
	s0 =	sand.u32 $0xFF00, s24;
	s24 =	rddreg [dreg:$0xe]  }
0x253: {  	v0 =	vld [tilespmem:s24+$0x0];
	s31 =	sor.u32 s2, s0  }
0x254: {  	v2 =	vld [tilespmem:s31+$0x1A00];
	_ =	sdelay $0x1  }
0x255: {  	v1 =	vld [tilespmem:s24+$0x10];
	_ =	sdelay $0x2  }
0x256: {  	v2 =	vmul.f32 v2, v0;
	_ =	sdelay $0x1  }
0x257: {  	v2 =	vsub.f32 v2, v1;
	_ =	sdelay $0x1  }
0x258: {  	v2 =	vmul.f32 $1.442695020e+00, v2;
	_ =	sdelay $0x1  }
0x259: {  	(erf) = vpow2.f32 v2;
	_ =	sdelay $0x8  }
0x25a: {  	v2 =	vpop (erf)  }
0x25b: {  	v2 =	vadd.f32 $1.000000000e+00, v2;
	_ =	sdelay $0x1  }
0x25c: {  	(erf) = vrcp.f32 v2;
	_ =	sdelay $0x4  }
0x25d: {  	v3 =	vld [tilespmem:s24+$0x30];
	_ =	sdelay $0x1  }
0x25e: {  	v2 =	vld [tilespmem:s24+$0x20];
	_ =	sdelay $0x1  }
0x25f: {  	v4 =	vpop (erf)  }
0x260: {  	v4 =	vmul.f32 v4, v3;
	_ =	sdelay $0x1  }
0x261: {  	s30 =	simm.s32 $0x20;
	s24 =	simm.s32 $0x10;
	v4 =	vsub.f32 v2, v4  }
0x262: {  	s2 =	sand.u32 $0xFF00, s30;
	s0 =	simm.s32 $0x20;
	s24 =	sand.u32 $0x70, s24  }
.LBB2_54:
0x263: {  	p0 =	sne.s32 s0, $0x7FF0;
	[tilespmem:s31+$0x1A00] =	vst v4;
	s31 =	sor.u32 s24, s2  }
0x264: {  	v4 =	vld [tilespmem:s31+$0x1A00];
	_ =	sdelay $0x4  }
0x265: {  	v4 =	vmul.f32 v4, v0;
	_ =	sdelay $0x1  }
0x266: {  	v4 =	vsub.f32 v4, v1;
	_ =	sdelay $0x1  }
0x267: {  	v4 =	vmul.f32 $1.442695020e+00, v4;
	_ =	sdelay $0x1  }
0x268: {  	(erf) = vpow2.f32 v4;
	_ =	sdelay $0x8  }
0x269: {  	v4 =	vpop (erf)  }
0x26a: {  	v4 =	vadd.f32 $1.000000000e+00, v4;
	_ =	sdelay $0x1  }
0x26b: {  	(erf) = vrcp.f32 v4;
	_ =	sdelay $0x8  }
.Ltmp26:
0x26c: {  	v4 =	vpop (erf);
	(pc) =	sbr.rel @p0 .LBB2_54-.Ltmp26, $3  }
0x26d: {  	v4 =	vmul.f32 v4, v3;
	_ =	sdelay $0x1  }
0x26e: {  	s30 =	sadd.s32 $0x20, s30;
	v4 =	vsub.f32 v2, v4  }
0x26f: {  	s24 =	sand.u32 $0x70, s0;
	s0 =	sadd.s32 $0x10, s0;
	s2 =	sand.u32 $0xFF00, s30  }
0x270: {  	s2 =	sor.u32 s24, s2;
	[tilespmem:s31+$0x1A00] =	vst v4  }
0x271: {  	v4 =	vld [tilespmem:s2+$0x1A00];
	_ =	sdelay $0x4  }
0x272: {  	v0 =	vmul.f32 v4, v0;
	_ =	sdelay $0x1  }
0x273: {  	v0 =	vsub.f32 v0, v1;
	_ =	sdelay $0x1  }
0x274: {  	v0 =	vmul.f32 $1.442695020e+00, v0;
	_ =	sdelay $0x1  }
0x275: {  	(erf) = vpow2.f32 v0;
	_ =	sdelay $0x8  }
0x276: {  	v0 =	vpop (erf)  }
0x277: {  	v0 =	vadd.f32 $1.000000000e+00, v0;
	_ =	sdelay $0x1  }
0x278: {  	(erf) = vrcp.f32 v0;
	_ =	sdelay $0x8  }
0x279: {  	v0 =	vpop (erf)  }
0x27a: {  	v0 =	vmul.f32 v0, v3;
	_ =	sdelay $0x1  }
0x27b: {  	v0 =	vsub.f32 v2, v0  }
0x27c: {  	s0 =	simm.s32 $0x1A00  }
0x27d: {  	s30 =	simm.s32 $0x10;
	s31 =	simm.s32 $0x1B00;
	[tilespmem:s2+$0x1A00] =	vst v0;
	s2 =	sadd.s32 $0x0, s19  }
.LBB2_56:
0x27e: {  	[hbm4b:s2+s1] =	stream.linear.scatter [tilespmem:s0], [sflag:$0x1], $0x80, $0x38;
	[tilespmem:$0x11A00] =	vst v63  }
0x27f: {  	s2 =	smov.u32 s30;
	s0 =	smov.u32 s31;
	p0 =	sne.s32 s30, $0xFF0  }
.Ltmp27:
0x280: {  	s30 =	sadd.s32 $0x10, s30;
	(pc) =	sbr.rel @p0 .LBB2_56-.Ltmp27, $2  }
0x281: {  	_ =	sdelay $0x2  }
0x282: {  	s31 =	sadd.s32 $0x100, s31;
	s2 =	sadd.s32 s2, s19  }
0x283: {  	[hbm4b:s2+s1] =	stream.linear.scatter [tilespmem:s0], [sflag:$0x1], $0x80, $0x38;
	[tilespmem:$0x11A00] =	vst v63  }
0x284: {  	s2 =	simm.s32 $0x1  }
0x285: {  	_ =	swait.ge [sflag:s2], $0x8000  }
0x286: {  	[sflag:s2] =	ssyncset.done $0x0  }
0x287: {  	s24 =	simm.s32 $0x2;
	[sflag:s2] =	ssyncadd.s32 $0xFFFF8000  }
0x288: {  	_ =	swait.ge [sflag:s24], $0x8000  }
0x289: {  	s0 =	simm.s32 $0x1A00;
	s30 =	simm.s32 $0x10;
	[sflag:s24] =	ssyncset.done $0x0  }
0x28a: {  	s31 =	simm.s32 $0x1B00;
	s2 =	sadd.s32 $0x0, s22;
	[sflag:s24] =	ssyncadd.s32 $0xFFFF8000  }
.LBB2_58:
0x28b: {  	[tilespmem:s0], [sflag:$0x1] =	stream.linear.gather [hbm4b:s2+s1], $0x80, $0x38;
	[tilespmem:$0x11A00] =	vst v63  }
0x28c: {  	s2 =	smov.u32 s30;
	s0 =	smov.u32 s31;
	p0 =	sne.s32 s30, $0xFF0  }
.Ltmp28:
0x28d: {  	s30 =	sadd.s32 $0x10, s30;
	(pc) =	sbr.rel @p0 .LBB2_58-.Ltmp28, $2  }
0x28e: {  	_ =	sdelay $0x2  }
0x28f: {  	s31 =	sadd.s32 $0x100, s31;
	s2 =	sadd.s32 s2, s22  }
0x290: {  	[tilespmem:s0], [sflag:$0x1] =	stream.linear.gather [hbm4b:s2+s1], $0x80, $0x38;
	[tilespmem:$0x11A00] =	vst v63  }
0x291: {  	s24 =	simm.s32 $0x0  }
0x292: {  	s2 =	sand.u32 $0x70, s24;
	s0 =	sand.u32 $0xFF00, s24;
	s24 =	rddreg [dreg:$0xf]  }
0x293: {  	v0 =	vld [tilespmem:s24+$0x0];
	s31 =	sor.u32 s2, s0  }
0x294: {  	v2 =	vld [tilespmem:s31+$0x1A80];
	_ =	sdelay $0x1  }
0x295: {  	v1 =	vld [tilespmem:s24+$0x10];
	_ =	sdelay $0x2  }
0x296: {  	v2 =	vmul.f32 v2, v0;
	_ =	sdelay $0x1  }
0x297: {  	v2 =	vsub.f32 v2, v1;
	_ =	sdelay $0x1  }
0x298: {  	v2 =	vmul.f32 $1.442695020e+00, v2;
	_ =	sdelay $0x1  }
0x299: {  	(erf) = vpow2.f32 v2;
	_ =	sdelay $0x8  }
0x29a: {  	v2 =	vpop (erf)  }
0x29b: {  	v2 =	vadd.f32 $1.000000000e+00, v2;
	_ =	sdelay $0x1  }
0x29c: {  	(erf) = vrcp.f32 v2;
	_ =	sdelay $0x4  }
0x29d: {  	v3 =	vld [tilespmem:s24+$0x30];
	_ =	sdelay $0x1  }
0x29e: {  	v2 =	vld [tilespmem:s24+$0x20];
	_ =	sdelay $0x1  }
0x29f: {  	v4 =	vpop (erf)  }
0x2a0: {  	v4 =	vmul.f32 v4, v3;
	_ =	sdelay $0x1  }
0x2a1: {  	s30 =	simm.s32 $0x20;
	s24 =	simm.s32 $0x10;
	v4 =	vsub.f32 v2, v4  }
0x2a2: {  	s2 =	sand.u32 $0xFF00, s30;
	s0 =	simm.s32 $0x20;
	s24 =	sand.u32 $0x70, s24  }
.LBB2_60:
0x2a3: {  	p0 =	sne.s32 s0, $0x7FF0;
	[tilespmem:s31+$0x1A80] =	vst v4;
	s31 =	sor.u32 s24, s2  }
0x2a4: {  	v4 =	vld [tilespmem:s31+$0x1A80];
	_ =	sdelay $0x4  }
0x2a5: {  	v4 =	vmul.f32 v4, v0;
	_ =	sdelay $0x1  }
0x2a6: {  	v4 =	vsub.f32 v4, v1;
	_ =	sdelay $0x1  }
0x2a7: {  	v4 =	vmul.f32 $1.442695020e+00, v4;
	_ =	sdelay $0x1  }
0x2a8: {  	(erf) = vpow2.f32 v4;
	_ =	sdelay $0x8  }
0x2a9: {  	v4 =	vpop (erf)  }
0x2aa: {  	v4 =	vadd.f32 $1.000000000e+00, v4;
	_ =	sdelay $0x1  }
0x2ab: {  	(erf) = vrcp.f32 v4;
	_ =	sdelay $0x8  }
.Ltmp29:
0x2ac: {  	v4 =	vpop (erf);
	(pc) =	sbr.rel @p0 .LBB2_60-.Ltmp29, $3  }
0x2ad: {  	v4 =	vmul.f32 v4, v3;
	_ =	sdelay $0x1  }
0x2ae: {  	s30 =	sadd.s32 $0x20, s30;
	v4 =	vsub.f32 v2, v4  }
0x2af: {  	s24 =	sand.u32 $0x70, s0;
	s0 =	sadd.s32 $0x10, s0;
	s2 =	sand.u32 $0xFF00, s30  }
0x2b0: {  	s2 =	sor.u32 s24, s2;
	[tilespmem:s31+$0x1A80] =	vst v4  }
0x2b1: {  	v4 =	vld [tilespmem:s2+$0x1A80];
	_ =	sdelay $0x4  }
0x2b2: {  	v0 =	vmul.f32 v4, v0;
	_ =	sdelay $0x1  }
0x2b3: {  	v0 =	vsub.f32 v0, v1;
	_ =	sdelay $0x1  }
0x2b4: {  	v0 =	vmul.f32 $1.442695020e+00, v0;
	_ =	sdelay $0x1  }
0x2b5: {  	(erf) = vpow2.f32 v0;
	_ =	sdelay $0x8  }
0x2b6: {  	v0 =	vpop (erf)  }
0x2b7: {  	v0 =	vadd.f32 $1.000000000e+00, v0;
	_ =	sdelay $0x1  }
0x2b8: {  	(erf) = vrcp.f32 v0;
	_ =	sdelay $0x8  }
0x2b9: {  	v0 =	vpop (erf)  }
0x2ba: {  	v0 =	vmul.f32 v0, v3;
	_ =	sdelay $0x1  }
0x2bb: {  	v0 =	vsub.f32 v2, v0  }
0x2bc: {  	s0 =	simm.s32 $0x1A80  }
0x2bd: {  	s30 =	simm.s32 $0x10;
	s31 =	simm.s32 $0x1B80;
	[tilespmem:s2+$0x1A80] =	vst v0;
	s2 =	sadd.s32 $0x0, s21  }
.LBB2_62:
0x2be: {  	[hbm4b:s2+s1] =	stream.linear.scatter [tilespmem:s0], [sflag:$0x2], $0x80, $0x38;
	[tilespmem:$0x11A00] =	vst v63  }
0x2bf: {  	s2 =	smov.u32 s30;
	s0 =	smov.u32 s31;
	p0 =	sne.s32 s30, $0xFF0  }
.Ltmp30:
0x2c0: {  	s30 =	sadd.s32 $0x10, s30;
	(pc) =	sbr.rel @p0 .LBB2_62-.Ltmp30, $2  }
0x2c1: {  	_ =	sdelay $0x2  }
0x2c2: {  	s31 =	sadd.s32 $0x100, s31;
	s2 =	sadd.s32 s2, s21  }
0x2c3: {  	[hbm4b:s2+s1] =	stream.linear.scatter [tilespmem:s0], [sflag:$0x2], $0x80, $0x38;
	[tilespmem:$0x11A00] =	vst v63  }
0x2c4: {  	s2 =	simm.s32 $0x2  }
0x2c5: {  	_ =	swait.ge [sflag:s2], $0x8000  }
0x2c6: {  	[sflag:s2] =	ssyncset.done $0x0  }
0x2c7: {  	s24 =	simm.s32 $0x1;
	[sflag:s2] =	ssyncadd.s32 $0xFFFF8000  }
0x2c8: {  	_ =	swait.ge [sflag:s24], $0x8000  }
0x2c9: {  	s0 =	simm.s32 $0x1A80;
	s30 =	simm.s32 $0x10;
	[sflag:s24] =	ssyncset.done $0x0  }
0x2ca: {  	s31 =	simm.s32 $0x1B80;
	s2 =	sadd.s32 $0x0, s25;
	[sflag:s24] =	ssyncadd.s32 $0xFFFF8000  }
.LBB2_64:
0x2cb: {  	[tilespmem:s0], [sflag:$0x2] =	stream.linear.gather [hbm4b:s2+s1], $0x80, $0x38;
	[tilespmem:$0x11A00] =	vst v63  }
0x2cc: {  	s2 =	smov.u32 s30;
	s0 =	smov.u32 s31;
	p0 =	sne.s32 s30, $0xFF0  }
.Ltmp31:
0x2cd: {  	s30 =	sadd.s32 $0x10, s30;
	(pc) =	sbr.rel @p0 .LBB2_64-.Ltmp31, $2  }
0x2ce: {  	_ =	sdelay $0x2  }
0x2cf: {  	s31 =	sadd.s32 $0x100, s31;
	s2 =	sadd.s32 s2, s25  }
0x2d0: {  	[tilespmem:s0], [sflag:$0x2] =	stream.linear.gather [hbm4b:s2+s1], $0x80, $0x38;
	[tilespmem:$0x11A00] =	vst v63  }
0x2d1: {  	s24 =	simm.s32 $0x0  }
0x2d2: {  	s2 =	sand.u32 $0x70, s24;
	s0 =	sand.u32 $0xFF00, s24;
	s24 =	rddreg [dreg:$0x10]  }
0x2d3: {  	v0 =	vld [tilespmem:s24+$0x0];
	s31 =	sor.u32 s2, s0  }
0x2d4: {  	v2 =	vld [tilespmem:s31+$0x1A00];
	_ =	sdelay $0x1  }
0x2d5: {  	v1 =	vld [tilespmem:s24+$0x10];
	_ =	sdelay $0x2  }
0x2d6: {  	v2 =	vmul.f32 v2, v0;
	_ =	sdelay $0x1  }
0x2d7: {  	v2 =	vsub.f32 v2, v1;
	_ =	sdelay $0x1  }
0x2d8: {  	v2 =	vmul.f32 $1.442695020e+00, v2;
	_ =	sdelay $0x1  }
0x2d9: {  	(erf) = vpow2.f32 v2;
	_ =	sdelay $0x8  }
0x2da: {  	v2 =	vpop (erf)  }
0x2db: {  	v2 =	vadd.f32 $1.000000000e+00, v2;
	_ =	sdelay $0x1  }
0x2dc: {  	(erf) = vrcp.f32 v2;
	_ =	sdelay $0x4  }
0x2dd: {  	v3 =	vld [tilespmem:s24+$0x30];
	_ =	sdelay $0x1  }
0x2de: {  	v2 =	vld [tilespmem:s24+$0x20];
	_ =	sdelay $0x1  }
0x2df: {  	v4 =	vpop (erf)  }
0x2e0: {  	v4 =	vmul.f32 v4, v3;
	_ =	sdelay $0x1  }
0x2e1: {  	s30 =	simm.s32 $0x20;
	s24 =	simm.s32 $0x10;
	v4 =	vsub.f32 v2, v4  }
0x2e2: {  	s2 =	sand.u32 $0xFF00, s30;
	s0 =	simm.s32 $0x20;
	s24 =	sand.u32 $0x70, s24  }
.LBB2_66:
0x2e3: {  	p0 =	sne.s32 s0, $0x7FF0;
	[tilespmem:s31+$0x1A00] =	vst v4;
	s31 =	sor.u32 s24, s2  }
0x2e4: {  	v4 =	vld [tilespmem:s31+$0x1A00];
	_ =	sdelay $0x4  }
0x2e5: {  	v4 =	vmul.f32 v4, v0;
	_ =	sdelay $0x1  }
0x2e6: {  	v4 =	vsub.f32 v4, v1;
	_ =	sdelay $0x1  }
0x2e7: {  	v4 =	vmul.f32 $1.442695020e+00, v4;
	_ =	sdelay $0x1  }
0x2e8: {  	(erf) = vpow2.f32 v4;
	_ =	sdelay $0x8  }
0x2e9: {  	v4 =	vpop (erf)  }
0x2ea: {  	v4 =	vadd.f32 $1.000000000e+00, v4;
	_ =	sdelay $0x1  }
0x2eb: {  	(erf) = vrcp.f32 v4;
	_ =	sdelay $0x8  }
.Ltmp32:
0x2ec: {  	v4 =	vpop (erf);
	(pc) =	sbr.rel @p0 .LBB2_66-.Ltmp32, $3  }
0x2ed: {  	v4 =	vmul.f32 v4, v3;
	_ =	sdelay $0x1  }
0x2ee: {  	s30 =	sadd.s32 $0x20, s30;
	v4 =	vsub.f32 v2, v4  }
0x2ef: {  	s24 =	sand.u32 $0x70, s0;
	s0 =	sadd.s32 $0x10, s0;
	s2 =	sand.u32 $0xFF00, s30  }
0x2f0: {  	s2 =	sor.u32 s24, s2;
	[tilespmem:s31+$0x1A00] =	vst v4  }
0x2f1: {  	v4 =	vld [tilespmem:s2+$0x1A00];
	_ =	sdelay $0x4  }
0x2f2: {  	v0 =	vmul.f32 v4, v0;
	_ =	sdelay $0x1  }
0x2f3: {  	v0 =	vsub.f32 v0, v1;
	_ =	sdelay $0x1  }
0x2f4: {  	v0 =	vmul.f32 $1.442695020e+00, v0;
	_ =	sdelay $0x1  }
0x2f5: {  	(erf) = vpow2.f32 v0;
	_ =	sdelay $0x8  }
0x2f6: {  	v0 =	vpop (erf)  }
0x2f7: {  	v0 =	vadd.f32 $1.000000000e+00, v0;
	_ =	sdelay $0x1  }
0x2f8: {  	(erf) = vrcp.f32 v0;
	_ =	sdelay $0x8  }
0x2f9: {  	v0 =	vpop (erf)  }
0x2fa: {  	v0 =	vmul.f32 v0, v3;
	_ =	sdelay $0x1  }
0x2fb: {  	v0 =	vsub.f32 v2, v0  }
0x2fc: {  	s0 =	simm.s32 $0x1A00  }
0x2fd: {  	s30 =	simm.s32 $0x10;
	s31 =	simm.s32 $0x1B00;
	[tilespmem:s2+$0x1A00] =	vst v0;
	s2 =	sadd.s32 $0x0, s23  }
.LBB2_68:
0x2fe: {  	[hbm4b:s2+s1] =	stream.linear.scatter [tilespmem:s0], [sflag:$0x1], $0x80, $0x38;
	[tilespmem:$0x11A00] =	vst v63  }
0x2ff: {  	s2 =	smov.u32 s30;
	s0 =	smov.u32 s31;
	p0 =	sne.s32 s30, $0xFF0  }
.Ltmp33:
0x300: {  	s30 =	sadd.s32 $0x10, s30;
	(pc) =	sbr.rel @p0 .LBB2_68-.Ltmp33, $2  }
0x301: {  	_ =	sdelay $0x2  }
0x302: {  	s31 =	sadd.s32 $0x100, s31;
	s2 =	sadd.s32 s2, s23  }
0x303: {  	[hbm4b:s2+s1] =	stream.linear.scatter [tilespmem:s0], [sflag:$0x1], $0x80, $0x38;
	[tilespmem:$0x11A00] =	vst v63  }
0x304: {  	s2 =	simm.s32 $0x1  }
0x305: {  	_ =	swait.ge [sflag:s2], $0x8000  }
0x306: {  	[sflag:s2] =	ssyncset.done $0x0  }
0x307: {  	s24 =	simm.s32 $0x2;
	[sflag:s2] =	ssyncadd.s32 $0xFFFF8000  }
0x308: {  	_ =	swait.ge [sflag:s24], $0x8000  }
0x309: {  	s0 =	simm.s32 $0x1A00;
	s30 =	simm.s32 $0x10;
	[sflag:s24] =	ssyncset.done $0x0  }
0x30a: {  	s31 =	simm.s32 $0x1B00;
	s2 =	sadd.s32 $0x0, s26;
	[sflag:s24] =	ssyncadd.s32 $0xFFFF8000  }
.LBB2_70:
0x30b: {  	[tilespmem:s0], [sflag:$0x1] =	stream.linear.gather [hbm4b:s2+s1], $0x80, $0x38;
	[tilespmem:$0x11A00] =	vst v63  }
0x30c: {  	s2 =	smov.u32 s30;
	s0 =	smov.u32 s31;
	p0 =	sne.s32 s30, $0xFF0  }
.Ltmp34:
0x30d: {  	s30 =	sadd.s32 $0x10, s30;
	(pc) =	sbr.rel @p0 .LBB2_70-.Ltmp34, $2  }
0x30e: {  	_ =	sdelay $0x2  }
0x30f: {  	s31 =	sadd.s32 $0x100, s31;
	s2 =	sadd.s32 s2, s26  }
0x310: {  	[tilespmem:s0], [sflag:$0x1] =	stream.linear.gather [hbm4b:s2+s1], $0x80, $0x38;
	[tilespmem:$0x11A00] =	vst v63  }
0x311: {  	s24 =	simm.s32 $0x0  }
0x312: {  	s2 =	sand.u32 $0x70, s24;
	s0 =	sand.u32 $0xFF00, s24;
	s24 =	rddreg [dreg:$0x11]  }
0x313: {  	v0 =	vld [tilespmem:s24+$0x0];
	s31 =	sor.u32 s2, s0  }
0x314: {  	v2 =	vld [tilespmem:s31+$0x1A80];
	_ =	sdelay $0x1  }
0x315: {  	v1 =	vld [tilespmem:s24+$0x10];
	_ =	sdelay $0x2  }
0x316: {  	v2 =	vmul.f32 v2, v0;
	_ =	sdelay $0x1  }
0x317: {  	v2 =	vsub.f32 v2, v1;
	_ =	sdelay $0x1  }
0x318: {  	v2 =	vmul.f32 $1.442695020e+00, v2;
	_ =	sdelay $0x1  }
0x319: {  	(erf) = vpow2.f32 v2;
	_ =	sdelay $0x8  }
0x31a: {  	v2 =	vpop (erf)  }
0x31b: {  	v2 =	vadd.f32 $1.000000000e+00, v2;
	_ =	sdelay $0x1  }
0x31c: {  	(erf) = vrcp.f32 v2;
	_ =	sdelay $0x4  }
0x31d: {  	v3 =	vld [tilespmem:s24+$0x30];
	_ =	sdelay $0x1  }
0x31e: {  	v2 =	vld [tilespmem:s24+$0x20];
	_ =	sdelay $0x1  }
0x31f: {  	v4 =	vpop (erf)  }
0x320: {  	v4 =	vmul.f32 v4, v3;
	_ =	sdelay $0x1  }
0x321: {  	s30 =	simm.s32 $0x20;
	s24 =	simm.s32 $0x10;
	v4 =	vsub.f32 v2, v4  }
0x322: {  	s2 =	sand.u32 $0xFF00, s30;
	s0 =	simm.s32 $0x20;
	s24 =	sand.u32 $0x70, s24  }
.LBB2_72:
0x323: {  	p0 =	sne.s32 s0, $0x7FF0;
	[tilespmem:s31+$0x1A80] =	vst v4;
	s31 =	sor.u32 s24, s2  }
0x324: {  	v4 =	vld [tilespmem:s31+$0x1A80];
	_ =	sdelay $0x4  }
0x325: {  	v4 =	vmul.f32 v4, v0;
	_ =	sdelay $0x1  }
0x326: {  	v4 =	vsub.f32 v4, v1;
	_ =	sdelay $0x1  }
0x327: {  	v4 =	vmul.f32 $1.442695020e+00, v4;
	_ =	sdelay $0x1  }
0x328: {  	(erf) = vpow2.f32 v4;
	_ =	sdelay $0x8  }
0x329: {  	v4 =	vpop (erf)  }
0x32a: {  	v4 =	vadd.f32 $1.000000000e+00, v4;
	_ =	sdelay $0x1  }
0x32b: {  	(erf) = vrcp.f32 v4;
	_ =	sdelay $0x8  }
.Ltmp35:
0x32c: {  	v4 =	vpop (erf);
	(pc) =	sbr.rel @p0 .LBB2_72-.Ltmp35, $3  }
0x32d: {  	v4 =	vmul.f32 v4, v3;
	_ =	sdelay $0x1  }
0x32e: {  	s30 =	sadd.s32 $0x20, s30;
	v4 =	vsub.f32 v2, v4  }
0x32f: {  	s24 =	sand.u32 $0x70, s0;
	s0 =	sadd.s32 $0x10, s0;
	s2 =	sand.u32 $0xFF00, s30  }
0x330: {  	s2 =	sor.u32 s24, s2;
	[tilespmem:s31+$0x1A80] =	vst v4  }
0x331: {  	v4 =	vld [tilespmem:s2+$0x1A80];
	_ =	sdelay $0x4  }
0x332: {  	v0 =	vmul.f32 v4, v0;
	_ =	sdelay $0x1  }
0x333: {  	v0 =	vsub.f32 v0, v1;
	_ =	sdelay $0x1  }
0x334: {  	v0 =	vmul.f32 $1.442695020e+00, v0;
	_ =	sdelay $0x1  }
0x335: {  	(erf) = vpow2.f32 v0;
	_ =	sdelay $0x8  }
0x336: {  	v0 =	vpop (erf)  }
0x337: {  	v0 =	vadd.f32 $1.000000000e+00, v0;
	_ =	sdelay $0x1  }
0x338: {  	(erf) = vrcp.f32 v0;
	_ =	sdelay $0x8  }
0x339: {  	v0 =	vpop (erf)  }
0x33a: {  	v0 =	vmul.f32 v0, v3;
	_ =	sdelay $0x1  }
0x33b: {  	v0 =	vsub.f32 v2, v0  }
0x33c: {  	s0 =	simm.s32 $0x1A80  }
0x33d: {  	s30 =	simm.s32 $0x10;
	s31 =	simm.s32 $0x1B80;
	[tilespmem:s2+$0x1A80] =	vst v0;
	s2 =	sadd.s32 $0x0, s28  }
.LBB2_74:
0x33e: {  	[hbm4b:s2+s1] =	stream.linear.scatter [tilespmem:s0], [sflag:$0x2], $0x80, $0x38;
	[tilespmem:$0x11A00] =	vst v63  }
0x33f: {  	s2 =	smov.u32 s30;
	s0 =	smov.u32 s31;
	p0 =	sne.s32 s30, $0xFF0  }
.Ltmp36:
0x340: {  	s30 =	sadd.s32 $0x10, s30;
	(pc) =	sbr.rel @p0 .LBB2_74-.Ltmp36, $2  }
0x341: {  	_ =	sdelay $0x2  }
0x342: {  	s31 =	sadd.s32 $0x100, s31;
	s2 =	sadd.s32 s2, s28  }
0x343: {  	[hbm4b:s2+s1] =	stream.linear.scatter [tilespmem:s0], [sflag:$0x2], $0x80, $0x38;
	[tilespmem:$0x11A00] =	vst v63  }
0x344: {  	s24 =	simm.s32 $0x2  }
0x345: {  	_ =	swait.ge [sflag:s24], $0x8000  }
0x346: {  	[sflag:s24] =	ssyncset.done $0x0  }
0x347: {  	s0 =	simm.s32 $0x1;
	[sflag:s24] =	ssyncadd.s32 $0xFFFF8000  }
0x348: {  	s24 =	simm.s32 $0x0;
	_ =	swait.ge [sflag:s0], $0x8000  }
0x349: {  	s2 =	sand.u32 $0x70, s24;
	[sflag:s0] =	ssyncset.done $0x0  }
0x34a: {  	[sflag:s0] =	ssyncadd.s32 $0xFFFF8000;
	s0 =	sand.u32 $0xFF00, s24;
	s24 =	rddreg [dreg:$0x12]  }
0x34b: {  	v0 =	vld [tilespmem:s24+$0x0];
	s31 =	sor.u32 s2, s0  }
0x34c: {  	v2 =	vld [tilespmem:s31+$0x1A00];
	_ =	sdelay $0x1  }
0x34d: {  	v1 =	vld [tilespmem:s24+$0x10];
	_ =	sdelay $0x2  }
0x34e: {  	v2 =	vmul.f32 v2, v0;
	_ =	sdelay $0x1  }
0x34f: {  	v2 =	vsub.f32 v2, v1;
	_ =	sdelay $0x1  }
0x350: {  	v2 =	vmul.f32 $1.442695020e+00, v2;
	_ =	sdelay $0x1  }
0x351: {  	(erf) = vpow2.f32 v2;
	_ =	sdelay $0x8  }
0x352: {  	v2 =	vpop (erf)  }
0x353: {  	v2 =	vadd.f32 $1.000000000e+00, v2;
	_ =	sdelay $0x1  }
0x354: {  	(erf) = vrcp.f32 v2;
	_ =	sdelay $0x4  }
0x355: {  	v3 =	vld [tilespmem:s24+$0x30];
	_ =	sdelay $0x1  }
0x356: {  	v2 =	vld [tilespmem:s24+$0x20];
	_ =	sdelay $0x1  }
0x357: {  	v4 =	vpop (erf)  }
0x358: {  	v4 =	vmul.f32 v4, v3;
	_ =	sdelay $0x1  }
0x359: {  	s30 =	simm.s32 $0x20;
	s24 =	simm.s32 $0x10;
	v4 =	vsub.f32 v2, v4  }
0x35a: {  	s2 =	sand.u32 $0xFF00, s30;
	s0 =	simm.s32 $0x20;
	s24 =	sand.u32 $0x70, s24  }
.LBB2_76:
0x35b: {  	p0 =	sne.s32 s0, $0x7FF0;
	[tilespmem:s31+$0x1A00] =	vst v4;
	s31 =	sor.u32 s24, s2  }
0x35c: {  	v4 =	vld [tilespmem:s31+$0x1A00];
	_ =	sdelay $0x4  }
0x35d: {  	v4 =	vmul.f32 v4, v0;
	_ =	sdelay $0x1  }
0x35e: {  	v4 =	vsub.f32 v4, v1;
	_ =	sdelay $0x1  }
0x35f: {  	v4 =	vmul.f32 $1.442695020e+00, v4;
	_ =	sdelay $0x1  }
0x360: {  	(erf) = vpow2.f32 v4;
	_ =	sdelay $0x8  }
0x361: {  	v4 =	vpop (erf)  }
0x362: {  	v4 =	vadd.f32 $1.000000000e+00, v4;
	_ =	sdelay $0x1  }
0x363: {  	(erf) = vrcp.f32 v4;
	_ =	sdelay $0x8  }
.Ltmp37:
0x364: {  	v4 =	vpop (erf);
	(pc) =	sbr.rel @p0 .LBB2_76-.Ltmp37, $3  }
0x365: {  	v4 =	vmul.f32 v4, v3;
	_ =	sdelay $0x1  }
0x366: {  	s30 =	sadd.s32 $0x20, s30;
	v4 =	vsub.f32 v2, v4  }
0x367: {  	s24 =	sand.u32 $0x70, s0;
	s0 =	sadd.s32 $0x10, s0;
	s2 =	sand.u32 $0xFF00, s30  }
0x368: {  	s2 =	sor.u32 s24, s2;
	[tilespmem:s31+$0x1A00] =	vst v4  }
0x369: {  	v4 =	vld [tilespmem:s2+$0x1A00];
	_ =	sdelay $0x4  }
0x36a: {  	v0 =	vmul.f32 v4, v0;
	_ =	sdelay $0x1  }
0x36b: {  	v0 =	vsub.f32 v0, v1;
	_ =	sdelay $0x1  }
0x36c: {  	v0 =	vmul.f32 $1.442695020e+00, v0;
	_ =	sdelay $0x1  }
0x36d: {  	(erf) = vpow2.f32 v0;
	_ =	sdelay $0x8  }
0x36e: {  	v0 =	vpop (erf)  }
0x36f: {  	v0 =	vadd.f32 $1.000000000e+00, v0;
	_ =	sdelay $0x1  }
0x370: {  	(erf) = vrcp.f32 v0;
	_ =	sdelay $0x8  }
0x371: {  	v0 =	vpop (erf)  }
0x372: {  	v0 =	vmul.f32 v0, v3;
	_ =	sdelay $0x1  }
0x373: {  	v0 =	vsub.f32 v2, v0  }
0x374: {  	s0 =	simm.s32 $0x1A00  }
0x375: {  	s30 =	simm.s32 $0x10;
	s31 =	simm.s32 $0x1B00;
	[tilespmem:s2+$0x1A00] =	vst v0;
	s2 =	sadd.s32 $0x0, s29  }
.LBB2_78:
0x376: {  	[hbm4b:s2+s1] =	stream.linear.scatter [tilespmem:s0], [sflag:$0x1], $0x80, $0x38;
	[tilespmem:$0x11A00] =	vst v63  }
0x377: {  	s2 =	smov.u32 s30;
	s0 =	smov.u32 s31;
	p0 =	sne.s32 s30, $0xFF0  }
.Ltmp38:
0x378: {  	s30 =	sadd.s32 $0x10, s30;
	(pc) =	sbr.rel @p0 .LBB2_78-.Ltmp38, $2  }
0x379: {  	_ =	sdelay $0x2  }
0x37a: {  	s31 =	sadd.s32 $0x100, s31;
	s2 =	sadd.s32 s2, s29  }
0x37b: {  	[hbm4b:s2+s1] =	stream.linear.scatter [tilespmem:s0], [sflag:$0x1], $0x80, $0x38;
	[tilespmem:$0x11A00] =	vst v63  }
0x37c: {  	s24 =	simm.s32 $0x1  }
0x37d: {  	_ =	swait.ge [sflag:s24], $0x8000  }
0x37e: {  	s30 =	rddreg [dreg:$0x14]  }
0x37f: {  	s31 =	rddreg [dreg:$0x13];
	s30 =	sadd.s32 $0x1, s30  }
0x380: {  	p0 =	sne.s32 s30, s31  }
.Ltmp39:
0x381: {  	_ = 	snop;
	(pc) =	sbr.rel @p0 .LBB2_1-.Ltmp39, $3  }
0x382: {  	_ =	sdelay $0x1  }
0x383: {  	[sflag:s24] =	ssyncset.done $0x0  }
0x384: {  	[sflag:s24] =	ssyncadd.s32 $0xFFFF8000;
	s24 =	rddreg [dreg:$0x4]  }
0x385: {  	_ =	sfence.sel $0x180000  }
0x386: {  	[bflag:$0x0] =	sbarrier.arrive $0xFFFF  }
0x387: {  	_ =	strace $0x90000047  }
0x388: {  	s0 =	stileid.u32;
	[bflag:$0x2] =	sbarrier.arrive $0xFFFF  }
0x389: {  	p0 =	sne.s32 s0, $0x0;
	s0 =	rddreg [dreg:$0x3]  }
0x38a: {  	s0 =	sadd.s32 @!p0 $0x100000, s0  }
0x38b: {  	[sflag:s0] =	ssyncadd.tile.s32 @!p0 $0x1;
	_ =	shalt  }
.Lfunc_end2:
_tile_overlayer_lowered:
.L_overlay_start_2:
0x38c: {  	(tag) =	ssettag $0x2  }
0x38d: {  	s0 =	rddreg [dreg:$0x0];
	s2 =	stileid.u32  }
0x38e: {  	s1 =	rddreg [dreg:$0x1];
	p0 =	sne.s32 s2, $0x0  }
0x38f: {  	s3 =	rddreg [dreg:$0x2];
	[bflag:$0x3] =	sbarrier.arrive $0xFFFF;
	s2 =	simm.s32 @!p0 $0x1C03  }
0x390: {  	[timem:s3], [sflag:s2] =	dma.local @!p0 [hbm:s0], s1  }
0x391: {  	s0 =	simm.s32 @!p0 $0x3  }
0x392: {  	_ =	swait.ge @!p0 [sflag:s0], s1  }
0x393: {  	s1 =	ssub.s32 @!p0 $0x0, s1;
	[sflag:s0] =	ssyncset.done @!p0 $0x0  }
0x394: {  	[sflag:s0] =	ssyncadd.s32 @!p0 s1  }
0x395: {  	[bflag:$0x3] =	sbarrier.arrive $0xFFFF  }
0x396: {  	_ =	shalt  }

</sc_bundles>
